<compile_context>
chip_gen: v7x
topology: tpu7x:2x2x1
jax: 0.10.2.dev20260603
libtpu: 0.0.44.dev20260713+nightly
codegen_flags: <defaults>
</compile_context>

<pallas_src>
import functools

import jax
import jax.numpy as jnp
from jax import lax
from jax.experimental import pallas as pl
from jax.experimental.pallas import tpu as pltpu
from jax.experimental.pallas import tpu_sc as plsc

N = 10000
E = 160000
E_LG = 320000
F_IN = 256
H_DIM = 512
OUT = 256

RB_E = 1600
RB_N = 2000


def _leaky(x):
    return jnp.where(x >= 0, x, 0.2 * x)



def _k1_body(et_ref, w_ref, out_ref):
    out_ref[...] = _leaky(jnp.dot(et_ref[...], w_ref[...],
                                  preferred_element_type=jnp.float32)
                          ).astype(jnp.bfloat16)


def k1_h(et, W_tin):
    R = RB_E
    return pl.pallas_call(
        _k1_body,
        grid=(E // R,),
        in_specs=[
            pl.BlockSpec((R, 64), lambda i: (i, 0)),
            pl.BlockSpec((64, H_DIM), lambda i: (0, 0)),
        ],
        out_specs=pl.BlockSpec((R, H_DIM), lambda i: (i, 0)),
        out_shape=jax.ShapeDtypeStruct((E, H_DIM), jnp.bfloat16),
    )(et, W_tin)



def _k2_body(agg_ref, deg_ref, h_ref, wnb_ref, wself_ref, *out_refs):
    rrecip = 1.0 / jnp.maximum(deg_ref[:, 0:1], 1.0)
    aggn = agg_ref[...].astype(jnp.float32) * rrecip
    h = h_ref[...].astype(jnp.float32)
    for c in range(4):
        cs = slice(c * 128, (c + 1) * 128)
        out_refs[c][...] = jnp.maximum(
            jnp.dot(aggn, wnb_ref[:, cs], preferred_element_type=jnp.float32)
            + jnp.dot(h, wself_ref[:, cs], preferred_element_type=jnp.float32),
            0.0)


def k2_tsae(agg, deg16, h, W_tnb, W_tself, epad):
    R = RB_E
    return pl.pallas_call(
        _k2_body,
        grid=(E // R,),
        in_specs=[
            pl.BlockSpec((R, H_DIM), lambda i: (i, 0)),
            pl.BlockSpec((R, 16), lambda i: (i, 0)),
            pl.BlockSpec((R, H_DIM), lambda i: (i, 0)),
            pl.BlockSpec((H_DIM, H_DIM), lambda i: (0, 0)),
            pl.BlockSpec((H_DIM, H_DIM), lambda i: (0, 0)),
        ],
        out_specs=[pl.BlockSpec((R, 128), lambda i: (i, 0))] * 4,
        out_shape=[jax.ShapeDtypeStruct((epad, 128), jnp.float32)] * 4,
    )(agg, deg16, h, W_tnb, W_tself)



def _k3_body(p_ref, wetn_ref, weg_ref, out_ref):
    acc = None
    for c in range(4):
        nfe_c = p_ref[0, c] + p_ref[1, c]
        ks = slice(c * 128, (c + 1) * 128)
        term = jnp.dot(nfe_c, wetn_ref[ks, :], preferred_element_type=jnp.float32)
        acc = term if acc is None else acc + term
    t = _leaky(acc)
    out_ref[...] = jnp.dot(t, weg_ref[...], preferred_element_type=jnp.float32)


def k3_edge_repr(P, W_etn, W_eg):
    R = RB_N
    return pl.pallas_call(
        _k3_body,
        grid=(N // R,),
        in_specs=[
            pl.BlockSpec((2, 4, R, 128), lambda i: (0, 0, i, 0)),
            pl.BlockSpec((H_DIM, H_DIM), lambda i: (0, 0)),
            pl.BlockSpec((H_DIM, H_DIM), lambda i: (0, 0)),
        ],
        out_specs=pl.BlockSpec((R, H_DIM), lambda i: (i, 0)),
        out_shape=jax.ShapeDtypeStruct((N, H_DIM), jnp.float32),
    )(P, W_etn, W_eg)



def _k4_body(x_ref, q_ref, rdeg_ref, wself_ref, wnb_ref, out_ref, *outch_refs):
    rrecip = 1.0 / jnp.maximum(rdeg_ref[0, :, 0:1] + rdeg_ref[1, :, 0:1], 1.0)
    acc = jnp.dot(x_ref[...], wself_ref[...], preferred_element_type=jnp.float32)
    for c in range(2):
        m1_c = (q_ref[0, c] + q_ref[1, c]) * rrecip
        ks = slice(c * 128, (c + 1) * 128)
        acc = acc + jnp.dot(m1_c, wnb_ref[ks, :], preferred_element_type=jnp.float32)
    h1 = jnp.maximum(acc, 0.0)
    out_ref[...] = h1
    for c in range(4):
        outch_refs[c][...] = h1[:, c * 128:(c + 1) * 128]


def k4_h1(x, Q, rdeg, W_s1_self, W_s1_nb):
    R = RB_N
    return pl.pallas_call(
        _k4_body,
        grid=(N // R,),
        in_specs=[
            pl.BlockSpec((R, F_IN), lambda i: (i, 0)),
            pl.BlockSpec((2, 2, R, 128), lambda i: (0, 0, i, 0)),
            pl.BlockSpec((2, R, 128), lambda i: (0, i, 0)),
            pl.BlockSpec((F_IN, H_DIM), lambda i: (0, 0)),
            pl.BlockSpec((F_IN, H_DIM), lambda i: (0, 0)),
        ],
        out_specs=[pl.BlockSpec((R, H_DIM), lambda i: (i, 0))]
        + [pl.BlockSpec((R, 128), lambda i: (i, 0))] * 4,
        out_shape=[jax.ShapeDtypeStruct((N, H_DIM), jnp.float32)]
        + [jax.ShapeDtypeStruct((N, 128), jnp.float32)] * 4,
    )(x, Q, rdeg, W_s1_self, W_s1_nb)



def _k5_body(h1_ref, r_ref, rdeg_ref, er_ref, wself_ref, wnb_ref,
             an_ref, ae_ref, wmix_ref, wout_ref, out_ref):
    rrecip = 1.0 / jnp.maximum(rdeg_ref[0, :, 0:1] + rdeg_ref[1, :, 0:1], 1.0)
    acc = jnp.dot(h1_ref[...], wself_ref[...], preferred_element_type=jnp.float32)
    for c in range(4):
        m2_c = (r_ref[0, c] + r_ref[1, c]) * rrecip
        ks = slice(c * 128, (c + 1) * 128)
        acc = acc + jnp.dot(m2_c, wnb_ref[ks, :], preferred_element_type=jnp.float32)
    node = jnp.maximum(acc, 0.0)
    edge = er_ref[...]
    sn = jnp.dot(node, an_ref[...], preferred_element_type=jnp.float32)
    se = jnp.dot(edge, ae_ref[...], preferred_element_type=jnp.float32)
    m = jnp.maximum(sn, se)
    en = jnp.exp(sn - m)
    ee = jnp.exp(se - m)
    inv = 1.0 / (en + ee)
    mixed = (en * inv) * node + (ee * inv) * edge
    o = jnp.dot(mixed, wmix_ref[...], preferred_element_type=jnp.float32)
    logits = jnp.dot(o, wout_ref[...], preferred_element_type=jnp.float32)
    mx = jnp.max(logits, axis=1, keepdims=True)
    lse = mx + jnp.log(jnp.sum(jnp.exp(logits - mx), axis=1, keepdims=True))
    out_ref[...] = logits - lse


def k5_head(h1, Rm2, rdeg, edge_repr, W_s2_self, W_s2_nb, a_n, a_e, W_mix, W_out):
    a_n = a_n.reshape(H_DIM, 1)
    a_e = a_e.reshape(H_DIM, 1)
    R = RB_N
    return pl.pallas_call(
        _k5_body,
        grid=(N // R,),
        in_specs=[
            pl.BlockSpec((R, H_DIM), lambda i: (i, 0)),
            pl.BlockSpec((2, 4, R, 128), lambda i: (0, 0, i, 0)),
            pl.BlockSpec((2, R, 128), lambda i: (0, i, 0)),
            pl.BlockSpec((R, H_DIM), lambda i: (i, 0)),
            pl.BlockSpec((H_DIM, H_DIM), lambda i: (0, 0)),
            pl.BlockSpec((H_DIM, H_DIM), lambda i: (0, 0)),
            pl.BlockSpec((H_DIM, 1), lambda i: (0, 0)),
            pl.BlockSpec((H_DIM, 1), lambda i: (0, 0)),
            pl.BlockSpec((H_DIM, H_DIM), lambda i: (0, 0)),
            pl.BlockSpec((H_DIM, OUT), lambda i: (0, 0)),
        ],
        out_specs=pl.BlockSpec((R, OUT), lambda i: (i, 0)),
        out_shape=jax.ShapeDtypeStruct((N, OUT), jnp.float32),
    )(h1, Rm2, rdeg, edge_repr, W_s2_self, W_s2_nb, a_n, a_e, W_mix, W_out)



NTILE = 32
EBLK = 64
NR_ACC = 10240
ZPT = NR_ACC // 16


def _pad_idx(idx, n_pad, pad_val):
    idx = idx.astype(jnp.int32)
    pad = jnp.full((n_pad - idx.shape[0],), pad_val, jnp.int32)
    return jnp.concatenate([idx, pad])


def _sc_gather_segsum(nch, want_deg, ept, linear2):
    mesh = plsc.VectorSubcoreMesh(core_axis_name="c", subcore_axis_name="s")
    nblk = ept // EBLK
    assert nblk % 2 == 0
    npass = nch + (1 if want_deg else 0)

    def body(*refs):
        tbls = refs[:nch]
        (src_hbm, dst_hbm, dst2_hbm, zeros_hbm, ones_hbm, p_hbm, deg_hbm,
         acc, srcall, dstall, dst2all, rows0, rows1,
         sem0, sem1, semi) = refs[nch:]
        core = lax.axis_index("c")
        sid = lax.axis_index("s")
        wid = core * 16 + sid
        row0 = pl.multiple_of(sid * ZPT, 8)
        ebase = pl.multiple_of(wid * ept, 8)

        def stage(j, cy):
            eoff = pl.multiple_of(ebase + j * EBLK, 8)
            pltpu.async_copy(dst_hbm.at[pl.ds(eoff, EBLK)], dstall.at[j], semi)
            if linear2:
                pltpu.async_copy(dst2_hbm.at[pl.ds(eoff, EBLK)],
                                 dst2all.at[j], semi)
            else:
                pltpu.async_copy(src_hbm.at[pl.ds(eoff, EBLK)],
                                 srcall.at[j], semi)
            return cy

        def drain(j, cy):
            eoff = pl.multiple_of(ebase + j * EBLK, 8)
            pltpu.make_async_copy(dst_hbm.at[pl.ds(eoff, EBLK)],
                                  dstall.at[j], semi).wait()
            if linear2:
                pltpu.make_async_copy(dst2_hbm.at[pl.ds(eoff, EBLK)],
                                      dst2all.at[j], semi).wait()
            else:
                pltpu.make_async_copy(src_hbm.at[pl.ds(eoff, EBLK)],
                                      srcall.at[j], semi).wait()
            return cy

        lax.fori_loop(0, nblk, stage, 0)
        lax.fori_loop(0, nblk, drain, 0)

        for c in range(npass):
            is_deg = want_deg and c == nch

            def start_gather(g, buf, sem):
                if linear2:
                    eoff = pl.multiple_of(ebase + g * EBLK, 8)
                    pltpu.async_copy(tbls[min(c, nch - 1)]
                                     .at[pl.ds(eoff, EBLK)], buf, sem)
                else:
                    pltpu.async_copy(tbls[min(c, nch - 1)].at[srcall.at[g]],
                                     buf, sem)

            def wait_gather(buf, sem):
                if linear2:
                    pltpu.make_async_copy(
                        tbls[min(c, nch - 1)].at[pl.ds(0, EBLK)], buf,
                        sem).wait()
                else:
                    pltpu.make_async_copy(
                        tbls[min(c, nch - 1)].at[srcall.at[0]], buf,
                        sem).wait()

            def scat(buf, g, idx2d):
                pltpu.sync_copy(buf, acc.at[idx2d.at[g]], add=True)

            pltpu.sync_copy(zeros_hbm, rows1)
            for r in range(ZPT // EBLK):
                pltpu.sync_copy(rows1, acc.at[pl.ds(row0 + r * EBLK, EBLK)])
            plsc.subcore_barrier()

            if is_deg:
                pltpu.sync_copy(ones_hbm, rows0)

                def dblk(g, cy):
                    scat(rows0, g, dstall)
                    return cy

                lax.fori_loop(0, nblk, dblk, 0)
            else:
                start_gather(0, rows0, sem0)

                def pblk(i, cy):
                    g0 = 2 * i
                    g1 = 2 * i + 1
                    start_gather(g1, rows1, sem1)
                    wait_gather(rows0, sem0)
                    scat(rows0, g0, dstall)
                    if linear2:
                        scat(rows0, g0, dst2all)

                    @pl.when(g0 + 2 < nblk)
                    def _():
                        start_gather(g0 + 2, rows0, sem0)

                    wait_gather(rows1, sem1)
                    scat(rows1, g1, dstall)
                    if linear2:
                        scat(rows1, g1, dst2all)
                    return cy

                lax.fori_loop(0, nblk // 2, pblk, 0)
            plsc.subcore_barrier()
            if is_deg:
                doff = pl.multiple_of(core * NR_ACC + row0, 8)
                pltpu.sync_copy(acc.at[pl.ds(row0, ZPT)],
                                deg_hbm.at[pl.ds(doff, ZPT)])
            else:
                poff = pl.multiple_of((core * nch + c) * NR_ACC + row0, 8)
                pltpu.sync_copy(acc.at[pl.ds(row0, ZPT)],
                                p_hbm.at[pl.ds(poff, ZPT)])

    out_type = [jax.ShapeDtypeStruct((2 * nch * NR_ACC, 128), jnp.float32),
                jax.ShapeDtypeStruct((2 * NR_ACC, 128), jnp.float32)]
    scratch = [
        pltpu.VMEM_SHARED((NR_ACC, 128), jnp.float32),
        pltpu.VMEM((nblk, EBLK), jnp.int32),
        pltpu.VMEM((nblk, EBLK), jnp.int32),
        pltpu.VMEM((nblk, EBLK), jnp.int32),
        pltpu.VMEM((EBLK, 128), jnp.float32),
        pltpu.VMEM((EBLK, 128), jnp.float32),
        pltpu.SemaphoreType.DMA,
        pltpu.SemaphoreType.DMA,
        pltpu.SemaphoreType.DMA,
    ]
    return mesh, body, out_type, scratch


@functools.partial(jax.jit, static_argnums=(4, 5))
def _sc_segsum_call(tbls, src_pad, dst_pad, dst2_pad, want_deg, linear2):
    nch = len(tbls)
    ept = dst_pad.shape[0] // NTILE
    mesh, body, out_type, scratch = _sc_gather_segsum(nch, want_deg, ept,
                                                      linear2)
    zeros = jnp.zeros((EBLK, 128), jnp.float32)
    ones = jnp.ones((EBLK, 128), jnp.float32)
    k = pl.kernel(body, out_type=out_type, mesh=mesh, scratch_types=scratch)
    p, deg = k(*tbls, src_pad, dst_pad, dst2_pad, zeros, ones)
    return (p.reshape(2, nch, NR_ACC, 128), deg.reshape(2, NR_ACC, 128))



def _segsum_rows(rows, dst, num_segments):
    return jnp.zeros((num_segments, rows.shape[1]), jnp.float32).at[dst].add(rows)


def kernel(x, et, H, raw_edge_index, lg_edge_index, W_tin, W_tself, W_tnb,
           W_etn, W_eg, W_s1_self, W_s1_nb, W_s2_self, W_s2_nb, a_n, a_e,
           W_mix, W_out):
    nblk_e = -(-E // (NTILE * EBLK))
    nblk_e += nblk_e % 2
    n_epad = NTILE * EBLK * nblk_e

    h = k1_h(et, W_tin)

    src = lg_edge_index[0]
    dst = lg_edge_index[1]
    agg = jnp.zeros((E, H_DIM), jnp.bfloat16).at[dst].add(h[src])
    deg = jnp.zeros((E,), jnp.float32).at[dst].add(1.0)
    deg16 = jnp.broadcast_to(deg[:, None], (E, 16))

    t_ch = k2_tsae(agg, deg16, h, W_tnb, W_tself, n_epad)

    h0_pad = _pad_idx(H[0], n_epad, N)
    h1_pad = _pad_idx(H[1], n_epad, N)
    P, _ = _sc_segsum_call(tuple(t_ch), h0_pad, h0_pad, h1_pad, False, True)

    edge_repr = k3_edge_repr(P, W_etn, W_eg)

    rs = raw_edge_index[0]
    rd = raw_edge_index[1]
    rs_pad = _pad_idx(rs, n_epad, 0)
    rd_pad = _pad_idx(rd, n_epad, N)
    x_ch = x.reshape(N, 2, 128).transpose(1, 0, 2)
    Q, rdeg_p = _sc_segsum_call((x_ch[0], x_ch[1]), rs_pad, rd_pad, rd_pad,
                                True, False)

    h1, *h1_ch = k4_h1(x, Q, rdeg_p, W_s1_self, W_s1_nb)

    Rm2, _ = _sc_segsum_call(tuple(h1_ch), rs_pad, rd_pad, rd_pad,
                             False, False)

    return k5_head(h1, Rm2, rdeg_p, edge_repr, W_s2_self, W_s2_nb,
                   a_n, a_e, W_mix, W_out)

# --- scband reference (transcript-rebuilt; emitter-appended) ---
"""Pipeline reference for scband-node-edge-aggregator-v2-without-edge-aggr-58944131170468 (READ-ONLY COPY).

The authoritative reference and input builder live on the scoring server;
editing this copy changes nothing except your own understanding.
"""

import jax, jax.numpy as jnp
import numpy as np

N = 10000
E = 160000
E_LG = 320000
F_IN = 256
T_DIM = 64
H_DIM = 512
OUT = 256

def glorot(key, shape):
    limit = float(np.sqrt(6.0 / (shape[0] + shape[1])))
    return jax.random.uniform(key, shape, jnp.float32, -limit, limit)

def setup_inputs(seed: int = 0):
    key = jax.random.key(seed)
    ks = jax.random.split(key, 20)
    inp = {}
    inp["x"] = jax.random.normal(ks[0], (N, F_IN), jnp.float32)
    inp["et"] = jax.random.normal(ks[1], (E, T_DIM), jnp.float32)
    inp["H"] = jax.random.randint(ks[2], (2, E), 0, N)
    inp["raw_edge_index"] = jax.random.randint(ks[3], (2, E), 0, N)
    inp["lg_edge_index"] = jax.random.randint(ks[4], (2, E_LG), 0, E)
    inp["W_tin"] = glorot(ks[5], (T_DIM, H_DIM))
    inp["W_tself"] = glorot(ks[6], (H_DIM, H_DIM))
    inp["W_tnb"] = glorot(ks[7], (H_DIM, H_DIM))
    inp["W_etn"] = glorot(ks[8], (H_DIM, H_DIM))
    inp["W_eg"] = glorot(ks[9], (H_DIM, H_DIM))
    inp["W_s1_self"] = glorot(ks[10], (F_IN, H_DIM))
    inp["W_s1_nb"] = glorot(ks[11], (F_IN, H_DIM))
    inp["W_s2_self"] = glorot(ks[12], (H_DIM, H_DIM))
    inp["W_s2_nb"] = glorot(ks[13], (H_DIM, H_DIM))
    inp["a_n"] = jax.random.normal(ks[14], (H_DIM,), jnp.float32) * 0.1
    inp["a_e"] = jax.random.normal(ks[15], (H_DIM,), jnp.float32) * 0.1
    inp["W_mix"] = glorot(ks[16], (H_DIM, H_DIM))
    inp["W_out"] = glorot(ks[17], (H_DIM, OUT))
    return inp

def _forward(x, et, W_tin, W_tself, W_tnb, W_etn, W_eg, W_s1_self, W_s1_nb, W_s2_self, W_s2_nb, a_n, a_e, W_mix, W_out, H, raw_edge_index, lg_edge_index):
    # EdgeGCN: TSAEncoder on line graph (edges as nodes)
    h = jax.nn.leaky_relu(et @ W_tin, 0.2)
    src = lg_edge_index[0]
    dst = lg_edge_index[1]
    agg = jax.ops.segment_sum(h[src], dst, num_segments=E)
    deg = jax.ops.segment_sum(jnp.ones((E_LG,), jnp.float32), dst, num_segments=E)
    agg = agg / jnp.maximum(deg, 1.0)[:, None]
    tsae = jax.nn.relu(agg @ W_tnb + h @ W_tself)
    # EdgeToNodeConv: scatter edge reps to incident nodes via incidence H (both endpoints)
    node_from_edges = jnp.zeros((N, H_DIM), jnp.float32).at[H[0]].add(tsae).at[H[1]].add(tsae)
    etn = jax.nn.leaky_relu(node_from_edges @ W_etn, 0.2)
    edge_repr = etn @ W_eg
    # SAGE (2 layers, mean aggregation) on raw node graph
    rs = raw_edge_index[0]
    rd = raw_edge_index[1]
    rdeg = jnp.maximum(jax.ops.segment_sum(jnp.ones((E,), jnp.float32), rd, num_segments=N), 1.0)[:, None]
    m1 = jax.ops.segment_sum(x[rs], rd, num_segments=N) / rdeg
    h1 = jax.nn.relu(x @ W_s1_self + m1 @ W_s1_nb)
    m2 = jax.ops.segment_sum(h1[rs], rd, num_segments=N) / rdeg
    node_repr = jax.nn.relu(h1 @ W_s2_self + m2 @ W_s2_nb)
    # MixAttention over the two representations
    sn = node_repr @ a_n
    se = edge_repr @ a_e
    alpha = jax.nn.softmax(jnp.stack([sn, se], axis=-1), axis=-1)
    mixed = alpha[:, 0:1] * node_repr + alpha[:, 1:2] * edge_repr
    out = mixed @ W_mix
    logits = out @ W_out
    return jax.nn.log_softmax(logits, axis=1)

def reference(x, et, H, raw_edge_index, lg_edge_index, W_tin, W_tself, W_tnb, W_etn, W_eg, W_s1_self, W_s1_nb, W_s2_self, W_s2_nb, a_n, a_e, W_mix, W_out):
    return _forward(x, et, W_tin, W_tself, W_tnb, W_etn, W_eg, W_s1_self, W_s1_nb, W_s2_self, W_s2_nb, a_n, a_e, W_mix, W_out, H, raw_edge_index, lg_edge_index)

if __name__ == "__main__":
    import jax
    _d = setup_inputs()
    print(jax.jit(kernel)(*tuple(_d.values())))

</pallas_src>

<mosaic_0001>
#map = affine_map<(d0, d1) -> (0, 0)>
#map1 = affine_map<(d0, d1) -> (0)>
module attributes {stable_mosaic.version = 14 : i64} {
  func.func @body(%arg0: i32, %arg1: i32, %arg2: memref<163840x128xf32, #tpu.memory_space<hbm>>, %arg3: memref<163840x128xf32, #tpu.memory_space<hbm>>, %arg4: memref<163840x128xf32, #tpu.memory_space<hbm>>, %arg5: memref<163840x128xf32, #tpu.memory_space<hbm>>, %arg6: memref<163840xi32, #tpu.memory_space<hbm>>, %arg7: memref<163840xi32, #tpu.memory_space<hbm>>, %arg8: memref<163840xi32, #tpu.memory_space<hbm>>, %arg9: memref<64x128xf32, #tpu.memory_space<hbm>>, %arg10: memref<64x128xf32, #tpu.memory_space<hbm>>, %arg11: memref<81920x128xf32, #tpu.memory_space<hbm>>, %arg12: memref<20480x128xf32, #tpu.memory_space<hbm>>, %arg13: memref<10240x128xf32, #tpu.memory_space<vmem_shared>>, %arg14: memref<80x64xi32, #tpu.memory_space<vmem>>, %arg15: memref<80x64xi32, #tpu.memory_space<vmem>>, %arg16: memref<80x64xi32, #tpu.memory_space<vmem>>, %arg17: memref<64x128xf32, #tpu.memory_space<vmem>>, %arg18: memref<64x128xf32, #tpu.memory_space<vmem>>, %arg19: memref<!tpu.dma_semaphore, #tpu.memory_space<semaphore_mem>>, %arg20: memref<!tpu.dma_semaphore, #tpu.memory_space<semaphore_mem>>, %arg21: memref<!tpu.dma_semaphore, #tpu.memory_space<semaphore_mem>>) attributes {dimension_semantics = [#tpu.dimension_semantics<core_parallel>, #tpu.dimension_semantics<subcore_parallel>], iteration_bounds = array<i64: 2, 16>, scalar_prefetch = 0 : i64, scratch_operands = 9 : i64, tpu.core_type = #tpu.core_type<sc_vector_subcore>, window_params = [{transform_indices = #map}, {transform_indices = #map}, {transform_indices = #map}, {transform_indices = #map}, {transform_indices = #map1}, {transform_indices = #map1}, {transform_indices = #map1}, {transform_indices = #map}, {transform_indices = #map}, {transform_indices = #map}, {transform_indices = #map}]} {
    %mul3A = arith.constant 16 : i32
    %mul3A_0 = arith.muli %arg0, %mul3A : i32
    %add3A = arith.addi %mul3A_0, %arg1 : i32
    %mul3A_1 = arith.constant 640 : i32
    %mul3A_2 = arith.muli %arg1, %mul3A_1 : i32
    %multiple_of3A = tpu.assume_multiple %mul3A_2, 8 : i32
    %mul3A_3 = arith.constant 5120 : i32
    %mul3A_4 = arith.muli %add3A, %mul3A_3 : i32
    %multiple_of3A_5 = tpu.assume_multiple %mul3A_4, 8 : i32
    %scan3A = arith.constant 0 : i32
    %scan3A_6 = arith.constant 0 : i32
    %scan3A_7 = arith.constant 80 : i32
    %scan3A_8 = arith.addi %scan3A_6, %scan3A_7 : i32
    %scan3A_9 = arith.constant 1 : i32
    scf.for %scan3A_187 = %scan3A_6 to %scan3A_8 step %scan3A_9  : i32 {
      %mul3A_188 = arith.constant 64 : i32
      %mul3A_189 = arith.muli %scan3A_187, %mul3A_188 : i32
      %add3A_190 = arith.addi %multiple_of3A_5, %mul3A_189 : i32
      %multiple_of3A_191 = tpu.assume_multiple %add3A_190, 8 : i32
      %dma_start3A_192 = arith.constant 0 : i32
      %dma_start3A_193 = tpu.memref_slice %arg15[%scan3A_187, %dma_start3A_192] : memref<80x64xi32, #tpu.memory_space<vmem>> -> memref<1x64xi32, #tpu.memory_space<vmem>>
      %dma_start3A_194 = tpu.memref_squeeze %dma_start3A_193 : memref<1x64xi32, #tpu.memory_space<vmem>> -> memref<64xi32, #tpu.memory_space<vmem>>
      %dma_start3A_195 = tpu.memref_slice %arg7[%multiple_of3A_191] : memref<163840xi32, #tpu.memory_space<hbm>> -> memref<64xi32, #tpu.memory_space<hbm>>
      %dma_start3A_196 = arith.constant 0 : i32
      %dma_start3A_197 = tpu.memref_slice %arg15[%scan3A_187, %dma_start3A_196] : memref<80x64xi32, #tpu.memory_space<vmem>> -> memref<1x64xi32, #tpu.memory_space<vmem>>
      %dma_start3A_198 = tpu.memref_squeeze %dma_start3A_197 : memref<1x64xi32, #tpu.memory_space<vmem>> -> memref<64xi32, #tpu.memory_space<vmem>>
      %dma_start3A_199 = tpu.memref_slice %arg7[%multiple_of3A_191] : memref<163840xi32, #tpu.memory_space<hbm>> -> memref<64xi32, #tpu.memory_space<hbm>>
      tpu.enqueue_dma source(%dma_start3A_199 : memref<64xi32, #tpu.memory_space<hbm>>) target(%dma_start3A_198 : memref<64xi32, #tpu.memory_space<vmem>>) target_semaphore(%arg21 : memref<!tpu.dma_semaphore, #tpu.memory_space<semaphore_mem>>)
      %dma_start3A_200 = arith.constant 0 : i32
      %dma_start3A_201 = tpu.memref_slice %arg16[%scan3A_187, %dma_start3A_200] : memref<80x64xi32, #tpu.memory_space<vmem>> -> memref<1x64xi32, #tpu.memory_space<vmem>>
      %dma_start3A_202 = tpu.memref_squeeze %dma_start3A_201 : memref<1x64xi32, #tpu.memory_space<vmem>> -> memref<64xi32, #tpu.memory_space<vmem>>
      %dma_start3A_203 = tpu.memref_slice %arg8[%multiple_of3A_191] : memref<163840xi32, #tpu.memory_space<hbm>> -> memref<64xi32, #tpu.memory_space<hbm>>
      %dma_start3A_204 = arith.constant 0 : i32
      %dma_start3A_205 = tpu.memref_slice %arg16[%scan3A_187, %dma_start3A_204] : memref<80x64xi32, #tpu.memory_space<vmem>> -> memref<1x64xi32, #tpu.memory_space<vmem>>
      %dma_start3A_206 = tpu.memref_squeeze %dma_start3A_205 : memref<1x64xi32, #tpu.memory_space<vmem>> -> memref<64xi32, #tpu.memory_space<vmem>>
      %dma_start3A_207 = tpu.memref_slice %arg8[%multiple_of3A_191] : memref<163840xi32, #tpu.memory_space<hbm>> -> memref<64xi32, #tpu.memory_space<hbm>>
      tpu.enqueue_dma source(%dma_start3A_207 : memref<64xi32, #tpu.memory_space<hbm>>) target(%dma_start3A_206 : memref<64xi32, #tpu.memory_space<vmem>>) target_semaphore(%arg21 : memref<!tpu.dma_semaphore, #tpu.memory_space<semaphore_mem>>)
    }
    %scan3A_10 = arith.constant 80 : i32
    %scan3A_11 = arith.constant 0 : i32
    %scan3A_12 = arith.constant 0 : i32
    %scan3A_13 = arith.constant 80 : i32
    %scan3A_14 = arith.addi %scan3A_12, %scan3A_13 : i32
    %scan3A_15 = arith.constant 1 : i32
    scf.for %scan3A_187 = %scan3A_12 to %scan3A_14 step %scan3A_15  : i32 {
      %mul3A_188 = arith.constant 64 : i32
      %mul3A_189 = arith.muli %scan3A_187, %mul3A_188 : i32
      %add3A_190 = arith.addi %multiple_of3A_5, %mul3A_189 : i32
      %multiple_of3A_191 = tpu.assume_multiple %add3A_190, 8 : i32
      %dma_wait3A = arith.constant 0 : i32
      %dma_wait3A_192 = tpu.memref_slice %arg15[%scan3A_187, %dma_wait3A] : memref<80x64xi32, #tpu.memory_space<vmem>> -> memref<1x64xi32, #tpu.memory_space<vmem>>
      %dma_wait3A_193 = tpu.memref_squeeze %dma_wait3A_192 : memref<1x64xi32, #tpu.memory_space<vmem>> -> memref<64xi32, #tpu.memory_space<vmem>>
      %dma_wait3A_194 = tpu.memref_slice %arg7[%multiple_of3A_191] : memref<163840xi32, #tpu.memory_space<hbm>> -> memref<64xi32, #tpu.memory_space<hbm>>
      %dma_wait3A_195 = arith.constant 0 : i32
      %dma_wait3A_196 = tpu.memref_slice %arg15[%scan3A_187, %dma_wait3A_195] : memref<80x64xi32, #tpu.memory_space<vmem>> -> memref<1x64xi32, #tpu.memory_space<vmem>>
      %dma_wait3A_197 = tpu.memref_squeeze %dma_wait3A_196 : memref<1x64xi32, #tpu.memory_space<vmem>> -> memref<64xi32, #tpu.memory_space<vmem>>
      %dma_wait3A_198 = tpu.memref_slice %arg7[%multiple_of3A_191] : memref<163840xi32, #tpu.memory_space<hbm>> -> memref<64xi32, #tpu.memory_space<hbm>>
      tpu.wait_dma2 semaphore(%arg21 : memref<!tpu.dma_semaphore, #tpu.memory_space<semaphore_mem>>) src(%dma_wait3A_198 : memref<64xi32, #tpu.memory_space<hbm>>) dst(%dma_wait3A_197 : memref<64xi32, #tpu.memory_space<vmem>>)
      %dma_wait3A_199 = arith.constant 0 : i32
      %dma_wait3A_200 = tpu.memref_slice %arg16[%scan3A_187, %dma_wait3A_199] : memref<80x64xi32, #tpu.memory_space<vmem>> -> memref<1x64xi32, #tpu.memory_space<vmem>>
      %dma_wait3A_201 = tpu.memref_squeeze %dma_wait3A_200 : memref<1x64xi32, #tpu.memory_space<vmem>> -> memref<64xi32, #tpu.memory_space<vmem>>
      %dma_wait3A_202 = tpu.memref_slice %arg8[%multiple_of3A_191] : memref<163840xi32, #tpu.memory_space<hbm>> -> memref<64xi32, #tpu.memory_space<hbm>>
      %dma_wait3A_203 = arith.constant 0 : i32
      %dma_wait3A_204 = tpu.memref_slice %arg16[%scan3A_187, %dma_wait3A_203] : memref<80x64xi32, #tpu.memory_space<vmem>> -> memref<1x64xi32, #tpu.memory_space<vmem>>
      %dma_wait3A_205 = tpu.memref_squeeze %dma_wait3A_204 : memref<1x64xi32, #tpu.memory_space<vmem>> -> memref<64xi32, #tpu.memory_space<vmem>>
      %dma_wait3A_206 = tpu.memref_slice %arg8[%multiple_of3A_191] : memref<163840xi32, #tpu.memory_space<hbm>> -> memref<64xi32, #tpu.memory_space<hbm>>
      tpu.wait_dma2 semaphore(%arg21 : memref<!tpu.dma_semaphore, #tpu.memory_space<semaphore_mem>>) src(%dma_wait3A_206 : memref<64xi32, #tpu.memory_space<hbm>>) dst(%dma_wait3A_205 : memref<64xi32, #tpu.memory_space<vmem>>)
    }
    %scan3A_16 = arith.constant 80 : i32
    "tpu.region"() ({
      %run_scoped3A = tpu.sem_alloc : memref<!tpu.dma_semaphore, #tpu.memory_space<semaphore_mem>>
      tpu.enqueue_dma source(%arg9 : memref<64x128xf32, #tpu.memory_space<hbm>>) target(%arg18 : memref<64x128xf32, #tpu.memory_space<vmem>>) target_semaphore(%run_scoped3A : memref<!tpu.dma_semaphore, #tpu.memory_space<semaphore_mem>>)
      tpu.wait_dma2 semaphore(%run_scoped3A : memref<!tpu.dma_semaphore, #tpu.memory_space<semaphore_mem>>) src(%arg9 : memref<64x128xf32, #tpu.memory_space<hbm>>) dst(%arg18 : memref<64x128xf32, #tpu.memory_space<vmem>>)
      tpu.yield
    }) : () -> ()
    %add3A_17 = arith.constant 0 : i32
    %add3A_18 = arith.addi %multiple_of3A, %add3A_17 : i32
    "tpu.region"() ({
      %run_scoped3A = tpu.sem_alloc : memref<!tpu.dma_semaphore, #tpu.memory_space<semaphore_mem>>
      %dma_start3A_187 = arith.constant 0 : i32
      %dma_start3A_188 = tpu.memref_slice %arg13[%add3A_18, %dma_start3A_187] : memref<10240x128xf32, #tpu.memory_space<vmem_shared>> -> memref<64x128xf32, #tpu.memory_space<vmem_shared>>
      %dma_start3A_189 = arith.constant 0 : i32
      %dma_start3A_190 = tpu.memref_slice %arg13[%add3A_18, %dma_start3A_189] : memref<10240x128xf32, #tpu.memory_space<vmem_shared>> -> memref<64x128xf32, #tpu.memory_space<vmem_shared>>
      tpu.enqueue_dma source(%arg18 : memref<64x128xf32, #tpu.memory_space<vmem>>) target(%dma_start3A_190 : memref<64x128xf32, #tpu.memory_space<vmem_shared>>) target_semaphore(%run_scoped3A : memref<!tpu.dma_semaphore, #tpu.memory_space<semaphore_mem>>)
      %dma_wait3A = arith.constant 0 : i32
      %dma_wait3A_191 = tpu.memref_slice %arg13[%add3A_18, %dma_wait3A] : memref<10240x128xf32, #tpu.memory_space<vmem_shared>> -> memref<64x128xf32, #tpu.memory_space<vmem_shared>>
      %dma_wait3A_192 = arith.constant 0 : i32
      %dma_wait3A_193 = tpu.memref_slice %arg13[%add3A_18, %dma_wait3A_192] : memref<10240x128xf32, #tpu.memory_space<vmem_shared>> -> memref<64x128xf32, #tpu.memory_space<vmem_shared>>
      tpu.wait_dma2 semaphore(%run_scoped3A : memref<!tpu.dma_semaphore, #tpu.memory_space<semaphore_mem>>) src(%arg18 : memref<64x128xf32, #tpu.memory_space<vmem>>) dst(%dma_wait3A_193 : memref<64x128xf32, #tpu.memory_space<vmem_shared>>)
      tpu.yield
    }) : () -> ()
    %add3A_19 = arith.constant 64 : i32
    %add3A_20 = arith.addi %multiple_of3A, %add3A_19 : i32
    "tpu.region"() ({
      %run_scoped3A = tpu.sem_alloc : memref<!tpu.dma_semaphore, #tpu.memory_space<semaphore_mem>>
      %dma_start3A_187 = arith.constant 0 : i32
      %dma_start3A_188 = tpu.memref_slice %arg13[%add3A_20, %dma_start3A_187] : memref<10240x128xf32, #tpu.memory_space<vmem_shared>> -> memref<64x128xf32, #tpu.memory_space<vmem_shared>>
      %dma_start3A_189 = arith.constant 0 : i32
      %dma_start3A_190 = tpu.memref_slice %arg13[%add3A_20, %dma_start3A_189] : memref<10240x128xf32, #tpu.memory_space<vmem_shared>> -> memref<64x128xf32, #tpu.memory_space<vmem_shared>>
      tpu.enqueue_dma source(%arg18 : memref<64x128xf32, #tpu.memory_space<vmem>>) target(%dma_start3A_190 : memref<64x128xf32, #tpu.memory_space<vmem_shared>>) target_semaphore(%run_scoped3A : memref<!tpu.dma_semaphore, #tpu.memory_space<semaphore_mem>>)
      %dma_wait3A = arith.constant 0 : i32
      %dma_wait3A_191 = tpu.memref_slice %arg13[%add3A_20, %dma_wait3A] : memref<10240x128xf32, #tpu.memory_space<vmem_shared>> -> memref<64x128xf32, #tpu.memory_space<vmem_shared>>
      %dma_wait3A_192 = arith.constant 0 : i32
      %dma_wait3A_193 = tpu.memref_slice %arg13[%add3A_20, %dma_wait3A_192] : memref<10240x128xf32, #tpu.memory_space<vmem_shared>> -> memref<64x128xf32, #tpu.memory_space<vmem_shared>>
      tpu.wait_dma2 semaphore(%run_scoped3A : memref<!tpu.dma_semaphore, #tpu.memory_space<semaphore_mem>>) src(%arg18 : memref<64x128xf32, #tpu.memory_space<vmem>>) dst(%dma_wait3A_193 : memref<64x128xf32, #tpu.memory_space<vmem_shared>>)
      tpu.yield
    }) : () -> ()
    %add3A_21 = arith.constant 128 : i32
    %add3A_22 = arith.addi %multiple_of3A, %add3A_21 : i32
    "tpu.region"() ({
      %run_scoped3A = tpu.sem_alloc : memref<!tpu.dma_semaphore, #tpu.memory_space<semaphore_mem>>
      %dma_start3A_187 = arith.constant 0 : i32
      %dma_start3A_188 = tpu.memref_slice %arg13[%add3A_22, %dma_start3A_187] : memref<10240x128xf32, #tpu.memory_space<vmem_shared>> -> memref<64x128xf32, #tpu.memory_space<vmem_shared>>
      %dma_start3A_189 = arith.constant 0 : i32
      %dma_start3A_190 = tpu.memref_slice %arg13[%add3A_22, %dma_start3A_189] : memref<10240x128xf32, #tpu.memory_space<vmem_shared>> -> memref<64x128xf32, #tpu.memory_space<vmem_shared>>
      tpu.enqueue_dma source(%arg18 : memref<64x128xf32, #tpu.memory_space<vmem>>) target(%dma_start3A_190 : memref<64x128xf32, #tpu.memory_space<vmem_shared>>) target_semaphore(%run_scoped3A : memref<!tpu.dma_semaphore, #tpu.memory_space<semaphore_mem>>)
      %dma_wait3A = arith.constant 0 : i32
      %dma_wait3A_191 = tpu.memref_slice %arg13[%add3A_22, %dma_wait3A] : memref<10240x128xf32, #tpu.memory_space<vmem_shared>> -> memref<64x128xf32, #tpu.memory_space<vmem_shared>>
      %dma_wait3A_192 = arith.constant 0 : i32
      %dma_wait3A_193 = tpu.memref_slice %arg13[%add3A_22, %dma_wait3A_192] : memref<10240x128xf32, #tpu.memory_space<vmem_shared>> -> memref<64x128xf32, #tpu.memory_space<vmem_shared>>
      tpu.wait_dma2 semaphore(%run_scoped3A : memref<!tpu.dma_semaphore, #tpu.memory_space<semaphore_mem>>) src(%arg18 : memref<64x128xf32, #tpu.memory_space<vmem>>) dst(%dma_wait3A_193 : memref<64x128xf32, #tpu.memory_space<vmem_shared>>)
      tpu.yield
    }) : () -> ()
    %add3A_23 = arith.constant 192 : i32
    %add3A_24 = arith.addi %multiple_of3A, %add3A_23 : i32
    "tpu.region"() ({
      %run_scoped3A = tpu.sem_alloc : memref<!tpu.dma_semaphore, #tpu.memory_space<semaphore_mem>>
      %dma_start3A_187 = arith.constant 0 : i32
      %dma_start3A_188 = tpu.memref_slice %arg13[%add3A_24, %dma_start3A_187] : memref<10240x128xf32, #tpu.memory_space<vmem_shared>> -> memref<64x128xf32, #tpu.memory_space<vmem_shared>>
      %dma_start3A_189 = arith.constant 0 : i32
      %dma_start3A_190 = tpu.memref_slice %arg13[%add3A_24, %dma_start3A_189] : memref<10240x128xf32, #tpu.memory_space<vmem_shared>> -> memref<64x128xf32, #tpu.memory_space<vmem_shared>>
      tpu.enqueue_dma source(%arg18 : memref<64x128xf32, #tpu.memory_space<vmem>>) target(%dma_start3A_190 : memref<64x128xf32, #tpu.memory_space<vmem_shared>>) target_semaphore(%run_scoped3A : memref<!tpu.dma_semaphore, #tpu.memory_space<semaphore_mem>>)
      %dma_wait3A = arith.constant 0 : i32
      %dma_wait3A_191 = tpu.memref_slice %arg13[%add3A_24, %dma_wait3A] : memref<10240x128xf32, #tpu.memory_space<vmem_shared>> -> memref<64x128xf32, #tpu.memory_space<vmem_shared>>
      %dma_wait3A_192 = arith.constant 0 : i32
      %dma_wait3A_193 = tpu.memref_slice %arg13[%add3A_24, %dma_wait3A_192] : memref<10240x128xf32, #tpu.memory_space<vmem_shared>> -> memref<64x128xf32, #tpu.memory_space<vmem_shared>>
      tpu.wait_dma2 semaphore(%run_scoped3A : memref<!tpu.dma_semaphore, #tpu.memory_space<semaphore_mem>>) src(%arg18 : memref<64x128xf32, #tpu.memory_space<vmem>>) dst(%dma_wait3A_193 : memref<64x128xf32, #tpu.memory_space<vmem_shared>>)
      tpu.yield
    }) : () -> ()
    %add3A_25 = arith.constant 256 : i32
    %add3A_26 = arith.addi %multiple_of3A, %add3A_25 : i32
    "tpu.region"() ({
      %run_scoped3A = tpu.sem_alloc : memref<!tpu.dma_semaphore, #tpu.memory_space<semaphore_mem>>
      %dma_start3A_187 = arith.constant 0 : i32
      %dma_start3A_188 = tpu.memref_slice %arg13[%add3A_26, %dma_start3A_187] : memref<10240x128xf32, #tpu.memory_space<vmem_shared>> -> memref<64x128xf32, #tpu.memory_space<vmem_shared>>
      %dma_start3A_189 = arith.constant 0 : i32
      %dma_start3A_190 = tpu.memref_slice %arg13[%add3A_26, %dma_start3A_189] : memref<10240x128xf32, #tpu.memory_space<vmem_shared>> -> memref<64x128xf32, #tpu.memory_space<vmem_shared>>
      tpu.enqueue_dma source(%arg18 : memref<64x128xf32, #tpu.memory_space<vmem>>) target(%dma_start3A_190 : memref<64x128xf32, #tpu.memory_space<vmem_shared>>) target_semaphore(%run_scoped3A : memref<!tpu.dma_semaphore, #tpu.memory_space<semaphore_mem>>)
      %dma_wait3A = arith.constant 0 : i32
      %dma_wait3A_191 = tpu.memref_slice %arg13[%add3A_26, %dma_wait3A] : memref<10240x128xf32, #tpu.memory_space<vmem_shared>> -> memref<64x128xf32, #tpu.memory_space<vmem_shared>>
      %dma_wait3A_192 = arith.constant 0 : i32
      %dma_wait3A_193 = tpu.memref_slice %arg13[%add3A_26, %dma_wait3A_192] : memref<10240x128xf32, #tpu.memory_space<vmem_shared>> -> memref<64x128xf32, #tpu.memory_space<vmem_shared>>
      tpu.wait_dma2 semaphore(%run_scoped3A : memref<!tpu.dma_semaphore, #tpu.memory_space<semaphore_mem>>) src(%arg18 : memref<64x128xf32, #tpu.memory_space<vmem>>) dst(%dma_wait3A_193 : memref<64x128xf32, #tpu.memory_space<vmem_shared>>)
      tpu.yield
    }) : () -> ()
    %add3A_27 = arith.constant 320 : i32
    %add3A_28 = arith.addi %multiple_of3A, %add3A_27 : i32
    "tpu.region"() ({
      %run_scoped3A = tpu.sem_alloc : memref<!tpu.dma_semaphore, #tpu.memory_space<semaphore_mem>>
      %dma_start3A_187 = arith.constant 0 : i32
      %dma_start3A_188 = tpu.memref_slice %arg13[%add3A_28, %dma_start3A_187] : memref<10240x128xf32, #tpu.memory_space<vmem_shared>> -> memref<64x128xf32, #tpu.memory_space<vmem_shared>>
      %dma_start3A_189 = arith.constant 0 : i32
      %dma_start3A_190 = tpu.memref_slice %arg13[%add3A_28, %dma_start3A_189] : memref<10240x128xf32, #tpu.memory_space<vmem_shared>> -> memref<64x128xf32, #tpu.memory_space<vmem_shared>>
      tpu.enqueue_dma source(%arg18 : memref<64x128xf32, #tpu.memory_space<vmem>>) target(%dma_start3A_190 : memref<64x128xf32, #tpu.memory_space<vmem_shared>>) target_semaphore(%run_scoped3A : memref<!tpu.dma_semaphore, #tpu.memory_space<semaphore_mem>>)
      %dma_wait3A = arith.constant 0 : i32
      %dma_wait3A_191 = tpu.memref_slice %arg13[%add3A_28, %dma_wait3A] : memref<10240x128xf32, #tpu.memory_space<vmem_shared>> -> memref<64x128xf32, #tpu.memory_space<vmem_shared>>
      %dma_wait3A_192 = arith.constant 0 : i32
      %dma_wait3A_193 = tpu.memref_slice %arg13[%add3A_28, %dma_wait3A_192] : memref<10240x128xf32, #tpu.memory_space<vmem_shared>> -> memref<64x128xf32, #tpu.memory_space<vmem_shared>>
      tpu.wait_dma2 semaphore(%run_scoped3A : memref<!tpu.dma_semaphore, #tpu.memory_space<semaphore_mem>>) src(%arg18 : memref<64x128xf32, #tpu.memory_space<vmem>>) dst(%dma_wait3A_193 : memref<64x128xf32, #tpu.memory_space<vmem_shared>>)
      tpu.yield
    }) : () -> ()
    %add3A_29 = arith.constant 384 : i32
    %add3A_30 = arith.addi %multiple_of3A, %add3A_29 : i32
    "tpu.region"() ({
      %run_scoped3A = tpu.sem_alloc : memref<!tpu.dma_semaphore, #tpu.memory_space<semaphore_mem>>
      %dma_start3A_187 = arith.constant 0 : i32
      %dma_start3A_188 = tpu.memref_slice %arg13[%add3A_30, %dma_start3A_187] : memref<10240x128xf32, #tpu.memory_space<vmem_shared>> -> memref<64x128xf32, #tpu.memory_space<vmem_shared>>
      %dma_start3A_189 = arith.constant 0 : i32
      %dma_start3A_190 = tpu.memref_slice %arg13[%add3A_30, %dma_start3A_189] : memref<10240x128xf32, #tpu.memory_space<vmem_shared>> -> memref<64x128xf32, #tpu.memory_space<vmem_shared>>
      tpu.enqueue_dma source(%arg18 : memref<64x128xf32, #tpu.memory_space<vmem>>) target(%dma_start3A_190 : memref<64x128xf32, #tpu.memory_space<vmem_shared>>) target_semaphore(%run_scoped3A : memref<!tpu.dma_semaphore, #tpu.memory_space<semaphore_mem>>)
      %dma_wait3A = arith.constant 0 : i32
      %dma_wait3A_191 = tpu.memref_slice %arg13[%add3A_30, %dma_wait3A] : memref<10240x128xf32, #tpu.memory_space<vmem_shared>> -> memref<64x128xf32, #tpu.memory_space<vmem_shared>>
      %dma_wait3A_192 = arith.constant 0 : i32
      %dma_wait3A_193 = tpu.memref_slice %arg13[%add3A_30, %dma_wait3A_192] : memref<10240x128xf32, #tpu.memory_space<vmem_shared>> -> memref<64x128xf32, #tpu.memory_space<vmem_shared>>
      tpu.wait_dma2 semaphore(%run_scoped3A : memref<!tpu.dma_semaphore, #tpu.memory_space<semaphore_mem>>) src(%arg18 : memref<64x128xf32, #tpu.memory_space<vmem>>) dst(%dma_wait3A_193 : memref<64x128xf32, #tpu.memory_space<vmem_shared>>)
      tpu.yield
    }) : () -> ()
    %add3A_31 = arith.constant 448 : i32
    %add3A_32 = arith.addi %multiple_of3A, %add3A_31 : i32
    "tpu.region"() ({
      %run_scoped3A = tpu.sem_alloc : memref<!tpu.dma_semaphore, #tpu.memory_space<semaphore_mem>>
      %dma_start3A_187 = arith.constant 0 : i32
      %dma_start3A_188 = tpu.memref_slice %arg13[%add3A_32, %dma_start3A_187] : memref<10240x128xf32, #tpu.memory_space<vmem_shared>> -> memref<64x128xf32, #tpu.memory_space<vmem_shared>>
      %dma_start3A_189 = arith.constant 0 : i32
      %dma_start3A_190 = tpu.memref_slice %arg13[%add3A_32, %dma_start3A_189] : memref<10240x128xf32, #tpu.memory_space<vmem_shared>> -> memref<64x128xf32, #tpu.memory_space<vmem_shared>>
      tpu.enqueue_dma source(%arg18 : memref<64x128xf32, #tpu.memory_space<vmem>>) target(%dma_start3A_190 : memref<64x128xf32, #tpu.memory_space<vmem_shared>>) target_semaphore(%run_scoped3A : memref<!tpu.dma_semaphore, #tpu.memory_space<semaphore_mem>>)
      %dma_wait3A = arith.constant 0 : i32
      %dma_wait3A_191 = tpu.memref_slice %arg13[%add3A_32, %dma_wait3A] : memref<10240x128xf32, #tpu.memory_space<vmem_shared>> -> memref<64x128xf32, #tpu.memory_space<vmem_shared>>
      %dma_wait3A_192 = arith.constant 0 : i32
      %dma_wait3A_193 = tpu.memref_slice %arg13[%add3A_32, %dma_wait3A_192] : memref<10240x128xf32, #tpu.memory_space<vmem_shared>> -> memref<64x128xf32, #tpu.memory_space<vmem_shared>>
      tpu.wait_dma2 semaphore(%run_scoped3A : memref<!tpu.dma_semaphore, #tpu.memory_space<semaphore_mem>>) src(%arg18 : memref<64x128xf32, #tpu.memory_space<vmem>>) dst(%dma_wait3A_193 : memref<64x128xf32, #tpu.memory_space<vmem_shared>>)
      tpu.yield
    }) : () -> ()
    %add3A_33 = arith.constant 512 : i32
    %add3A_34 = arith.addi %multiple_of3A, %add3A_33 : i32
    "tpu.region"() ({
      %run_scoped3A = tpu.sem_alloc : memref<!tpu.dma_semaphore, #tpu.memory_space<semaphore_mem>>
      %dma_start3A_187 = arith.constant 0 : i32
      %dma_start3A_188 = tpu.memref_slice %arg13[%add3A_34, %dma_start3A_187] : memref<10240x128xf32, #tpu.memory_space<vmem_shared>> -> memref<64x128xf32, #tpu.memory_space<vmem_shared>>
      %dma_start3A_189 = arith.constant 0 : i32
      %dma_start3A_190 = tpu.memref_slice %arg13[%add3A_34, %dma_start3A_189] : memref<10240x128xf32, #tpu.memory_space<vmem_shared>> -> memref<64x128xf32, #tpu.memory_space<vmem_shared>>
      tpu.enqueue_dma source(%arg18 : memref<64x128xf32, #tpu.memory_space<vmem>>) target(%dma_start3A_190 : memref<64x128xf32, #tpu.memory_space<vmem_shared>>) target_semaphore(%run_scoped3A : memref<!tpu.dma_semaphore, #tpu.memory_space<semaphore_mem>>)
      %dma_wait3A = arith.constant 0 : i32
      %dma_wait3A_191 = tpu.memref_slice %arg13[%add3A_34, %dma_wait3A] : memref<10240x128xf32, #tpu.memory_space<vmem_shared>> -> memref<64x128xf32, #tpu.memory_space<vmem_shared>>
      %dma_wait3A_192 = arith.constant 0 : i32
      %dma_wait3A_193 = tpu.memref_slice %arg13[%add3A_34, %dma_wait3A_192] : memref<10240x128xf32, #tpu.memory_space<vmem_shared>> -> memref<64x128xf32, #tpu.memory_space<vmem_shared>>
      tpu.wait_dma2 semaphore(%run_scoped3A : memref<!tpu.dma_semaphore, #tpu.memory_space<semaphore_mem>>) src(%arg18 : memref<64x128xf32, #tpu.memory_space<vmem>>) dst(%dma_wait3A_193 : memref<64x128xf32, #tpu.memory_space<vmem_shared>>)
      tpu.yield
    }) : () -> ()
    %add3A_35 = arith.constant 576 : i32
    %add3A_36 = arith.addi %multiple_of3A, %add3A_35 : i32
    "tpu.region"() ({
      %run_scoped3A = tpu.sem_alloc : memref<!tpu.dma_semaphore, #tpu.memory_space<semaphore_mem>>
      %dma_start3A_187 = arith.constant 0 : i32
      %dma_start3A_188 = tpu.memref_slice %arg13[%add3A_36, %dma_start3A_187] : memref<10240x128xf32, #tpu.memory_space<vmem_shared>> -> memref<64x128xf32, #tpu.memory_space<vmem_shared>>
      %dma_start3A_189 = arith.constant 0 : i32
      %dma_start3A_190 = tpu.memref_slice %arg13[%add3A_36, %dma_start3A_189] : memref<10240x128xf32, #tpu.memory_space<vmem_shared>> -> memref<64x128xf32, #tpu.memory_space<vmem_shared>>
      tpu.enqueue_dma source(%arg18 : memref<64x128xf32, #tpu.memory_space<vmem>>) target(%dma_start3A_190 : memref<64x128xf32, #tpu.memory_space<vmem_shared>>) target_semaphore(%run_scoped3A : memref<!tpu.dma_semaphore, #tpu.memory_space<semaphore_mem>>)
      %dma_wait3A = arith.constant 0 : i32
      %dma_wait3A_191 = tpu.memref_slice %arg13[%add3A_36, %dma_wait3A] : memref<10240x128xf32, #tpu.memory_space<vmem_shared>> -> memref<64x128xf32, #tpu.memory_space<vmem_shared>>
      %dma_wait3A_192 = arith.constant 0 : i32
      %dma_wait3A_193 = tpu.memref_slice %arg13[%add3A_36, %dma_wait3A_192] : memref<10240x128xf32, #tpu.memory_space<vmem_shared>> -> memref<64x128xf32, #tpu.memory_space<vmem_shared>>
      tpu.wait_dma2 semaphore(%run_scoped3A : memref<!tpu.dma_semaphore, #tpu.memory_space<semaphore_mem>>) src(%arg18 : memref<64x128xf32, #tpu.memory_space<vmem>>) dst(%dma_wait3A_193 : memref<64x128xf32, #tpu.memory_space<vmem_shared>>)
      tpu.yield
    }) : () -> ()
    %barrier3A = arith.constant 0 : index
    tpu.barrier barrier_id(%barrier3A)
    %add3A_37 = arith.constant 0 : i32
    %add3A_38 = arith.addi %multiple_of3A_5, %add3A_37 : i32
    %multiple_of3A_39 = tpu.assume_multiple %add3A_38, 8 : i32
    %dma_start3A = arith.constant 0 : i32
    %dma_start3A_40 = tpu.memref_slice %arg2[%multiple_of3A_39, %dma_start3A] : memref<163840x128xf32, #tpu.memory_space<hbm>> -> memref<64x128xf32, #tpu.memory_space<hbm>>
    %dma_start3A_41 = arith.constant 0 : i32
    %dma_start3A_42 = tpu.memref_slice %arg2[%multiple_of3A_39, %dma_start3A_41] : memref<163840x128xf32, #tpu.memory_space<hbm>> -> memref<64x128xf32, #tpu.memory_space<hbm>>
    tpu.enqueue_dma source(%dma_start3A_42 : memref<64x128xf32, #tpu.memory_space<hbm>>) target(%arg17 : memref<64x128xf32, #tpu.memory_space<vmem>>) target_semaphore(%arg19 : memref<!tpu.dma_semaphore, #tpu.memory_space<semaphore_mem>>)
    %scan3A_43 = arith.constant 0 : i32
    %scan3A_44 = arith.constant 0 : i32
    %scan3A_45 = arith.constant 40 : i32
    %scan3A_46 = arith.addi %scan3A_44, %scan3A_45 : i32
    %scan3A_47 = arith.constant 1 : i32
    scf.for %scan3A_187 = %scan3A_44 to %scan3A_46 step %scan3A_47  : i32 {
      %mul3A_188 = arith.constant 2 : i32
      %mul3A_189 = arith.muli %mul3A_188, %scan3A_187 : i32
      %mul3A_190 = arith.constant 2 : i32
      %mul3A_191 = arith.muli %mul3A_190, %scan3A_187 : i32
      %add3A_192 = arith.constant 1 : i32
      %add3A_193 = arith.addi %mul3A_191, %add3A_192 : i32
      %mul3A_194 = arith.constant 64 : i32
      %mul3A_195 = arith.muli %add3A_193, %mul3A_194 : i32
      %add3A_196 = arith.addi %multiple_of3A_5, %mul3A_195 : i32
      %multiple_of3A_197 = tpu.assume_multiple %add3A_196, 8 : i32
      %dma_start3A_198 = arith.constant 0 : i32
      %dma_start3A_199 = tpu.memref_slice %arg2[%multiple_of3A_197, %dma_start3A_198] : memref<163840x128xf32, #tpu.memory_space<hbm>> -> memref<64x128xf32, #tpu.memory_space<hbm>>
      %dma_start3A_200 = arith.constant 0 : i32
      %dma_start3A_201 = tpu.memref_slice %arg2[%multiple_of3A_197, %dma_start3A_200] : memref<163840x128xf32, #tpu.memory_space<hbm>> -> memref<64x128xf32, #tpu.memory_space<hbm>>
      tpu.enqueue_dma source(%dma_start3A_201 : memref<64x128xf32, #tpu.memory_space<hbm>>) target(%arg18 : memref<64x128xf32, #tpu.memory_space<vmem>>) target_semaphore(%arg20 : memref<!tpu.dma_semaphore, #tpu.memory_space<semaphore_mem>>)
      %dma_wait3A = arith.constant 0 : i32
      %dma_wait3A_202 = arith.constant 0 : i32
      %dma_wait3A_203 = tpu.memref_slice %arg2[%dma_wait3A, %dma_wait3A_202] : memref<163840x128xf32, #tpu.memory_space<hbm>> -> memref<64x128xf32, #tpu.memory_space<hbm>>
      %dma_wait3A_204 = arith.constant 0 : i32
      %dma_wait3A_205 = arith.constant 0 : i32
      %dma_wait3A_206 = tpu.memref_slice %arg2[%dma_wait3A_204, %dma_wait3A_205] : memref<163840x128xf32, #tpu.memory_space<hbm>> -> memref<64x128xf32, #tpu.memory_space<hbm>>
      tpu.wait_dma2 semaphore(%arg19 : memref<!tpu.dma_semaphore, #tpu.memory_space<semaphore_mem>>) src(%dma_wait3A_206 : memref<64x128xf32, #tpu.memory_space<hbm>>) dst(%arg17 : memref<64x128xf32, #tpu.memory_space<vmem>>)
      "tpu.region"() ({
        %run_scoped3A = tpu.sem_alloc : memref<!tpu.dma_semaphore, #tpu.memory_space<semaphore_mem>>
        %dma_start3A_217 = arith.constant 0 : i32
        %dma_start3A_218 = tpu.memref_slice %arg15[%mul3A_189, %dma_start3A_217] : memref<80x64xi32, #tpu.memory_space<vmem>> -> memref<1x64xi32, #tpu.memory_space<vmem>>
        %dma_start3A_219 = tpu.memref_squeeze %dma_start3A_218 : memref<1x64xi32, #tpu.memory_space<vmem>> -> memref<64xi32, #tpu.memory_space<vmem>>
        %dma_start3A_220 = arith.constant 0 : i32
        %dma_start3A_221 = arith.constant 0 : i32
        %dma_start3A_222 = tpu.memref_slice %arg13[%dma_start3A_220, %dma_start3A_221] : memref<10240x128xf32, #tpu.memory_space<vmem_shared>> -> memref<10240x128xf32, #tpu.memory_space<vmem_shared>>
        tpu.enqueue_indirect_dma source(%arg17 : memref<64x128xf32, #tpu.memory_space<vmem>>) target(%dma_start3A_222 : memref<10240x128xf32, #tpu.memory_space<vmem_shared>>) offsets(%dma_start3A_219 : memref<64xi32, #tpu.memory_space<vmem>>) semaphore(%run_scoped3A : memref<!tpu.dma_semaphore, #tpu.memory_space<semaphore_mem>>) {add = true}
        %dma_wait3A_223 = arith.constant 0 : i32
        %dma_wait3A_224 = tpu.memref_slice %arg15[%mul3A_189, %dma_wait3A_223] : memref<80x64xi32, #tpu.memory_space<vmem>> -> memref<1x64xi32, #tpu.memory_space<vmem>>
        %dma_wait3A_225 = tpu.memref_squeeze %dma_wait3A_224 : memref<1x64xi32, #tpu.memory_space<vmem>> -> memref<64xi32, #tpu.memory_space<vmem>>
        %dma_wait3A_226 = arith.constant 0 : i32
        %dma_wait3A_227 = arith.constant 0 : i32
        %dma_wait3A_228 = tpu.memref_slice %arg13[%dma_wait3A_226, %dma_wait3A_227] : memref<10240x128xf32, #tpu.memory_space<vmem_shared>> -> memref<10240x128xf32, #tpu.memory_space<vmem_shared>>
        tpu.wait_indirect_dma semaphore(%run_scoped3A : memref<!tpu.dma_semaphore, #tpu.memory_space<semaphore_mem>>) src(%arg17 : memref<64x128xf32, #tpu.memory_space<vmem>>) dst(%dma_wait3A_228 : memref<10240x128xf32, #tpu.memory_space<vmem_shared>>)
        tpu.yield
      }) : () -> ()
      "tpu.region"() ({
        %run_scoped3A = tpu.sem_alloc : memref<!tpu.dma_semaphore, #tpu.memory_space<semaphore_mem>>
        %dma_start3A_217 = arith.constant 0 : i32
        %dma_start3A_218 = tpu.memref_slice %arg16[%mul3A_189, %dma_start3A_217] : memref<80x64xi32, #tpu.memory_space<vmem>> -> memref<1x64xi32, #tpu.memory_space<vmem>>
        %dma_start3A_219 = tpu.memref_squeeze %dma_start3A_218 : memref<1x64xi32, #tpu.memory_space<vmem>> -> memref<64xi32, #tpu.memory_space<vmem>>
        %dma_start3A_220 = arith.constant 0 : i32
        %dma_start3A_221 = arith.constant 0 : i32
        %dma_start3A_222 = tpu.memref_slice %arg13[%dma_start3A_220, %dma_start3A_221] : memref<10240x128xf32, #tpu.memory_space<vmem_shared>> -> memref<10240x128xf32, #tpu.memory_space<vmem_shared>>
        tpu.enqueue_indirect_dma source(%arg17 : memref<64x128xf32, #tpu.memory_space<vmem>>) target(%dma_start3A_222 : memref<10240x128xf32, #tpu.memory_space<vmem_shared>>) offsets(%dma_start3A_219 : memref<64xi32, #tpu.memory_space<vmem>>) semaphore(%run_scoped3A : memref<!tpu.dma_semaphore, #tpu.memory_space<semaphore_mem>>) {add = true}
        %dma_wait3A_223 = arith.constant 0 : i32
        %dma_wait3A_224 = tpu.memref_slice %arg16[%mul3A_189, %dma_wait3A_223] : memref<80x64xi32, #tpu.memory_space<vmem>> -> memref<1x64xi32, #tpu.memory_space<vmem>>
        %dma_wait3A_225 = tpu.memref_squeeze %dma_wait3A_224 : memref<1x64xi32, #tpu.memory_space<vmem>> -> memref<64xi32, #tpu.memory_space<vmem>>
        %dma_wait3A_226 = arith.constant 0 : i32
        %dma_wait3A_227 = arith.constant 0 : i32
        %dma_wait3A_228 = tpu.memref_slice %arg13[%dma_wait3A_226, %dma_wait3A_227] : memref<10240x128xf32, #tpu.memory_space<vmem_shared>> -> memref<10240x128xf32, #tpu.memory_space<vmem_shared>>
        tpu.wait_indirect_dma semaphore(%run_scoped3A : memref<!tpu.dma_semaphore, #tpu.memory_space<semaphore_mem>>) src(%arg17 : memref<64x128xf32, #tpu.memory_space<vmem>>) dst(%dma_wait3A_228 : memref<10240x128xf32, #tpu.memory_space<vmem_shared>>)
        tpu.yield
      }) : () -> ()
      %add3A_207 = arith.constant 2 : i32
      %add3A_208 = arith.addi %mul3A_189, %add3A_207 : i32
      %lt3A = arith.constant 80 : i32
      %lt3A_209 = arith.cmpi slt, %add3A_208, %lt3A : i32
      %convert_element_type3A = arith.extui %lt3A_209 : i1 to i32
      %cond3A = arith.constant 0 : i32
      %cond3A_210 = arith.cmpi ne, %convert_element_type3A, %cond3A : i32
      scf.if %cond3A_210 {
        %add3A_217 = arith.constant 2 : i32
        %add3A_218 = arith.addi %mul3A_189, %add3A_217 : i32
        %mul3A_219 = arith.constant 64 : i32
        %mul3A_220 = arith.muli %add3A_218, %mul3A_219 : i32
        %add3A_221 = arith.addi %multiple_of3A_5, %mul3A_220 : i32
        %multiple_of3A_222 = tpu.assume_multiple %add3A_221, 8 : i32
        %dma_start3A_223 = arith.constant 0 : i32
        %dma_start3A_224 = tpu.memref_slice %arg2[%multiple_of3A_222, %dma_start3A_223] : memref<163840x128xf32, #tpu.memory_space<hbm>> -> memref<64x128xf32, #tpu.memory_space<hbm>>
        %dma_start3A_225 = arith.constant 0 : i32
        %dma_start3A_226 = tpu.memref_slice %arg2[%multiple_of3A_222, %dma_start3A_225] : memref<163840x128xf32, #tpu.memory_space<hbm>> -> memref<64x128xf32, #tpu.memory_space<hbm>>
        tpu.enqueue_dma source(%dma_start3A_226 : memref<64x128xf32, #tpu.memory_space<hbm>>) target(%arg17 : memref<64x128xf32, #tpu.memory_space<vmem>>) target_semaphore(%arg19 : memref<!tpu.dma_semaphore, #tpu.memory_space<semaphore_mem>>)
      } else {
      }
      %dma_wait3A_211 = arith.constant 0 : i32
      %dma_wait3A_212 = arith.constant 0 : i32
      %dma_wait3A_213 = tpu.memref_slice %arg2[%dma_wait3A_211, %dma_wait3A_212] : memref<163840x128xf32, #tpu.memory_space<hbm>> -> memref<64x128xf32, #tpu.memory_space<hbm>>
      %dma_wait3A_214 = arith.constant 0 : i32
      %dma_wait3A_215 = arith.constant 0 : i32
      %dma_wait3A_216 = tpu.memref_slice %arg2[%dma_wait3A_214, %dma_wait3A_215] : memref<163840x128xf32, #tpu.memory_space<hbm>> -> memref<64x128xf32, #tpu.memory_space<hbm>>
      tpu.wait_dma2 semaphore(%arg20 : memref<!tpu.dma_semaphore, #tpu.memory_space<semaphore_mem>>) src(%dma_wait3A_216 : memref<64x128xf32, #tpu.memory_space<hbm>>) dst(%arg18 : memref<64x128xf32, #tpu.memory_space<vmem>>)
      "tpu.region"() ({
        %run_scoped3A = tpu.sem_alloc : memref<!tpu.dma_semaphore, #tpu.memory_space<semaphore_mem>>
        %dma_start3A_217 = arith.constant 0 : i32
        %dma_start3A_218 = tpu.memref_slice %arg15[%add3A_193, %dma_start3A_217] : memref<80x64xi32, #tpu.memory_space<vmem>> -> memref<1x64xi32, #tpu.memory_space<vmem>>
        %dma_start3A_219 = tpu.memref_squeeze %dma_start3A_218 : memref<1x64xi32, #tpu.memory_space<vmem>> -> memref<64xi32, #tpu.memory_space<vmem>>
        %dma_start3A_220 = arith.constant 0 : i32
        %dma_start3A_221 = arith.constant 0 : i32
        %dma_start3A_222 = tpu.memref_slice %arg13[%dma_start3A_220, %dma_start3A_221] : memref<10240x128xf32, #tpu.memory_space<vmem_shared>> -> memref<10240x128xf32, #tpu.memory_space<vmem_shared>>
        tpu.enqueue_indirect_dma source(%arg18 : memref<64x128xf32, #tpu.memory_space<vmem>>) target(%dma_start3A_222 : memref<10240x128xf32, #tpu.memory_space<vmem_shared>>) offsets(%dma_start3A_219 : memref<64xi32, #tpu.memory_space<vmem>>) semaphore(%run_scoped3A : memref<!tpu.dma_semaphore, #tpu.memory_space<semaphore_mem>>) {add = true}
        %dma_wait3A_223 = arith.constant 0 : i32
        %dma_wait3A_224 = tpu.memref_slice %arg15[%add3A_193, %dma_wait3A_223] : memref<80x64xi32, #tpu.memory_space<vmem>> -> memref<1x64xi32, #tpu.memory_space<vmem>>
        %dma_wait3A_225 = tpu.memref_squeeze %dma_wait3A_224 : memref<1x64xi32, #tpu.memory_space<vmem>> -> memref<64xi32, #tpu.memory_space<vmem>>
        %dma_wait3A_226 = arith.constant 0 : i32
        %dma_wait3A_227 = arith.constant 0 : i32
        %dma_wait3A_228 = tpu.memref_slice %arg13[%dma_wait3A_226, %dma_wait3A_227] : memref<10240x128xf32, #tpu.memory_space<vmem_shared>> -> memref<10240x128xf32, #tpu.memory_space<vmem_shared>>
        tpu.wait_indirect_dma semaphore(%run_scoped3A : memref<!tpu.dma_semaphore, #tpu.memory_space<semaphore_mem>>) src(%arg18 : memref<64x128xf32, #tpu.memory_space<vmem>>) dst(%dma_wait3A_228 : memref<10240x128xf32, #tpu.memory_space<vmem_shared>>)
        tpu.yield
      }) : () -> ()
      "tpu.region"() ({
        %run_scoped3A = tpu.sem_alloc : memref<!tpu.dma_semaphore, #tpu.memory_space<semaphore_mem>>
        %dma_start3A_217 = arith.constant 0 : i32
        %dma_start3A_218 = tpu.memref_slice %arg16[%add3A_193, %dma_start3A_217] : memref<80x64xi32, #tpu.memory_space<vmem>> -> memref<1x64xi32, #tpu.memory_space<vmem>>
        %dma_start3A_219 = tpu.memref_squeeze %dma_start3A_218 : memref<1x64xi32, #tpu.memory_space<vmem>> -> memref<64xi32, #tpu.memory_space<vmem>>
        %dma_start3A_220 = arith.constant 0 : i32
        %dma_start3A_221 = arith.constant 0 : i32
        %dma_start3A_222 = tpu.memref_slice %arg13[%dma_start3A_220, %dma_start3A_221] : memref<10240x128xf32, #tpu.memory_space<vmem_shared>> -> memref<10240x128xf32, #tpu.memory_space<vmem_shared>>
        tpu.enqueue_indirect_dma source(%arg18 : memref<64x128xf32, #tpu.memory_space<vmem>>) target(%dma_start3A_222 : memref<10240x128xf32, #tpu.memory_space<vmem_shared>>) offsets(%dma_start3A_219 : memref<64xi32, #tpu.memory_space<vmem>>) semaphore(%run_scoped3A : memref<!tpu.dma_semaphore, #tpu.memory_space<semaphore_mem>>) {add = true}
        %dma_wait3A_223 = arith.constant 0 : i32
        %dma_wait3A_224 = tpu.memref_slice %arg16[%add3A_193, %dma_wait3A_223] : memref<80x64xi32, #tpu.memory_space<vmem>> -> memref<1x64xi32, #tpu.memory_space<vmem>>
        %dma_wait3A_225 = tpu.memref_squeeze %dma_wait3A_224 : memref<1x64xi32, #tpu.memory_space<vmem>> -> memref<64xi32, #tpu.memory_space<vmem>>
        %dma_wait3A_226 = arith.constant 0 : i32
        %dma_wait3A_227 = arith.constant 0 : i32
        %dma_wait3A_228 = tpu.memref_slice %arg13[%dma_wait3A_226, %dma_wait3A_227] : memref<10240x128xf32, #tpu.memory_space<vmem_shared>> -> memref<10240x128xf32, #tpu.memory_space<vmem_shared>>
        tpu.wait_indirect_dma semaphore(%run_scoped3A : memref<!tpu.dma_semaphore, #tpu.memory_space<semaphore_mem>>) src(%arg18 : memref<64x128xf32, #tpu.memory_space<vmem>>) dst(%dma_wait3A_228 : memref<10240x128xf32, #tpu.memory_space<vmem_shared>>)
        tpu.yield
      }) : () -> ()
    }
    %scan3A_48 = arith.constant 40 : i32
    %barrier3A_49 = arith.constant 0 : index
    tpu.barrier barrier_id(%barrier3A_49)
    %mul3A_50 = arith.constant 4 : i32
    %mul3A_51 = arith.muli %arg0, %mul3A_50 : i32
    %add3A_52 = arith.constant 0 : i32
    %add3A_53 = arith.addi %mul3A_51, %add3A_52 : i32
    %mul3A_54 = arith.constant 10240 : i32
    %mul3A_55 = arith.muli %add3A_53, %mul3A_54 : i32
    %add3A_56 = arith.addi %mul3A_55, %multiple_of3A : i32
    %multiple_of3A_57 = tpu.assume_multiple %add3A_56, 8 : i32
    "tpu.region"() ({
      %run_scoped3A = tpu.sem_alloc : memref<!tpu.dma_semaphore, #tpu.memory_space<semaphore_mem>>
      %dma_start3A_187 = arith.constant 0 : i32
      %dma_start3A_188 = tpu.memref_slice %arg11[%multiple_of3A_57, %dma_start3A_187] : memref<81920x128xf32, #tpu.memory_space<hbm>> -> memref<640x128xf32, #tpu.memory_space<hbm>>
      %dma_start3A_189 = arith.constant 0 : i32
      %dma_start3A_190 = tpu.memref_slice %arg13[%multiple_of3A, %dma_start3A_189] : memref<10240x128xf32, #tpu.memory_space<vmem_shared>> -> memref<640x128xf32, #tpu.memory_space<vmem_shared>>
      tpu.enqueue_dma source(%dma_start3A_190 : memref<640x128xf32, #tpu.memory_space<vmem_shared>>) target(%dma_start3A_188 : memref<640x128xf32, #tpu.memory_space<hbm>>) target_semaphore(%run_scoped3A : memref<!tpu.dma_semaphore, #tpu.memory_space<semaphore_mem>>)
      %dma_wait3A = arith.constant 0 : i32
      %dma_wait3A_191 = tpu.memref_slice %arg11[%multiple_of3A_57, %dma_wait3A] : memref<81920x128xf32, #tpu.memory_space<hbm>> -> memref<640x128xf32, #tpu.memory_space<hbm>>
      %dma_wait3A_192 = arith.constant 0 : i32
      %dma_wait3A_193 = tpu.memref_slice %arg13[%multiple_of3A, %dma_wait3A_192] : memref<10240x128xf32, #tpu.memory_space<vmem_shared>> -> memref<640x128xf32, #tpu.memory_space<vmem_shared>>
      tpu.wait_dma2 semaphore(%run_scoped3A : memref<!tpu.dma_semaphore, #tpu.memory_space<semaphore_mem>>) src(%dma_wait3A_193 : memref<640x128xf32, #tpu.memory_space<vmem_shared>>) dst(%dma_wait3A_191 : memref<640x128xf32, #tpu.memory_space<hbm>>)
      tpu.yield
    }) : () -> ()
    "tpu.region"() ({
      %run_scoped3A = tpu.sem_alloc : memref<!tpu.dma_semaphore, #tpu.memory_space<semaphore_mem>>
      tpu.enqueue_dma source(%arg9 : memref<64x128xf32, #tpu.memory_space<hbm>>) target(%arg18 : memref<64x128xf32, #tpu.memory_space<vmem>>) target_semaphore(%run_scoped3A : memref<!tpu.dma_semaphore, #tpu.memory_space<semaphore_mem>>)
      tpu.wait_dma2 semaphore(%run_scoped3A : memref<!tpu.dma_semaphore, #tpu.memory_space<semaphore_mem>>) src(%arg9 : memref<64x128xf32, #tpu.memory_space<hbm>>) dst(%arg18 : memref<64x128xf32, #tpu.memory_space<vmem>>)
      tpu.yield
    }) : () -> ()
    %add3A_58 = arith.constant 0 : i32
    %add3A_59 = arith.addi %multiple_of3A, %add3A_58 : i32
    "tpu.region"() ({
      %run_scoped3A = tpu.sem_alloc : memref<!tpu.dma_semaphore, #tpu.memory_space<semaphore_mem>>
      %dma_start3A_187 = arith.constant 0 : i32
      %dma_start3A_188 = tpu.memref_slice %arg13[%add3A_59, %dma_start3A_187] : memref<10240x128xf32, #tpu.memory_space<vmem_shared>> -> memref<64x128xf32, #tpu.memory_space<vmem_shared>>
      %dma_start3A_189 = arith.constant 0 : i32
      %dma_start3A_190 = tpu.memref_slice %arg13[%add3A_59, %dma_start3A_189] : memref<10240x128xf32, #tpu.memory_space<vmem_shared>> -> memref<64x128xf32, #tpu.memory_space<vmem_shared>>
      tpu.enqueue_dma source(%arg18 : memref<64x128xf32, #tpu.memory_space<vmem>>) target(%dma_start3A_190 : memref<64x128xf32, #tpu.memory_space<vmem_shared>>) target_semaphore(%run_scoped3A : memref<!tpu.dma_semaphore, #tpu.memory_space<semaphore_mem>>)
      %dma_wait3A = arith.constant 0 : i32
      %dma_wait3A_191 = tpu.memref_slice %arg13[%add3A_59, %dma_wait3A] : memref<10240x128xf32, #tpu.memory_space<vmem_shared>> -> memref<64x128xf32, #tpu.memory_space<vmem_shared>>
      %dma_wait3A_192 = arith.constant 0 : i32
      %dma_wait3A_193 = tpu.memref_slice %arg13[%add3A_59, %dma_wait3A_192] : memref<10240x128xf32, #tpu.memory_space<vmem_shared>> -> memref<64x128xf32, #tpu.memory_space<vmem_shared>>
      tpu.wait_dma2 semaphore(%run_scoped3A : memref<!tpu.dma_semaphore, #tpu.memory_space<semaphore_mem>>) src(%arg18 : memref<64x128xf32, #tpu.memory_space<vmem>>) dst(%dma_wait3A_193 : memref<64x128xf32, #tpu.memory_space<vmem_shared>>)
      tpu.yield
    }) : () -> ()
    %add3A_60 = arith.constant 64 : i32
    %add3A_61 = arith.addi %multiple_of3A, %add3A_60 : i32
    "tpu.region"() ({
      %run_scoped3A = tpu.sem_alloc : memref<!tpu.dma_semaphore, #tpu.memory_space<semaphore_mem>>
      %dma_start3A_187 = arith.constant 0 : i32
      %dma_start3A_188 = tpu.memref_slice %arg13[%add3A_61, %dma_start3A_187] : memref<10240x128xf32, #tpu.memory_space<vmem_shared>> -> memref<64x128xf32, #tpu.memory_space<vmem_shared>>
      %dma_start3A_189 = arith.constant 0 : i32
      %dma_start3A_190 = tpu.memref_slice %arg13[%add3A_61, %dma_start3A_189] : memref<10240x128xf32, #tpu.memory_space<vmem_shared>> -> memref<64x128xf32, #tpu.memory_space<vmem_shared>>
      tpu.enqueue_dma source(%arg18 : memref<64x128xf32, #tpu.memory_space<vmem>>) target(%dma_start3A_190 : memref<64x128xf32, #tpu.memory_space<vmem_shared>>) target_semaphore(%run_scoped3A : memref<!tpu.dma_semaphore, #tpu.memory_space<semaphore_mem>>)
      %dma_wait3A = arith.constant 0 : i32
      %dma_wait3A_191 = tpu.memref_slice %arg13[%add3A_61, %dma_wait3A] : memref<10240x128xf32, #tpu.memory_space<vmem_shared>> -> memref<64x128xf32, #tpu.memory_space<vmem_shared>>
      %dma_wait3A_192 = arith.constant 0 : i32
      %dma_wait3A_193 = tpu.memref_slice %arg13[%add3A_61, %dma_wait3A_192] : memref<10240x128xf32, #tpu.memory_space<vmem_shared>> -> memref<64x128xf32, #tpu.memory_space<vmem_shared>>
      tpu.wait_dma2 semaphore(%run_scoped3A : memref<!tpu.dma_semaphore, #tpu.memory_space<semaphore_mem>>) src(%arg18 : memref<64x128xf32, #tpu.memory_space<vmem>>) dst(%dma_wait3A_193 : memref<64x128xf32, #tpu.memory_space<vmem_shared>>)
      tpu.yield
    }) : () -> ()
    %add3A_62 = arith.constant 128 : i32
    %add3A_63 = arith.addi %multiple_of3A, %add3A_62 : i32
    "tpu.region"() ({
      %run_scoped3A = tpu.sem_alloc : memref<!tpu.dma_semaphore, #tpu.memory_space<semaphore_mem>>
      %dma_start3A_187 = arith.constant 0 : i32
      %dma_start3A_188 = tpu.memref_slice %arg13[%add3A_63, %dma_start3A_187] : memref<10240x128xf32, #tpu.memory_space<vmem_shared>> -> memref<64x128xf32, #tpu.memory_space<vmem_shared>>
      %dma_start3A_189 = arith.constant 0 : i32
      %dma_start3A_190 = tpu.memref_slice %arg13[%add3A_63, %dma_start3A_189] : memref<10240x128xf32, #tpu.memory_space<vmem_shared>> -> memref<64x128xf32, #tpu.memory_space<vmem_shared>>
      tpu.enqueue_dma source(%arg18 : memref<64x128xf32, #tpu.memory_space<vmem>>) target(%dma_start3A_190 : memref<64x128xf32, #tpu.memory_space<vmem_shared>>) target_semaphore(%run_scoped3A : memref<!tpu.dma_semaphore, #tpu.memory_space<semaphore_mem>>)
      %dma_wait3A = arith.constant 0 : i32
      %dma_wait3A_191 = tpu.memref_slice %arg13[%add3A_63, %dma_wait3A] : memref<10240x128xf32, #tpu.memory_space<vmem_shared>> -> memref<64x128xf32, #tpu.memory_space<vmem_shared>>
      %dma_wait3A_192 = arith.constant 0 : i32
      %dma_wait3A_193 = tpu.memref_slice %arg13[%add3A_63, %dma_wait3A_192] : memref<10240x128xf32, #tpu.memory_space<vmem_shared>> -> memref<64x128xf32, #tpu.memory_space<vmem_shared>>
      tpu.wait_dma2 semaphore(%run_scoped3A : memref<!tpu.dma_semaphore, #tpu.memory_space<semaphore_mem>>) src(%arg18 : memref<64x128xf32, #tpu.memory_space<vmem>>) dst(%dma_wait3A_193 : memref<64x128xf32, #tpu.memory_space<vmem_shared>>)
      tpu.yield
    }) : () -> ()
    %add3A_64 = arith.constant 192 : i32
    %add3A_65 = arith.addi %multiple_of3A, %add3A_64 : i32
    "tpu.region"() ({
      %run_scoped3A = tpu.sem_alloc : memref<!tpu.dma_semaphore, #tpu.memory_space<semaphore_mem>>
      %dma_start3A_187 = arith.constant 0 : i32
      %dma_start3A_188 = tpu.memref_slice %arg13[%add3A_65, %dma_start3A_187] : memref<10240x128xf32, #tpu.memory_space<vmem_shared>> -> memref<64x128xf32, #tpu.memory_space<vmem_shared>>
      %dma_start3A_189 = arith.constant 0 : i32
      %dma_start3A_190 = tpu.memref_slice %arg13[%add3A_65, %dma_start3A_189] : memref<10240x128xf32, #tpu.memory_space<vmem_shared>> -> memref<64x128xf32, #tpu.memory_space<vmem_shared>>
      tpu.enqueue_dma source(%arg18 : memref<64x128xf32, #tpu.memory_space<vmem>>) target(%dma_start3A_190 : memref<64x128xf32, #tpu.memory_space<vmem_shared>>) target_semaphore(%run_scoped3A : memref<!tpu.dma_semaphore, #tpu.memory_space<semaphore_mem>>)
      %dma_wait3A = arith.constant 0 : i32
      %dma_wait3A_191 = tpu.memref_slice %arg13[%add3A_65, %dma_wait3A] : memref<10240x128xf32, #tpu.memory_space<vmem_shared>> -> memref<64x128xf32, #tpu.memory_space<vmem_shared>>
      %dma_wait3A_192 = arith.constant 0 : i32
      %dma_wait3A_193 = tpu.memref_slice %arg13[%add3A_65, %dma_wait3A_192] : memref<10240x128xf32, #tpu.memory_space<vmem_shared>> -> memref<64x128xf32, #tpu.memory_space<vmem_shared>>
      tpu.wait_dma2 semaphore(%run_scoped3A : memref<!tpu.dma_semaphore, #tpu.memory_space<semaphore_mem>>) src(%arg18 : memref<64x128xf32, #tpu.memory_space<vmem>>) dst(%dma_wait3A_193 : memref<64x128xf32, #tpu.memory_space<vmem_shared>>)
      tpu.yield
    }) : () -> ()
    %add3A_66 = arith.constant 256 : i32
    %add3A_67 = arith.addi %multiple_of3A, %add3A_66 : i32
    "tpu.region"() ({
      %run_scoped3A = tpu.sem_alloc : memref<!tpu.dma_semaphore, #tpu.memory_space<semaphore_mem>>
      %dma_start3A_187 = arith.constant 0 : i32
      %dma_start3A_188 = tpu.memref_slice %arg13[%add3A_67, %dma_start3A_187] : memref<10240x128xf32, #tpu.memory_space<vmem_shared>> -> memref<64x128xf32, #tpu.memory_space<vmem_shared>>
      %dma_start3A_189 = arith.constant 0 : i32
      %dma_start3A_190 = tpu.memref_slice %arg13[%add3A_67, %dma_start3A_189] : memref<10240x128xf32, #tpu.memory_space<vmem_shared>> -> memref<64x128xf32, #tpu.memory_space<vmem_shared>>
      tpu.enqueue_dma source(%arg18 : memref<64x128xf32, #tpu.memory_space<vmem>>) target(%dma_start3A_190 : memref<64x128xf32, #tpu.memory_space<vmem_shared>>) target_semaphore(%run_scoped3A : memref<!tpu.dma_semaphore, #tpu.memory_space<semaphore_mem>>)
      %dma_wait3A = arith.constant 0 : i32
      %dma_wait3A_191 = tpu.memref_slice %arg13[%add3A_67, %dma_wait3A] : memref<10240x128xf32, #tpu.memory_space<vmem_shared>> -> memref<64x128xf32, #tpu.memory_space<vmem_shared>>
      %dma_wait3A_192 = arith.constant 0 : i32
      %dma_wait3A_193 = tpu.memref_slice %arg13[%add3A_67, %dma_wait3A_192] : memref<10240x128xf32, #tpu.memory_space<vmem_shared>> -> memref<64x128xf32, #tpu.memory_space<vmem_shared>>
      tpu.wait_dma2 semaphore(%run_scoped3A : memref<!tpu.dma_semaphore, #tpu.memory_space<semaphore_mem>>) src(%arg18 : memref<64x128xf32, #tpu.memory_space<vmem>>) dst(%dma_wait3A_193 : memref<64x128xf32, #tpu.memory_space<vmem_shared>>)
      tpu.yield
    }) : () -> ()
    %add3A_68 = arith.constant 320 : i32
    %add3A_69 = arith.addi %multiple_of3A, %add3A_68 : i32
    "tpu.region"() ({
      %run_scoped3A = tpu.sem_alloc : memref<!tpu.dma_semaphore, #tpu.memory_space<semaphore_mem>>
      %dma_start3A_187 = arith.constant 0 : i32
      %dma_start3A_188 = tpu.memref_slice %arg13[%add3A_69, %dma_start3A_187] : memref<10240x128xf32, #tpu.memory_space<vmem_shared>> -> memref<64x128xf32, #tpu.memory_space<vmem_shared>>
      %dma_start3A_189 = arith.constant 0 : i32
      %dma_start3A_190 = tpu.memref_slice %arg13[%add3A_69, %dma_start3A_189] : memref<10240x128xf32, #tpu.memory_space<vmem_shared>> -> memref<64x128xf32, #tpu.memory_space<vmem_shared>>
      tpu.enqueue_dma source(%arg18 : memref<64x128xf32, #tpu.memory_space<vmem>>) target(%dma_start3A_190 : memref<64x128xf32, #tpu.memory_space<vmem_shared>>) target_semaphore(%run_scoped3A : memref<!tpu.dma_semaphore, #tpu.memory_space<semaphore_mem>>)
      %dma_wait3A = arith.constant 0 : i32
      %dma_wait3A_191 = tpu.memref_slice %arg13[%add3A_69, %dma_wait3A] : memref<10240x128xf32, #tpu.memory_space<vmem_shared>> -> memref<64x128xf32, #tpu.memory_space<vmem_shared>>
      %dma_wait3A_192 = arith.constant 0 : i32
      %dma_wait3A_193 = tpu.memref_slice %arg13[%add3A_69, %dma_wait3A_192] : memref<10240x128xf32, #tpu.memory_space<vmem_shared>> -> memref<64x128xf32, #tpu.memory_space<vmem_shared>>
      tpu.wait_dma2 semaphore(%run_scoped3A : memref<!tpu.dma_semaphore, #tpu.memory_space<semaphore_mem>>) src(%arg18 : memref<64x128xf32, #tpu.memory_space<vmem>>) dst(%dma_wait3A_193 : memref<64x128xf32, #tpu.memory_space<vmem_shared>>)
      tpu.yield
    }) : () -> ()
    %add3A_70 = arith.constant 384 : i32
    %add3A_71 = arith.addi %multiple_of3A, %add3A_70 : i32
    "tpu.region"() ({
      %run_scoped3A = tpu.sem_alloc : memref<!tpu.dma_semaphore, #tpu.memory_space<semaphore_mem>>
      %dma_start3A_187 = arith.constant 0 : i32
      %dma_start3A_188 = tpu.memref_slice %arg13[%add3A_71, %dma_start3A_187] : memref<10240x128xf32, #tpu.memory_space<vmem_shared>> -> memref<64x128xf32, #tpu.memory_space<vmem_shared>>
      %dma_start3A_189 = arith.constant 0 : i32
      %dma_start3A_190 = tpu.memref_slice %arg13[%add3A_71, %dma_start3A_189] : memref<10240x128xf32, #tpu.memory_space<vmem_shared>> -> memref<64x128xf32, #tpu.memory_space<vmem_shared>>
      tpu.enqueue_dma source(%arg18 : memref<64x128xf32, #tpu.memory_space<vmem>>) target(%dma_start3A_190 : memref<64x128xf32, #tpu.memory_space<vmem_shared>>) target_semaphore(%run_scoped3A : memref<!tpu.dma_semaphore, #tpu.memory_space<semaphore_mem>>)
      %dma_wait3A = arith.constant 0 : i32
      %dma_wait3A_191 = tpu.memref_slice %arg13[%add3A_71, %dma_wait3A] : memref<10240x128xf32, #tpu.memory_space<vmem_shared>> -> memref<64x128xf32, #tpu.memory_space<vmem_shared>>
      %dma_wait3A_192 = arith.constant 0 : i32
      %dma_wait3A_193 = tpu.memref_slice %arg13[%add3A_71, %dma_wait3A_192] : memref<10240x128xf32, #tpu.memory_space<vmem_shared>> -> memref<64x128xf32, #tpu.memory_space<vmem_shared>>
      tpu.wait_dma2 semaphore(%run_scoped3A : memref<!tpu.dma_semaphore, #tpu.memory_space<semaphore_mem>>) src(%arg18 : memref<64x128xf32, #tpu.memory_space<vmem>>) dst(%dma_wait3A_193 : memref<64x128xf32, #tpu.memory_space<vmem_shared>>)
      tpu.yield
    }) : () -> ()
    %add3A_72 = arith.constant 448 : i32
    %add3A_73 = arith.addi %multiple_of3A, %add3A_72 : i32
    "tpu.region"() ({
      %run_scoped3A = tpu.sem_alloc : memref<!tpu.dma_semaphore, #tpu.memory_space<semaphore_mem>>
      %dma_start3A_187 = arith.constant 0 : i32
      %dma_start3A_188 = tpu.memref_slice %arg13[%add3A_73, %dma_start3A_187] : memref<10240x128xf32, #tpu.memory_space<vmem_shared>> -> memref<64x128xf32, #tpu.memory_space<vmem_shared>>
      %dma_start3A_189 = arith.constant 0 : i32
      %dma_start3A_190 = tpu.memref_slice %arg13[%add3A_73, %dma_start3A_189] : memref<10240x128xf32, #tpu.memory_space<vmem_shared>> -> memref<64x128xf32, #tpu.memory_space<vmem_shared>>
      tpu.enqueue_dma source(%arg18 : memref<64x128xf32, #tpu.memory_space<vmem>>) target(%dma_start3A_190 : memref<64x128xf32, #tpu.memory_space<vmem_shared>>) target_semaphore(%run_scoped3A : memref<!tpu.dma_semaphore, #tpu.memory_space<semaphore_mem>>)
      %dma_wait3A = arith.constant 0 : i32
      %dma_wait3A_191 = tpu.memref_slice %arg13[%add3A_73, %dma_wait3A] : memref<10240x128xf32, #tpu.memory_space<vmem_shared>> -> memref<64x128xf32, #tpu.memory_space<vmem_shared>>
      %dma_wait3A_192 = arith.constant 0 : i32
      %dma_wait3A_193 = tpu.memref_slice %arg13[%add3A_73, %dma_wait3A_192] : memref<10240x128xf32, #tpu.memory_space<vmem_shared>> -> memref<64x128xf32, #tpu.memory_space<vmem_shared>>
      tpu.wait_dma2 semaphore(%run_scoped3A : memref<!tpu.dma_semaphore, #tpu.memory_space<semaphore_mem>>) src(%arg18 : memref<64x128xf32, #tpu.memory_space<vmem>>) dst(%dma_wait3A_193 : memref<64x128xf32, #tpu.memory_space<vmem_shared>>)
      tpu.yield
    }) : () -> ()
    %add3A_74 = arith.constant 512 : i32
    %add3A_75 = arith.addi %multiple_of3A, %add3A_74 : i32
    "tpu.region"() ({
      %run_scoped3A = tpu.sem_alloc : memref<!tpu.dma_semaphore, #tpu.memory_space<semaphore_mem>>
      %dma_start3A_187 = arith.constant 0 : i32
      %dma_start3A_188 = tpu.memref_slice %arg13[%add3A_75, %dma_start3A_187] : memref<10240x128xf32, #tpu.memory_space<vmem_shared>> -> memref<64x128xf32, #tpu.memory_space<vmem_shared>>
      %dma_start3A_189 = arith.constant 0 : i32
      %dma_start3A_190 = tpu.memref_slice %arg13[%add3A_75, %dma_start3A_189] : memref<10240x128xf32, #tpu.memory_space<vmem_shared>> -> memref<64x128xf32, #tpu.memory_space<vmem_shared>>
      tpu.enqueue_dma source(%arg18 : memref<64x128xf32, #tpu.memory_space<vmem>>) target(%dma_start3A_190 : memref<64x128xf32, #tpu.memory_space<vmem_shared>>) target_semaphore(%run_scoped3A : memref<!tpu.dma_semaphore, #tpu.memory_space<semaphore_mem>>)
      %dma_wait3A = arith.constant 0 : i32
      %dma_wait3A_191 = tpu.memref_slice %arg13[%add3A_75, %dma_wait3A] : memref<10240x128xf32, #tpu.memory_space<vmem_shared>> -> memref<64x128xf32, #tpu.memory_space<vmem_shared>>
      %dma_wait3A_192 = arith.constant 0 : i32
      %dma_wait3A_193 = tpu.memref_slice %arg13[%add3A_75, %dma_wait3A_192] : memref<10240x128xf32, #tpu.memory_space<vmem_shared>> -> memref<64x128xf32, #tpu.memory_space<vmem_shared>>
      tpu.wait_dma2 semaphore(%run_scoped3A : memref<!tpu.dma_semaphore, #tpu.memory_space<semaphore_mem>>) src(%arg18 : memref<64x128xf32, #tpu.memory_space<vmem>>) dst(%dma_wait3A_193 : memref<64x128xf32, #tpu.memory_space<vmem_shared>>)
      tpu.yield
    }) : () -> ()
    %add3A_76 = arith.constant 576 : i32
    %add3A_77 = arith.addi %multiple_of3A, %add3A_76 : i32
    "tpu.region"() ({
      %run_scoped3A = tpu.sem_alloc : memref<!tpu.dma_semaphore, #tpu.memory_space<semaphore_mem>>
      %dma_start3A_187 = arith.constant 0 : i32
      %dma_start3A_188 = tpu.memref_slice %arg13[%add3A_77, %dma_start3A_187] : memref<10240x128xf32, #tpu.memory_space<vmem_shared>> -> memref<64x128xf32, #tpu.memory_space<vmem_shared>>
      %dma_start3A_189 = arith.constant 0 : i32
      %dma_start3A_190 = tpu.memref_slice %arg13[%add3A_77, %dma_start3A_189] : memref<10240x128xf32, #tpu.memory_space<vmem_shared>> -> memref<64x128xf32, #tpu.memory_space<vmem_shared>>
      tpu.enqueue_dma source(%arg18 : memref<64x128xf32, #tpu.memory_space<vmem>>) target(%dma_start3A_190 : memref<64x128xf32, #tpu.memory_space<vmem_shared>>) target_semaphore(%run_scoped3A : memref<!tpu.dma_semaphore, #tpu.memory_space<semaphore_mem>>)
      %dma_wait3A = arith.constant 0 : i32
      %dma_wait3A_191 = tpu.memref_slice %arg13[%add3A_77, %dma_wait3A] : memref<10240x128xf32, #tpu.memory_space<vmem_shared>> -> memref<64x128xf32, #tpu.memory_space<vmem_shared>>
      %dma_wait3A_192 = arith.constant 0 : i32
      %dma_wait3A_193 = tpu.memref_slice %arg13[%add3A_77, %dma_wait3A_192] : memref<10240x128xf32, #tpu.memory_space<vmem_shared>> -> memref<64x128xf32, #tpu.memory_space<vmem_shared>>
      tpu.wait_dma2 semaphore(%run_scoped3A : memref<!tpu.dma_semaphore, #tpu.memory_space<semaphore_mem>>) src(%arg18 : memref<64x128xf32, #tpu.memory_space<vmem>>) dst(%dma_wait3A_193 : memref<64x128xf32, #tpu.memory_space<vmem_shared>>)
      tpu.yield
    }) : () -> ()
    %barrier3A_78 = arith.constant 0 : index
    tpu.barrier barrier_id(%barrier3A_78)
    %add3A_79 = arith.constant 0 : i32
    %add3A_80 = arith.addi %multiple_of3A_5, %add3A_79 : i32
    %multiple_of3A_81 = tpu.assume_multiple %add3A_80, 8 : i32
    %dma_start3A_82 = arith.constant 0 : i32
    %dma_start3A_83 = tpu.memref_slice %arg3[%multiple_of3A_81, %dma_start3A_82] : memref<163840x128xf32, #tpu.memory_space<hbm>> -> memref<64x128xf32, #tpu.memory_space<hbm>>
    %dma_start3A_84 = arith.constant 0 : i32
    %dma_start3A_85 = tpu.memref_slice %arg3[%multiple_of3A_81, %dma_start3A_84] : memref<163840x128xf32, #tpu.memory_space<hbm>> -> memref<64x128xf32, #tpu.memory_space<hbm>>
    tpu.enqueue_dma source(%dma_start3A_85 : memref<64x128xf32, #tpu.memory_space<hbm>>) target(%arg17 : memref<64x128xf32, #tpu.memory_space<vmem>>) target_semaphore(%arg19 : memref<!tpu.dma_semaphore, #tpu.memory_space<semaphore_mem>>)
    %scan3A_86 = arith.constant 0 : i32
    %scan3A_87 = arith.constant 0 : i32
    %scan3A_88 = arith.constant 40 : i32
    %scan3A_89 = arith.addi %scan3A_87, %scan3A_88 : i32
    %scan3A_90 = arith.constant 1 : i32
    scf.for %scan3A_187 = %scan3A_87 to %scan3A_89 step %scan3A_90  : i32 {
      %mul3A_188 = arith.constant 2 : i32
      %mul3A_189 = arith.muli %mul3A_188, %scan3A_187 : i32
      %mul3A_190 = arith.constant 2 : i32
      %mul3A_191 = arith.muli %mul3A_190, %scan3A_187 : i32
      %add3A_192 = arith.constant 1 : i32
      %add3A_193 = arith.addi %mul3A_191, %add3A_192 : i32
      %mul3A_194 = arith.constant 64 : i32
      %mul3A_195 = arith.muli %add3A_193, %mul3A_194 : i32
      %add3A_196 = arith.addi %multiple_of3A_5, %mul3A_195 : i32
      %multiple_of3A_197 = tpu.assume_multiple %add3A_196, 8 : i32
      %dma_start3A_198 = arith.constant 0 : i32
      %dma_start3A_199 = tpu.memref_slice %arg3[%multiple_of3A_197, %dma_start3A_198] : memref<163840x128xf32, #tpu.memory_space<hbm>> -> memref<64x128xf32, #tpu.memory_space<hbm>>
      %dma_start3A_200 = arith.constant 0 : i32
      %dma_start3A_201 = tpu.memref_slice %arg3[%multiple_of3A_197, %dma_start3A_200] : memref<163840x128xf32, #tpu.memory_space<hbm>> -> memref<64x128xf32, #tpu.memory_space<hbm>>
      tpu.enqueue_dma source(%dma_start3A_201 : memref<64x128xf32, #tpu.memory_space<hbm>>) target(%arg18 : memref<64x128xf32, #tpu.memory_space<vmem>>) target_semaphore(%arg20 : memref<!tpu.dma_semaphore, #tpu.memory_space<semaphore_mem>>)
      %dma_wait3A = arith.constant 0 : i32
      %dma_wait3A_202 = arith.constant 0 : i32
      %dma_wait3A_203 = tpu.memref_slice %arg3[%dma_wait3A, %dma_wait3A_202] : memref<163840x128xf32, #tpu.memory_space<hbm>> -> memref<64x128xf32, #tpu.memory_space<hbm>>
      %dma_wait3A_204 = arith.constant 0 : i32
      %dma_wait3A_205 = arith.constant 0 : i32
      %dma_wait3A_206 = tpu.memref_slice %arg3[%dma_wait3A_204, %dma_wait3A_205] : memref<163840x128xf32, #tpu.memory_space<hbm>> -> memref<64x128xf32, #tpu.memory_space<hbm>>
      tpu.wait_dma2 semaphore(%arg19 : memref<!tpu.dma_semaphore, #tpu.memory_space<semaphore_mem>>) src(%dma_wait3A_206 : memref<64x128xf32, #tpu.memory_space<hbm>>) dst(%arg17 : memref<64x128xf32, #tpu.memory_space<vmem>>)
      "tpu.region"() ({
        %run_scoped3A = tpu.sem_alloc : memref<!tpu.dma_semaphore, #tpu.memory_space<semaphore_mem>>
        %dma_start3A_217 = arith.constant 0 : i32
        %dma_start3A_218 = tpu.memref_slice %arg15[%mul3A_189, %dma_start3A_217] : memref<80x64xi32, #tpu.memory_space<vmem>> -> memref<1x64xi32, #tpu.memory_space<vmem>>
        %dma_start3A_219 = tpu.memref_squeeze %dma_start3A_218 : memref<1x64xi32, #tpu.memory_space<vmem>> -> memref<64xi32, #tpu.memory_space<vmem>>
        %dma_start3A_220 = arith.constant 0 : i32
        %dma_start3A_221 = arith.constant 0 : i32
        %dma_start3A_222 = tpu.memref_slice %arg13[%dma_start3A_220, %dma_start3A_221] : memref<10240x128xf32, #tpu.memory_space<vmem_shared>> -> memref<10240x128xf32, #tpu.memory_space<vmem_shared>>
        tpu.enqueue_indirect_dma source(%arg17 : memref<64x128xf32, #tpu.memory_space<vmem>>) target(%dma_start3A_222 : memref<10240x128xf32, #tpu.memory_space<vmem_shared>>) offsets(%dma_start3A_219 : memref<64xi32, #tpu.memory_space<vmem>>) semaphore(%run_scoped3A : memref<!tpu.dma_semaphore, #tpu.memory_space<semaphore_mem>>) {add = true}
        %dma_wait3A_223 = arith.constant 0 : i32
        %dma_wait3A_224 = tpu.memref_slice %arg15[%mul3A_189, %dma_wait3A_223] : memref<80x64xi32, #tpu.memory_space<vmem>> -> memref<1x64xi32, #tpu.memory_space<vmem>>
        %dma_wait3A_225 = tpu.memref_squeeze %dma_wait3A_224 : memref<1x64xi32, #tpu.memory_space<vmem>> -> memref<64xi32, #tpu.memory_space<vmem>>
        %dma_wait3A_226 = arith.constant 0 : i32
        %dma_wait3A_227 = arith.constant 0 : i32
        %dma_wait3A_228 = tpu.memref_slice %arg13[%dma_wait3A_226, %dma_wait3A_227] : memref<10240x128xf32, #tpu.memory_space<vmem_shared>> -> memref<10240x128xf32, #tpu.memory_space<vmem_shared>>
        tpu.wait_indirect_dma semaphore(%run_scoped3A : memref<!tpu.dma_semaphore, #tpu.memory_space<semaphore_mem>>) src(%arg17 : memref<64x128xf32, #tpu.memory_space<vmem>>) dst(%dma_wait3A_228 : memref<10240x128xf32, #tpu.memory_space<vmem_shared>>)
        tpu.yield
      }) : () -> ()
      "tpu.region"() ({
        %run_scoped3A = tpu.sem_alloc : memref<!tpu.dma_semaphore, #tpu.memory_space<semaphore_mem>>
        %dma_start3A_217 = arith.constant 0 : i32
        %dma_start3A_218 = tpu.memref_slice %arg16[%mul3A_189, %dma_start3A_217] : memref<80x64xi32, #tpu.memory_space<vmem>> -> memref<1x64xi32, #tpu.memory_space<vmem>>
        %dma_start3A_219 = tpu.memref_squeeze %dma_start3A_218 : memref<1x64xi32, #tpu.memory_space<vmem>> -> memref<64xi32, #tpu.memory_space<vmem>>
        %dma_start3A_220 = arith.constant 0 : i32
        %dma_start3A_221 = arith.constant 0 : i32
        %dma_start3A_222 = tpu.memref_slice %arg13[%dma_start3A_220, %dma_start3A_221] : memref<10240x128xf32, #tpu.memory_space<vmem_shared>> -> memref<10240x128xf32, #tpu.memory_space<vmem_shared>>
        tpu.enqueue_indirect_dma source(%arg17 : memref<64x128xf32, #tpu.memory_space<vmem>>) target(%dma_start3A_222 : memref<10240x128xf32, #tpu.memory_space<vmem_shared>>) offsets(%dma_start3A_219 : memref<64xi32, #tpu.memory_space<vmem>>) semaphore(%run_scoped3A : memref<!tpu.dma_semaphore, #tpu.memory_space<semaphore_mem>>) {add = true}
        %dma_wait3A_223 = arith.constant 0 : i32
        %dma_wait3A_224 = tpu.memref_slice %arg16[%mul3A_189, %dma_wait3A_223] : memref<80x64xi32, #tpu.memory_space<vmem>> -> memref<1x64xi32, #tpu.memory_space<vmem>>
        %dma_wait3A_225 = tpu.memref_squeeze %dma_wait3A_224 : memref<1x64xi32, #tpu.memory_space<vmem>> -> memref<64xi32, #tpu.memory_space<vmem>>
        %dma_wait3A_226 = arith.constant 0 : i32
        %dma_wait3A_227 = arith.constant 0 : i32
        %dma_wait3A_228 = tpu.memref_slice %arg13[%dma_wait3A_226, %dma_wait3A_227] : memref<10240x128xf32, #tpu.memory_space<vmem_shared>> -> memref<10240x128xf32, #tpu.memory_space<vmem_shared>>
        tpu.wait_indirect_dma semaphore(%run_scoped3A : memref<!tpu.dma_semaphore, #tpu.memory_space<semaphore_mem>>) src(%arg17 : memref<64x128xf32, #tpu.memory_space<vmem>>) dst(%dma_wait3A_228 : memref<10240x128xf32, #tpu.memory_space<vmem_shared>>)
        tpu.yield
      }) : () -> ()
      %add3A_207 = arith.constant 2 : i32
      %add3A_208 = arith.addi %mul3A_189, %add3A_207 : i32
      %lt3A = arith.constant 80 : i32
      %lt3A_209 = arith.cmpi slt, %add3A_208, %lt3A : i32
      %convert_element_type3A = arith.extui %lt3A_209 : i1 to i32
      %cond3A = arith.constant 0 : i32
      %cond3A_210 = arith.cmpi ne, %convert_element_type3A, %cond3A : i32
      scf.if %cond3A_210 {
        %add3A_217 = arith.constant 2 : i32
        %add3A_218 = arith.addi %mul3A_189, %add3A_217 : i32
        %mul3A_219 = arith.constant 64 : i32
        %mul3A_220 = arith.muli %add3A_218, %mul3A_219 : i32
        %add3A_221 = arith.addi %multiple_of3A_5, %mul3A_220 : i32
        %multiple_of3A_222 = tpu.assume_multiple %add3A_221, 8 : i32
        %dma_start3A_223 = arith.constant 0 : i32
        %dma_start3A_224 = tpu.memref_slice %arg3[%multiple_of3A_222, %dma_start3A_223] : memref<163840x128xf32, #tpu.memory_space<hbm>> -> memref<64x128xf32, #tpu.memory_space<hbm>>
        %dma_start3A_225 = arith.constant 0 : i32
        %dma_start3A_226 = tpu.memref_slice %arg3[%multiple_of3A_222, %dma_start3A_225] : memref<163840x128xf32, #tpu.memory_space<hbm>> -> memref<64x128xf32, #tpu.memory_space<hbm>>
        tpu.enqueue_dma source(%dma_start3A_226 : memref<64x128xf32, #tpu.memory_space<hbm>>) target(%arg17 : memref<64x128xf32, #tpu.memory_space<vmem>>) target_semaphore(%arg19 : memref<!tpu.dma_semaphore, #tpu.memory_space<semaphore_mem>>)
      } else {
      }
      %dma_wait3A_211 = arith.constant 0 : i32
      %dma_wait3A_212 = arith.constant 0 : i32
      %dma_wait3A_213 = tpu.memref_slice %arg3[%dma_wait3A_211, %dma_wait3A_212] : memref<163840x128xf32, #tpu.memory_space<hbm>> -> memref<64x128xf32, #tpu.memory_space<hbm>>
      %dma_wait3A_214 = arith.constant 0 : i32
      %dma_wait3A_215 = arith.constant 0 : i32
      %dma_wait3A_216 = tpu.memref_slice %arg3[%dma_wait3A_214, %dma_wait3A_215] : memref<163840x128xf32, #tpu.memory_space<hbm>> -> memref<64x128xf32, #tpu.memory_space<hbm>>
      tpu.wait_dma2 semaphore(%arg20 : memref<!tpu.dma_semaphore, #tpu.memory_space<semaphore_mem>>) src(%dma_wait3A_216 : memref<64x128xf32, #tpu.memory_space<hbm>>) dst(%arg18 : memref<64x128xf32, #tpu.memory_space<vmem>>)
      "tpu.region"() ({
        %run_scoped3A = tpu.sem_alloc : memref<!tpu.dma_semaphore, #tpu.memory_space<semaphore_mem>>
        %dma_start3A_217 = arith.constant 0 : i32
        %dma_start3A_218 = tpu.memref_slice %arg15[%add3A_193, %dma_start3A_217] : memref<80x64xi32, #tpu.memory_space<vmem>> -> memref<1x64xi32, #tpu.memory_space<vmem>>
        %dma_start3A_219 = tpu.memref_squeeze %dma_start3A_218 : memref<1x64xi32, #tpu.memory_space<vmem>> -> memref<64xi32, #tpu.memory_space<vmem>>
        %dma_start3A_220 = arith.constant 0 : i32
        %dma_start3A_221 = arith.constant 0 : i32
        %dma_start3A_222 = tpu.memref_slice %arg13[%dma_start3A_220, %dma_start3A_221] : memref<10240x128xf32, #tpu.memory_space<vmem_shared>> -> memref<10240x128xf32, #tpu.memory_space<vmem_shared>>
        tpu.enqueue_indirect_dma source(%arg18 : memref<64x128xf32, #tpu.memory_space<vmem>>) target(%dma_start3A_222 : memref<10240x128xf32, #tpu.memory_space<vmem_shared>>) offsets(%dma_start3A_219 : memref<64xi32, #tpu.memory_space<vmem>>) semaphore(%run_scoped3A : memref<!tpu.dma_semaphore, #tpu.memory_space<semaphore_mem>>) {add = true}
        %dma_wait3A_223 = arith.constant 0 : i32
        %dma_wait3A_224 = tpu.memref_slice %arg15[%add3A_193, %dma_wait3A_223] : memref<80x64xi32, #tpu.memory_space<vmem>> -> memref<1x64xi32, #tpu.memory_space<vmem>>
        %dma_wait3A_225 = tpu.memref_squeeze %dma_wait3A_224 : memref<1x64xi32, #tpu.memory_space<vmem>> -> memref<64xi32, #tpu.memory_space<vmem>>
        %dma_wait3A_226 = arith.constant 0 : i32
        %dma_wait3A_227 = arith.constant 0 : i32
        %dma_wait3A_228 = tpu.memref_slice %arg13[%dma_wait3A_226, %dma_wait3A_227] : memref<10240x128xf32, #tpu.memory_space<vmem_shared>> -> memref<10240x128xf32, #tpu.memory_space<vmem_shared>>
        tpu.wait_indirect_dma semaphore(%run_scoped3A : memref<!tpu.dma_semaphore, #tpu.memory_space<semaphore_mem>>) src(%arg18 : memref<64x128xf32, #tpu.memory_space<vmem>>) dst(%dma_wait3A_228 : memref<10240x128xf32, #tpu.memory_space<vmem_shared>>)
        tpu.yield
      }) : () -> ()
      "tpu.region"() ({
        %run_scoped3A = tpu.sem_alloc : memref<!tpu.dma_semaphore, #tpu.memory_space<semaphore_mem>>
        %dma_start3A_217 = arith.constant 0 : i32
        %dma_start3A_218 = tpu.memref_slice %arg16[%add3A_193, %dma_start3A_217] : memref<80x64xi32, #tpu.memory_space<vmem>> -> memref<1x64xi32, #tpu.memory_space<vmem>>
        %dma_start3A_219 = tpu.memref_squeeze %dma_start3A_218 : memref<1x64xi32, #tpu.memory_space<vmem>> -> memref<64xi32, #tpu.memory_space<vmem>>
        %dma_start3A_220 = arith.constant 0 : i32
        %dma_start3A_221 = arith.constant 0 : i32
        %dma_start3A_222 = tpu.memref_slice %arg13[%dma_start3A_220, %dma_start3A_221] : memref<10240x128xf32, #tpu.memory_space<vmem_shared>> -> memref<10240x128xf32, #tpu.memory_space<vmem_shared>>
        tpu.enqueue_indirect_dma source(%arg18 : memref<64x128xf32, #tpu.memory_space<vmem>>) target(%dma_start3A_222 : memref<10240x128xf32, #tpu.memory_space<vmem_shared>>) offsets(%dma_start3A_219 : memref<64xi32, #tpu.memory_space<vmem>>) semaphore(%run_scoped3A : memref<!tpu.dma_semaphore, #tpu.memory_space<semaphore_mem>>) {add = true}
        %dma_wait3A_223 = arith.constant 0 : i32
        %dma_wait3A_224 = tpu.memref_slice %arg16[%add3A_193, %dma_wait3A_223] : memref<80x64xi32, #tpu.memory_space<vmem>> -> memref<1x64xi32, #tpu.memory_space<vmem>>
        %dma_wait3A_225 = tpu.memref_squeeze %dma_wait3A_224 : memref<1x64xi32, #tpu.memory_space<vmem>> -> memref<64xi32, #tpu.memory_space<vmem>>
        %dma_wait3A_226 = arith.constant 0 : i32
        %dma_wait3A_227 = arith.constant 0 : i32
        %dma_wait3A_228 = tpu.memref_slice %arg13[%dma_wait3A_226, %dma_wait3A_227] : memref<10240x128xf32, #tpu.memory_space<vmem_shared>> -> memref<10240x128xf32, #tpu.memory_space<vmem_shared>>
        tpu.wait_indirect_dma semaphore(%run_scoped3A : memref<!tpu.dma_semaphore, #tpu.memory_space<semaphore_mem>>) src(%arg18 : memref<64x128xf32, #tpu.memory_space<vmem>>) dst(%dma_wait3A_228 : memref<10240x128xf32, #tpu.memory_space<vmem_shared>>)
        tpu.yield
      }) : () -> ()
    }
    %scan3A_91 = arith.constant 40 : i32
    %barrier3A_92 = arith.constant 0 : index
    tpu.barrier barrier_id(%barrier3A_92)
    %mul3A_93 = arith.constant 4 : i32
    %mul3A_94 = arith.muli %arg0, %mul3A_93 : i32
    %add3A_95 = arith.constant 1 : i32
    %add3A_96 = arith.addi %mul3A_94, %add3A_95 : i32
    %mul3A_97 = arith.constant 10240 : i32
    %mul3A_98 = arith.muli %add3A_96, %mul3A_97 : i32
    %add3A_99 = arith.addi %mul3A_98, %multiple_of3A : i32
    %multiple_of3A_100 = tpu.assume_multiple %add3A_99, 8 : i32
    "tpu.region"() ({
      %run_scoped3A = tpu.sem_alloc : memref<!tpu.dma_semaphore, #tpu.memory_space<semaphore_mem>>
      %dma_start3A_187 = arith.constant 0 : i32
      %dma_start3A_188 = tpu.memref_slice %arg11[%multiple_of3A_100, %dma_start3A_187] : memref<81920x128xf32, #tpu.memory_space<hbm>> -> memref<640x128xf32, #tpu.memory_space<hbm>>
      %dma_start3A_189 = arith.constant 0 : i32
      %dma_start3A_190 = tpu.memref_slice %arg13[%multiple_of3A, %dma_start3A_189] : memref<10240x128xf32, #tpu.memory_space<vmem_shared>> -> memref<640x128xf32, #tpu.memory_space<vmem_shared>>
      tpu.enqueue_dma source(%dma_start3A_190 : memref<640x128xf32, #tpu.memory_space<vmem_shared>>) target(%dma_start3A_188 : memref<640x128xf32, #tpu.memory_space<hbm>>) target_semaphore(%run_scoped3A : memref<!tpu.dma_semaphore, #tpu.memory_space<semaphore_mem>>)
      %dma_wait3A = arith.constant 0 : i32
      %dma_wait3A_191 = tpu.memref_slice %arg11[%multiple_of3A_100, %dma_wait3A] : memref<81920x128xf32, #tpu.memory_space<hbm>> -> memref<640x128xf32, #tpu.memory_space<hbm>>
      %dma_wait3A_192 = arith.constant 0 : i32
      %dma_wait3A_193 = tpu.memref_slice %arg13[%multiple_of3A, %dma_wait3A_192] : memref<10240x128xf32, #tpu.memory_space<vmem_shared>> -> memref<640x128xf32, #tpu.memory_space<vmem_shared>>
      tpu.wait_dma2 semaphore(%run_scoped3A : memref<!tpu.dma_semaphore, #tpu.memory_space<semaphore_mem>>) src(%dma_wait3A_193 : memref<640x128xf32, #tpu.memory_space<vmem_shared>>) dst(%dma_wait3A_191 : memref<640x128xf32, #tpu.memory_space<hbm>>)
      tpu.yield
    }) : () -> ()
    "tpu.region"() ({
      %run_scoped3A = tpu.sem_alloc : memref<!tpu.dma_semaphore, #tpu.memory_space<semaphore_mem>>
      tpu.enqueue_dma source(%arg9 : memref<64x128xf32, #tpu.memory_space<hbm>>) target(%arg18 : memref<64x128xf32, #tpu.memory_space<vmem>>) target_semaphore(%run_scoped3A : memref<!tpu.dma_semaphore, #tpu.memory_space<semaphore_mem>>)
      tpu.wait_dma2 semaphore(%run_scoped3A : memref<!tpu.dma_semaphore, #tpu.memory_space<semaphore_mem>>) src(%arg9 : memref<64x128xf32, #tpu.memory_space<hbm>>) dst(%arg18 : memref<64x128xf32, #tpu.memory_space<vmem>>)
      tpu.yield
    }) : () -> ()
    %add3A_101 = arith.constant 0 : i32
    %add3A_102 = arith.addi %multiple_of3A, %add3A_101 : i32
    "tpu.region"() ({
      %run_scoped3A = tpu.sem_alloc : memref<!tpu.dma_semaphore, #tpu.memory_space<semaphore_mem>>
      %dma_start3A_187 = arith.constant 0 : i32
      %dma_start3A_188 = tpu.memref_slice %arg13[%add3A_102, %dma_start3A_187] : memref<10240x128xf32, #tpu.memory_space<vmem_shared>> -> memref<64x128xf32, #tpu.memory_space<vmem_shared>>
      %dma_start3A_189 = arith.constant 0 : i32
      %dma_start3A_190 = tpu.memref_slice %arg13[%add3A_102, %dma_start3A_189] : memref<10240x128xf32, #tpu.memory_space<vmem_shared>> -> memref<64x128xf32, #tpu.memory_space<vmem_shared>>
      tpu.enqueue_dma source(%arg18 : memref<64x128xf32, #tpu.memory_space<vmem>>) target(%dma_start3A_190 : memref<64x128xf32, #tpu.memory_space<vmem_shared>>) target_semaphore(%run_scoped3A : memref<!tpu.dma_semaphore, #tpu.memory_space<semaphore_mem>>)
      %dma_wait3A = arith.constant 0 : i32
      %dma_wait3A_191 = tpu.memref_slice %arg13[%add3A_102, %dma_wait3A] : memref<10240x128xf32, #tpu.memory_space<vmem_shared>> -> memref<64x128xf32, #tpu.memory_space<vmem_shared>>
      %dma_wait3A_192 = arith.constant 0 : i32
      %dma_wait3A_193 = tpu.memref_slice %arg13[%add3A_102, %dma_wait3A_192] : memref<10240x128xf32, #tpu.memory_space<vmem_shared>> -> memref<64x128xf32, #tpu.memory_space<vmem_shared>>
      tpu.wait_dma2 semaphore(%run_scoped3A : memref<!tpu.dma_semaphore, #tpu.memory_space<semaphore_mem>>) src(%arg18 : memref<64x128xf32, #tpu.memory_space<vmem>>) dst(%dma_wait3A_193 : memref<64x128xf32, #tpu.memory_space<vmem_shared>>)
      tpu.yield
    }) : () -> ()
    %add3A_103 = arith.constant 64 : i32
    %add3A_104 = arith.addi %multiple_of3A, %add3A_103 : i32
    "tpu.region"() ({
      %run_scoped3A = tpu.sem_alloc : memref<!tpu.dma_semaphore, #tpu.memory_space<semaphore_mem>>
      %dma_start3A_187 = arith.constant 0 : i32
      %dma_start3A_188 = tpu.memref_slice %arg13[%add3A_104, %dma_start3A_187] : memref<10240x128xf32, #tpu.memory_space<vmem_shared>> -> memref<64x128xf32, #tpu.memory_space<vmem_shared>>
      %dma_start3A_189 = arith.constant 0 : i32
      %dma_start3A_190 = tpu.memref_slice %arg13[%add3A_104, %dma_start3A_189] : memref<10240x128xf32, #tpu.memory_space<vmem_shared>> -> memref<64x128xf32, #tpu.memory_space<vmem_shared>>
      tpu.enqueue_dma source(%arg18 : memref<64x128xf32, #tpu.memory_space<vmem>>) target(%dma_start3A_190 : memref<64x128xf32, #tpu.memory_space<vmem_shared>>) target_semaphore(%run_scoped3A : memref<!tpu.dma_semaphore, #tpu.memory_space<semaphore_mem>>)
      %dma_wait3A = arith.constant 0 : i32
      %dma_wait3A_191 = tpu.memref_slice %arg13[%add3A_104, %dma_wait3A] : memref<10240x128xf32, #tpu.memory_space<vmem_shared>> -> memref<64x128xf32, #tpu.memory_space<vmem_shared>>
      %dma_wait3A_192 = arith.constant 0 : i32
      %dma_wait3A_193 = tpu.memref_slice %arg13[%add3A_104, %dma_wait3A_192] : memref<10240x128xf32, #tpu.memory_space<vmem_shared>> -> memref<64x128xf32, #tpu.memory_space<vmem_shared>>
      tpu.wait_dma2 semaphore(%run_scoped3A : memref<!tpu.dma_semaphore, #tpu.memory_space<semaphore_mem>>) src(%arg18 : memref<64x128xf32, #tpu.memory_space<vmem>>) dst(%dma_wait3A_193 : memref<64x128xf32, #tpu.memory_space<vmem_shared>>)
      tpu.yield
    }) : () -> ()
    %add3A_105 = arith.constant 128 : i32
    %add3A_106 = arith.addi %multiple_of3A, %add3A_105 : i32
    "tpu.region"() ({
      %run_scoped3A = tpu.sem_alloc : memref<!tpu.dma_semaphore, #tpu.memory_space<semaphore_mem>>
      %dma_start3A_187 = arith.constant 0 : i32
      %dma_start3A_188 = tpu.memref_slice %arg13[%add3A_106, %dma_start3A_187] : memref<10240x128xf32, #tpu.memory_space<vmem_shared>> -> memref<64x128xf32, #tpu.memory_space<vmem_shared>>
      %dma_start3A_189 = arith.constant 0 : i32
      %dma_start3A_190 = tpu.memref_slice %arg13[%add3A_106, %dma_start3A_189] : memref<10240x128xf32, #tpu.memory_space<vmem_shared>> -> memref<64x128xf32, #tpu.memory_space<vmem_shared>>
      tpu.enqueue_dma source(%arg18 : memref<64x128xf32, #tpu.memory_space<vmem>>) target(%dma_start3A_190 : memref<64x128xf32, #tpu.memory_space<vmem_shared>>) target_semaphore(%run_scoped3A : memref<!tpu.dma_semaphore, #tpu.memory_space<semaphore_mem>>)
      %dma_wait3A = arith.constant 0 : i32
      %dma_wait3A_191 = tpu.memref_slice %arg13[%add3A_106, %dma_wait3A] : memref<10240x128xf32, #tpu.memory_space<vmem_shared>> -> memref<64x128xf32, #tpu.memory_space<vmem_shared>>
      %dma_wait3A_192 = arith.constant 0 : i32
      %dma_wait3A_193 = tpu.memref_slice %arg13[%add3A_106, %dma_wait3A_192] : memref<10240x128xf32, #tpu.memory_space<vmem_shared>> -> memref<64x128xf32, #tpu.memory_space<vmem_shared>>
      tpu.wait_dma2 semaphore(%run_scoped3A : memref<!tpu.dma_semaphore, #tpu.memory_space<semaphore_mem>>) src(%arg18 : memref<64x128xf32, #tpu.memory_space<vmem>>) dst(%dma_wait3A_193 : memref<64x128xf32, #tpu.memory_space<vmem_shared>>)
      tpu.yield
    }) : () -> ()
    %add3A_107 = arith.constant 192 : i32
    %add3A_108 = arith.addi %multiple_of3A, %add3A_107 : i32
    "tpu.region"() ({
      %run_scoped3A = tpu.sem_alloc : memref<!tpu.dma_semaphore, #tpu.memory_space<semaphore_mem>>
      %dma_start3A_187 = arith.constant 0 : i32
      %dma_start3A_188 = tpu.memref_slice %arg13[%add3A_108, %dma_start3A_187] : memref<10240x128xf32, #tpu.memory_space<vmem_shared>> -> memref<64x128xf32, #tpu.memory_space<vmem_shared>>
      %dma_start3A_189 = arith.constant 0 : i32
      %dma_start3A_190 = tpu.memref_slice %arg13[%add3A_108, %dma_start3A_189] : memref<10240x128xf32, #tpu.memory_space<vmem_shared>> -> memref<64x128xf32, #tpu.memory_space<vmem_shared>>
      tpu.enqueue_dma source(%arg18 : memref<64x128xf32, #tpu.memory_space<vmem>>) target(%dma_start3A_190 : memref<64x128xf32, #tpu.memory_space<vmem_shared>>) target_semaphore(%run_scoped3A : memref<!tpu.dma_semaphore, #tpu.memory_space<semaphore_mem>>)
      %dma_wait3A = arith.constant 0 : i32
      %dma_wait3A_191 = tpu.memref_slice %arg13[%add3A_108, %dma_wait3A] : memref<10240x128xf32, #tpu.memory_space<vmem_shared>> -> memref<64x128xf32, #tpu.memory_space<vmem_shared>>
      %dma_wait3A_192 = arith.constant 0 : i32
      %dma_wait3A_193 = tpu.memref_slice %arg13[%add3A_108, %dma_wait3A_192] : memref<10240x128xf32, #tpu.memory_space<vmem_shared>> -> memref<64x128xf32, #tpu.memory_space<vmem_shared>>
      tpu.wait_dma2 semaphore(%run_scoped3A : memref<!tpu.dma_semaphore, #tpu.memory_space<semaphore_mem>>) src(%arg18 : memref<64x128xf32, #tpu.memory_space<vmem>>) dst(%dma_wait3A_193 : memref<64x128xf32, #tpu.memory_space<vmem_shared>>)
      tpu.yield
    }) : () -> ()
    %add3A_109 = arith.constant 256 : i32
    %add3A_110 = arith.addi %multiple_of3A, %add3A_109 : i32
    "tpu.region"() ({
      %run_scoped3A = tpu.sem_alloc : memref<!tpu.dma_semaphore, #tpu.memory_space<semaphore_mem>>
      %dma_start3A_187 = arith.constant 0 : i32
      %dma_start3A_188 = tpu.memref_slice %arg13[%add3A_110, %dma_start3A_187] : memref<10240x128xf32, #tpu.memory_space<vmem_shared>> -> memref<64x128xf32, #tpu.memory_space<vmem_shared>>
      %dma_start3A_189 = arith.constant 0 : i32
      %dma_start3A_190 = tpu.memref_slice %arg13[%add3A_110, %dma_start3A_189] : memref<10240x128xf32, #tpu.memory_space<vmem_shared>> -> memref<64x128xf32, #tpu.memory_space<vmem_shared>>
      tpu.enqueue_dma source(%arg18 : memref<64x128xf32, #tpu.memory_space<vmem>>) target(%dma_start3A_190 : memref<64x128xf32, #tpu.memory_space<vmem_shared>>) target_semaphore(%run_scoped3A : memref<!tpu.dma_semaphore, #tpu.memory_space<semaphore_mem>>)
      %dma_wait3A = arith.constant 0 : i32
      %dma_wait3A_191 = tpu.memref_slice %arg13[%add3A_110, %dma_wait3A] : memref<10240x128xf32, #tpu.memory_space<vmem_shared>> -> memref<64x128xf32, #tpu.memory_space<vmem_shared>>
      %dma_wait3A_192 = arith.constant 0 : i32
      %dma_wait3A_193 = tpu.memref_slice %arg13[%add3A_110, %dma_wait3A_192] : memref<10240x128xf32, #tpu.memory_space<vmem_shared>> -> memref<64x128xf32, #tpu.memory_space<vmem_shared>>
      tpu.wait_dma2 semaphore(%run_scoped3A : memref<!tpu.dma_semaphore, #tpu.memory_space<semaphore_mem>>) src(%arg18 : memref<64x128xf32, #tpu.memory_space<vmem>>) dst(%dma_wait3A_193 : memref<64x128xf32, #tpu.memory_space<vmem_shared>>)
      tpu.yield
    }) : () -> ()
    %add3A_111 = arith.constant 320 : i32
    %add3A_112 = arith.addi %multiple_of3A, %add3A_111 : i32
    "tpu.region"() ({
      %run_scoped3A = tpu.sem_alloc : memref<!tpu.dma_semaphore, #tpu.memory_space<semaphore_mem>>
      %dma_start3A_187 = arith.constant 0 : i32
      %dma_start3A_188 = tpu.memref_slice %arg13[%add3A_112, %dma_start3A_187] : memref<10240x128xf32, #tpu.memory_space<vmem_shared>> -> memref<64x128xf32, #tpu.memory_space<vmem_shared>>
      %dma_start3A_189 = arith.constant 0 : i32
      %dma_start3A_190 = tpu.memref_slice %arg13[%add3A_112, %dma_start3A_189] : memref<10240x128xf32, #tpu.memory_space<vmem_shared>> -> memref<64x128xf32, #tpu.memory_space<vmem_shared>>
      tpu.enqueue_dma source(%arg18 : memref<64x128xf32, #tpu.memory_space<vmem>>) target(%dma_start3A_190 : memref<64x128xf32, #tpu.memory_space<vmem_shared>>) target_semaphore(%run_scoped3A : memref<!tpu.dma_semaphore, #tpu.memory_space<semaphore_mem>>)
      %dma_wait3A = arith.constant 0 : i32
      %dma_wait3A_191 = tpu.memref_slice %arg13[%add3A_112, %dma_wait3A] : memref<10240x128xf32, #tpu.memory_space<vmem_shared>> -> memref<64x128xf32, #tpu.memory_space<vmem_shared>>
      %dma_wait3A_192 = arith.constant 0 : i32
      %dma_wait3A_193 = tpu.memref_slice %arg13[%add3A_112, %dma_wait3A_192] : memref<10240x128xf32, #tpu.memory_space<vmem_shared>> -> memref<64x128xf32, #tpu.memory_space<vmem_shared>>
      tpu.wait_dma2 semaphore(%run_scoped3A : memref<!tpu.dma_semaphore, #tpu.memory_space<semaphore_mem>>) src(%arg18 : memref<64x128xf32, #tpu.memory_space<vmem>>) dst(%dma_wait3A_193 : memref<64x128xf32, #tpu.memory_space<vmem_shared>>)
      tpu.yield
    }) : () -> ()
    %add3A_113 = arith.constant 384 : i32
    %add3A_114 = arith.addi %multiple_of3A, %add3A_113 : i32
    "tpu.region"() ({
      %run_scoped3A = tpu.sem_alloc : memref<!tpu.dma_semaphore, #tpu.memory_space<semaphore_mem>>
      %dma_start3A_187 = arith.constant 0 : i32
      %dma_start3A_188 = tpu.memref_slice %arg13[%add3A_114, %dma_start3A_187] : memref<10240x128xf32, #tpu.memory_space<vmem_shared>> -> memref<64x128xf32, #tpu.memory_space<vmem_shared>>
      %dma_start3A_189 = arith.constant 0 : i32
      %dma_start3A_190 = tpu.memref_slice %arg13[%add3A_114, %dma_start3A_189] : memref<10240x128xf32, #tpu.memory_space<vmem_shared>> -> memref<64x128xf32, #tpu.memory_space<vmem_shared>>
      tpu.enqueue_dma source(%arg18 : memref<64x128xf32, #tpu.memory_space<vmem>>) target(%dma_start3A_190 : memref<64x128xf32, #tpu.memory_space<vmem_shared>>) target_semaphore(%run_scoped3A : memref<!tpu.dma_semaphore, #tpu.memory_space<semaphore_mem>>)
      %dma_wait3A = arith.constant 0 : i32
      %dma_wait3A_191 = tpu.memref_slice %arg13[%add3A_114, %dma_wait3A] : memref<10240x128xf32, #tpu.memory_space<vmem_shared>> -> memref<64x128xf32, #tpu.memory_space<vmem_shared>>
      %dma_wait3A_192 = arith.constant 0 : i32
      %dma_wait3A_193 = tpu.memref_slice %arg13[%add3A_114, %dma_wait3A_192] : memref<10240x128xf32, #tpu.memory_space<vmem_shared>> -> memref<64x128xf32, #tpu.memory_space<vmem_shared>>
      tpu.wait_dma2 semaphore(%run_scoped3A : memref<!tpu.dma_semaphore, #tpu.memory_space<semaphore_mem>>) src(%arg18 : memref<64x128xf32, #tpu.memory_space<vmem>>) dst(%dma_wait3A_193 : memref<64x128xf32, #tpu.memory_space<vmem_shared>>)
      tpu.yield
    }) : () -> ()
    %add3A_115 = arith.constant 448 : i32
    %add3A_116 = arith.addi %multiple_of3A, %add3A_115 : i32
    "tpu.region"() ({
      %run_scoped3A = tpu.sem_alloc : memref<!tpu.dma_semaphore, #tpu.memory_space<semaphore_mem>>
      %dma_start3A_187 = arith.constant 0 : i32
      %dma_start3A_188 = tpu.memref_slice %arg13[%add3A_116, %dma_start3A_187] : memref<10240x128xf32, #tpu.memory_space<vmem_shared>> -> memref<64x128xf32, #tpu.memory_space<vmem_shared>>
      %dma_start3A_189 = arith.constant 0 : i32
      %dma_start3A_190 = tpu.memref_slice %arg13[%add3A_116, %dma_start3A_189] : memref<10240x128xf32, #tpu.memory_space<vmem_shared>> -> memref<64x128xf32, #tpu.memory_space<vmem_shared>>
      tpu.enqueue_dma source(%arg18 : memref<64x128xf32, #tpu.memory_space<vmem>>) target(%dma_start3A_190 : memref<64x128xf32, #tpu.memory_space<vmem_shared>>) target_semaphore(%run_scoped3A : memref<!tpu.dma_semaphore, #tpu.memory_space<semaphore_mem>>)
      %dma_wait3A = arith.constant 0 : i32
      %dma_wait3A_191 = tpu.memref_slice %arg13[%add3A_116, %dma_wait3A] : memref<10240x128xf32, #tpu.memory_space<vmem_shared>> -> memref<64x128xf32, #tpu.memory_space<vmem_shared>>
      %dma_wait3A_192 = arith.constant 0 : i32
      %dma_wait3A_193 = tpu.memref_slice %arg13[%add3A_116, %dma_wait3A_192] : memref<10240x128xf32, #tpu.memory_space<vmem_shared>> -> memref<64x128xf32, #tpu.memory_space<vmem_shared>>
      tpu.wait_dma2 semaphore(%run_scoped3A : memref<!tpu.dma_semaphore, #tpu.memory_space<semaphore_mem>>) src(%arg18 : memref<64x128xf32, #tpu.memory_space<vmem>>) dst(%dma_wait3A_193 : memref<64x128xf32, #tpu.memory_space<vmem_shared>>)
      tpu.yield
    }) : () -> ()
    %add3A_117 = arith.constant 512 : i32
    %add3A_118 = arith.addi %multiple_of3A, %add3A_117 : i32
    "tpu.region"() ({
      %run_scoped3A = tpu.sem_alloc : memref<!tpu.dma_semaphore, #tpu.memory_space<semaphore_mem>>
      %dma_start3A_187 = arith.constant 0 : i32
      %dma_start3A_188 = tpu.memref_slice %arg13[%add3A_118, %dma_start3A_187] : memref<10240x128xf32, #tpu.memory_space<vmem_shared>> -> memref<64x128xf32, #tpu.memory_space<vmem_shared>>
      %dma_start3A_189 = arith.constant 0 : i32
      %dma_start3A_190 = tpu.memref_slice %arg13[%add3A_118, %dma_start3A_189] : memref<10240x128xf32, #tpu.memory_space<vmem_shared>> -> memref<64x128xf32, #tpu.memory_space<vmem_shared>>
      tpu.enqueue_dma source(%arg18 : memref<64x128xf32, #tpu.memory_space<vmem>>) target(%dma_start3A_190 : memref<64x128xf32, #tpu.memory_space<vmem_shared>>) target_semaphore(%run_scoped3A : memref<!tpu.dma_semaphore, #tpu.memory_space<semaphore_mem>>)
      %dma_wait3A = arith.constant 0 : i32
      %dma_wait3A_191 = tpu.memref_slice %arg13[%add3A_118, %dma_wait3A] : memref<10240x128xf32, #tpu.memory_space<vmem_shared>> -> memref<64x128xf32, #tpu.memory_space<vmem_shared>>
      %dma_wait3A_192 = arith.constant 0 : i32
      %dma_wait3A_193 = tpu.memref_slice %arg13[%add3A_118, %dma_wait3A_192] : memref<10240x128xf32, #tpu.memory_space<vmem_shared>> -> memref<64x128xf32, #tpu.memory_space<vmem_shared>>
      tpu.wait_dma2 semaphore(%run_scoped3A : memref<!tpu.dma_semaphore, #tpu.memory_space<semaphore_mem>>) src(%arg18 : memref<64x128xf32, #tpu.memory_space<vmem>>) dst(%dma_wait3A_193 : memref<64x128xf32, #tpu.memory_space<vmem_shared>>)
      tpu.yield
    }) : () -> ()
    %add3A_119 = arith.constant 576 : i32
    %add3A_120 = arith.addi %multiple_of3A, %add3A_119 : i32
    "tpu.region"() ({
      %run_scoped3A = tpu.sem_alloc : memref<!tpu.dma_semaphore, #tpu.memory_space<semaphore_mem>>
      %dma_start3A_187 = arith.constant 0 : i32
      %dma_start3A_188 = tpu.memref_slice %arg13[%add3A_120, %dma_start3A_187] : memref<10240x128xf32, #tpu.memory_space<vmem_shared>> -> memref<64x128xf32, #tpu.memory_space<vmem_shared>>
      %dma_start3A_189 = arith.constant 0 : i32
      %dma_start3A_190 = tpu.memref_slice %arg13[%add3A_120, %dma_start3A_189] : memref<10240x128xf32, #tpu.memory_space<vmem_shared>> -> memref<64x128xf32, #tpu.memory_space<vmem_shared>>
      tpu.enqueue_dma source(%arg18 : memref<64x128xf32, #tpu.memory_space<vmem>>) target(%dma_start3A_190 : memref<64x128xf32, #tpu.memory_space<vmem_shared>>) target_semaphore(%run_scoped3A : memref<!tpu.dma_semaphore, #tpu.memory_space<semaphore_mem>>)
      %dma_wait3A = arith.constant 0 : i32
      %dma_wait3A_191 = tpu.memref_slice %arg13[%add3A_120, %dma_wait3A] : memref<10240x128xf32, #tpu.memory_space<vmem_shared>> -> memref<64x128xf32, #tpu.memory_space<vmem_shared>>
      %dma_wait3A_192 = arith.constant 0 : i32
      %dma_wait3A_193 = tpu.memref_slice %arg13[%add3A_120, %dma_wait3A_192] : memref<10240x128xf32, #tpu.memory_space<vmem_shared>> -> memref<64x128xf32, #tpu.memory_space<vmem_shared>>
      tpu.wait_dma2 semaphore(%run_scoped3A : memref<!tpu.dma_semaphore, #tpu.memory_space<semaphore_mem>>) src(%arg18 : memref<64x128xf32, #tpu.memory_space<vmem>>) dst(%dma_wait3A_193 : memref<64x128xf32, #tpu.memory_space<vmem_shared>>)
      tpu.yield
    }) : () -> ()
    %barrier3A_121 = arith.constant 0 : index
    tpu.barrier barrier_id(%barrier3A_121)
    %add3A_122 = arith.constant 0 : i32
    %add3A_123 = arith.addi %multiple_of3A_5, %add3A_122 : i32
    %multiple_of3A_124 = tpu.assume_multiple %add3A_123, 8 : i32
    %dma_start3A_125 = arith.constant 0 : i32
    %dma_start3A_126 = tpu.memref_slice %arg4[%multiple_of3A_124, %dma_start3A_125] : memref<163840x128xf32, #tpu.memory_space<hbm>> -> memref<64x128xf32, #tpu.memory_space<hbm>>
    %dma_start3A_127 = arith.constant 0 : i32
    %dma_start3A_128 = tpu.memref_slice %arg4[%multiple_of3A_124, %dma_start3A_127] : memref<163840x128xf32, #tpu.memory_space<hbm>> -> memref<64x128xf32, #tpu.memory_space<hbm>>
    tpu.enqueue_dma source(%dma_start3A_128 : memref<64x128xf32, #tpu.memory_space<hbm>>) target(%arg17 : memref<64x128xf32, #tpu.memory_space<vmem>>) target_semaphore(%arg19 : memref<!tpu.dma_semaphore, #tpu.memory_space<semaphore_mem>>)
    %scan3A_129 = arith.constant 0 : i32
    %scan3A_130 = arith.constant 0 : i32
    %scan3A_131 = arith.constant 40 : i32
    %scan3A_132 = arith.addi %scan3A_130, %scan3A_131 : i32
    %scan3A_133 = arith.constant 1 : i32
    scf.for %scan3A_187 = %scan3A_130 to %scan3A_132 step %scan3A_133  : i32 {
      %mul3A_188 = arith.constant 2 : i32
      %mul3A_189 = arith.muli %mul3A_188, %scan3A_187 : i32
      %mul3A_190 = arith.constant 2 : i32
      %mul3A_191 = arith.muli %mul3A_190, %scan3A_187 : i32
      %add3A_192 = arith.constant 1 : i32
      %add3A_193 = arith.addi %mul3A_191, %add3A_192 : i32
      %mul3A_194 = arith.constant 64 : i32
      %mul3A_195 = arith.muli %add3A_193, %mul3A_194 : i32
      %add3A_196 = arith.addi %multiple_of3A_5, %mul3A_195 : i32
      %multiple_of3A_197 = tpu.assume_multiple %add3A_196, 8 : i32
      %dma_start3A_198 = arith.constant 0 : i32
      %dma_start3A_199 = tpu.memref_slice %arg4[%multiple_of3A_197, %dma_start3A_198] : memref<163840x128xf32, #tpu.memory_space<hbm>> -> memref<64x128xf32, #tpu.memory_space<hbm>>
      %dma_start3A_200 = arith.constant 0 : i32
      %dma_start3A_201 = tpu.memref_slice %arg4[%multiple_of3A_197, %dma_start3A_200] : memref<163840x128xf32, #tpu.memory_space<hbm>> -> memref<64x128xf32, #tpu.memory_space<hbm>>
      tpu.enqueue_dma source(%dma_start3A_201 : memref<64x128xf32, #tpu.memory_space<hbm>>) target(%arg18 : memref<64x128xf32, #tpu.memory_space<vmem>>) target_semaphore(%arg20 : memref<!tpu.dma_semaphore, #tpu.memory_space<semaphore_mem>>)
      %dma_wait3A = arith.constant 0 : i32
      %dma_wait3A_202 = arith.constant 0 : i32
      %dma_wait3A_203 = tpu.memref_slice %arg4[%dma_wait3A, %dma_wait3A_202] : memref<163840x128xf32, #tpu.memory_space<hbm>> -> memref<64x128xf32, #tpu.memory_space<hbm>>
      %dma_wait3A_204 = arith.constant 0 : i32
      %dma_wait3A_205 = arith.constant 0 : i32
      %dma_wait3A_206 = tpu.memref_slice %arg4[%dma_wait3A_204, %dma_wait3A_205] : memref<163840x128xf32, #tpu.memory_space<hbm>> -> memref<64x128xf32, #tpu.memory_space<hbm>>
      tpu.wait_dma2 semaphore(%arg19 : memref<!tpu.dma_semaphore, #tpu.memory_space<semaphore_mem>>) src(%dma_wait3A_206 : memref<64x128xf32, #tpu.memory_space<hbm>>) dst(%arg17 : memref<64x128xf32, #tpu.memory_space<vmem>>)
      "tpu.region"() ({
        %run_scoped3A = tpu.sem_alloc : memref<!tpu.dma_semaphore, #tpu.memory_space<semaphore_mem>>
        %dma_start3A_217 = arith.constant 0 : i32
        %dma_start3A_218 = tpu.memref_slice %arg15[%mul3A_189, %dma_start3A_217] : memref<80x64xi32, #tpu.memory_space<vmem>> -> memref<1x64xi32, #tpu.memory_space<vmem>>
        %dma_start3A_219 = tpu.memref_squeeze %dma_start3A_218 : memref<1x64xi32, #tpu.memory_space<vmem>> -> memref<64xi32, #tpu.memory_space<vmem>>
        %dma_start3A_220 = arith.constant 0 : i32
        %dma_start3A_221 = arith.constant 0 : i32
        %dma_start3A_222 = tpu.memref_slice %arg13[%dma_start3A_220, %dma_start3A_221] : memref<10240x128xf32, #tpu.memory_space<vmem_shared>> -> memref<10240x128xf32, #tpu.memory_space<vmem_shared>>
        tpu.enqueue_indirect_dma source(%arg17 : memref<64x128xf32, #tpu.memory_space<vmem>>) target(%dma_start3A_222 : memref<10240x128xf32, #tpu.memory_space<vmem_shared>>) offsets(%dma_start3A_219 : memref<64xi32, #tpu.memory_space<vmem>>) semaphore(%run_scoped3A : memref<!tpu.dma_semaphore, #tpu.memory_space<semaphore_mem>>) {add = true}
        %dma_wait3A_223 = arith.constant 0 : i32
        %dma_wait3A_224 = tpu.memref_slice %arg15[%mul3A_189, %dma_wait3A_223] : memref<80x64xi32, #tpu.memory_space<vmem>> -> memref<1x64xi32, #tpu.memory_space<vmem>>
        %dma_wait3A_225 = tpu.memref_squeeze %dma_wait3A_224 : memref<1x64xi32, #tpu.memory_space<vmem>> -> memref<64xi32, #tpu.memory_space<vmem>>
        %dma_wait3A_226 = arith.constant 0 : i32
        %dma_wait3A_227 = arith.constant 0 : i32
        %dma_wait3A_228 = tpu.memref_slice %arg13[%dma_wait3A_226, %dma_wait3A_227] : memref<10240x128xf32, #tpu.memory_space<vmem_shared>> -> memref<10240x128xf32, #tpu.memory_space<vmem_shared>>
        tpu.wait_indirect_dma semaphore(%run_scoped3A : memref<!tpu.dma_semaphore, #tpu.memory_space<semaphore_mem>>) src(%arg17 : memref<64x128xf32, #tpu.memory_space<vmem>>) dst(%dma_wait3A_228 : memref<10240x128xf32, #tpu.memory_space<vmem_shared>>)
        tpu.yield
      }) : () -> ()
      "tpu.region"() ({
        %run_scoped3A = tpu.sem_alloc : memref<!tpu.dma_semaphore, #tpu.memory_space<semaphore_mem>>
        %dma_start3A_217 = arith.constant 0 : i32
        %dma_start3A_218 = tpu.memref_slice %arg16[%mul3A_189, %dma_start3A_217] : memref<80x64xi32, #tpu.memory_space<vmem>> -> memref<1x64xi32, #tpu.memory_space<vmem>>
        %dma_start3A_219 = tpu.memref_squeeze %dma_start3A_218 : memref<1x64xi32, #tpu.memory_space<vmem>> -> memref<64xi32, #tpu.memory_space<vmem>>
        %dma_start3A_220 = arith.constant 0 : i32
        %dma_start3A_221 = arith.constant 0 : i32
        %dma_start3A_222 = tpu.memref_slice %arg13[%dma_start3A_220, %dma_start3A_221] : memref<10240x128xf32, #tpu.memory_space<vmem_shared>> -> memref<10240x128xf32, #tpu.memory_space<vmem_shared>>
        tpu.enqueue_indirect_dma source(%arg17 : memref<64x128xf32, #tpu.memory_space<vmem>>) target(%dma_start3A_222 : memref<10240x128xf32, #tpu.memory_space<vmem_shared>>) offsets(%dma_start3A_219 : memref<64xi32, #tpu.memory_space<vmem>>) semaphore(%run_scoped3A : memref<!tpu.dma_semaphore, #tpu.memory_space<semaphore_mem>>) {add = true}
        %dma_wait3A_223 = arith.constant 0 : i32
        %dma_wait3A_224 = tpu.memref_slice %arg16[%mul3A_189, %dma_wait3A_223] : memref<80x64xi32, #tpu.memory_space<vmem>> -> memref<1x64xi32, #tpu.memory_space<vmem>>
        %dma_wait3A_225 = tpu.memref_squeeze %dma_wait3A_224 : memref<1x64xi32, #tpu.memory_space<vmem>> -> memref<64xi32, #tpu.memory_space<vmem>>
        %dma_wait3A_226 = arith.constant 0 : i32
        %dma_wait3A_227 = arith.constant 0 : i32
        %dma_wait3A_228 = tpu.memref_slice %arg13[%dma_wait3A_226, %dma_wait3A_227] : memref<10240x128xf32, #tpu.memory_space<vmem_shared>> -> memref<10240x128xf32, #tpu.memory_space<vmem_shared>>
        tpu.wait_indirect_dma semaphore(%run_scoped3A : memref<!tpu.dma_semaphore, #tpu.memory_space<semaphore_mem>>) src(%arg17 : memref<64x128xf32, #tpu.memory_space<vmem>>) dst(%dma_wait3A_228 : memref<10240x128xf32, #tpu.memory_space<vmem_shared>>)
        tpu.yield
      }) : () -> ()
      %add3A_207 = arith.constant 2 : i32
      %add3A_208 = arith.addi %mul3A_189, %add3A_207 : i32
      %lt3A = arith.constant 80 : i32
      %lt3A_209 = arith.cmpi slt, %add3A_208, %lt3A : i32
      %convert_element_type3A = arith.extui %lt3A_209 : i1 to i32
      %cond3A = arith.constant 0 : i32
      %cond3A_210 = arith.cmpi ne, %convert_element_type3A, %cond3A : i32
      scf.if %cond3A_210 {
        %add3A_217 = arith.constant 2 : i32
        %add3A_218 = arith.addi %mul3A_189, %add3A_217 : i32
        %mul3A_219 = arith.constant 64 : i32
        %mul3A_220 = arith.muli %add3A_218, %mul3A_219 : i32
        %add3A_221 = arith.addi %multiple_of3A_5, %mul3A_220 : i32
        %multiple_of3A_222 = tpu.assume_multiple %add3A_221, 8 : i32
        %dma_start3A_223 = arith.constant 0 : i32
        %dma_start3A_224 = tpu.memref_slice %arg4[%multiple_of3A_222, %dma_start3A_223] : memref<163840x128xf32, #tpu.memory_space<hbm>> -> memref<64x128xf32, #tpu.memory_space<hbm>>
        %dma_start3A_225 = arith.constant 0 : i32
        %dma_start3A_226 = tpu.memref_slice %arg4[%multiple_of3A_222, %dma_start3A_225] : memref<163840x128xf32, #tpu.memory_space<hbm>> -> memref<64x128xf32, #tpu.memory_space<hbm>>
        tpu.enqueue_dma source(%dma_start3A_226 : memref<64x128xf32, #tpu.memory_space<hbm>>) target(%arg17 : memref<64x128xf32, #tpu.memory_space<vmem>>) target_semaphore(%arg19 : memref<!tpu.dma_semaphore, #tpu.memory_space<semaphore_mem>>)
      } else {
      }
      %dma_wait3A_211 = arith.constant 0 : i32
      %dma_wait3A_212 = arith.constant 0 : i32
      %dma_wait3A_213 = tpu.memref_slice %arg4[%dma_wait3A_211, %dma_wait3A_212] : memref<163840x128xf32, #tpu.memory_space<hbm>> -> memref<64x128xf32, #tpu.memory_space<hbm>>
      %dma_wait3A_214 = arith.constant 0 : i32
      %dma_wait3A_215 = arith.constant 0 : i32
      %dma_wait3A_216 = tpu.memref_slice %arg4[%dma_wait3A_214, %dma_wait3A_215] : memref<163840x128xf32, #tpu.memory_space<hbm>> -> memref<64x128xf32, #tpu.memory_space<hbm>>
      tpu.wait_dma2 semaphore(%arg20 : memref<!tpu.dma_semaphore, #tpu.memory_space<semaphore_mem>>) src(%dma_wait3A_216 : memref<64x128xf32, #tpu.memory_space<hbm>>) dst(%arg18 : memref<64x128xf32, #tpu.memory_space<vmem>>)
      "tpu.region"() ({
        %run_scoped3A = tpu.sem_alloc : memref<!tpu.dma_semaphore, #tpu.memory_space<semaphore_mem>>
        %dma_start3A_217 = arith.constant 0 : i32
        %dma_start3A_218 = tpu.memref_slice %arg15[%add3A_193, %dma_start3A_217] : memref<80x64xi32, #tpu.memory_space<vmem>> -> memref<1x64xi32, #tpu.memory_space<vmem>>
        %dma_start3A_219 = tpu.memref_squeeze %dma_start3A_218 : memref<1x64xi32, #tpu.memory_space<vmem>> -> memref<64xi32, #tpu.memory_space<vmem>>
        %dma_start3A_220 = arith.constant 0 : i32
        %dma_start3A_221 = arith.constant 0 : i32
        %dma_start3A_222 = tpu.memref_slice %arg13[%dma_start3A_220, %dma_start3A_221] : memref<10240x128xf32, #tpu.memory_space<vmem_shared>> -> memref<10240x128xf32, #tpu.memory_space<vmem_shared>>
        tpu.enqueue_indirect_dma source(%arg18 : memref<64x128xf32, #tpu.memory_space<vmem>>) target(%dma_start3A_222 : memref<10240x128xf32, #tpu.memory_space<vmem_shared>>) offsets(%dma_start3A_219 : memref<64xi32, #tpu.memory_space<vmem>>) semaphore(%run_scoped3A : memref<!tpu.dma_semaphore, #tpu.memory_space<semaphore_mem>>) {add = true}
        %dma_wait3A_223 = arith.constant 0 : i32
        %dma_wait3A_224 = tpu.memref_slice %arg15[%add3A_193, %dma_wait3A_223] : memref<80x64xi32, #tpu.memory_space<vmem>> -> memref<1x64xi32, #tpu.memory_space<vmem>>
        %dma_wait3A_225 = tpu.memref_squeeze %dma_wait3A_224 : memref<1x64xi32, #tpu.memory_space<vmem>> -> memref<64xi32, #tpu.memory_space<vmem>>
        %dma_wait3A_226 = arith.constant 0 : i32
        %dma_wait3A_227 = arith.constant 0 : i32
        %dma_wait3A_228 = tpu.memref_slice %arg13[%dma_wait3A_226, %dma_wait3A_227] : memref<10240x128xf32, #tpu.memory_space<vmem_shared>> -> memref<10240x128xf32, #tpu.memory_space<vmem_shared>>
        tpu.wait_indirect_dma semaphore(%run_scoped3A : memref<!tpu.dma_semaphore, #tpu.memory_space<semaphore_mem>>) src(%arg18 : memref<64x128xf32, #tpu.memory_space<vmem>>) dst(%dma_wait3A_228 : memref<10240x128xf32, #tpu.memory_space<vmem_shared>>)
        tpu.yield
      }) : () -> ()
      "tpu.region"() ({
        %run_scoped3A = tpu.sem_alloc : memref<!tpu.dma_semaphore, #tpu.memory_space<semaphore_mem>>
        %dma_start3A_217 = arith.constant 0 : i32
        %dma_start3A_218 = tpu.memref_slice %arg16[%add3A_193, %dma_start3A_217] : memref<80x64xi32, #tpu.memory_space<vmem>> -> memref<1x64xi32, #tpu.memory_space<vmem>>
        %dma_start3A_219 = tpu.memref_squeeze %dma_start3A_218 : memref<1x64xi32, #tpu.memory_space<vmem>> -> memref<64xi32, #tpu.memory_space<vmem>>
        %dma_start3A_220 = arith.constant 0 : i32
        %dma_start3A_221 = arith.constant 0 : i32
        %dma_start3A_222 = tpu.memref_slice %arg13[%dma_start3A_220, %dma_start3A_221] : memref<10240x128xf32, #tpu.memory_space<vmem_shared>> -> memref<10240x128xf32, #tpu.memory_space<vmem_shared>>
        tpu.enqueue_indirect_dma source(%arg18 : memref<64x128xf32, #tpu.memory_space<vmem>>) target(%dma_start3A_222 : memref<10240x128xf32, #tpu.memory_space<vmem_shared>>) offsets(%dma_start3A_219 : memref<64xi32, #tpu.memory_space<vmem>>) semaphore(%run_scoped3A : memref<!tpu.dma_semaphore, #tpu.memory_space<semaphore_mem>>) {add = true}
        %dma_wait3A_223 = arith.constant 0 : i32
        %dma_wait3A_224 = tpu.memref_slice %arg16[%add3A_193, %dma_wait3A_223] : memref<80x64xi32, #tpu.memory_space<vmem>> -> memref<1x64xi32, #tpu.memory_space<vmem>>
        %dma_wait3A_225 = tpu.memref_squeeze %dma_wait3A_224 : memref<1x64xi32, #tpu.memory_space<vmem>> -> memref<64xi32, #tpu.memory_space<vmem>>
        %dma_wait3A_226 = arith.constant 0 : i32
        %dma_wait3A_227 = arith.constant 0 : i32
        %dma_wait3A_228 = tpu.memref_slice %arg13[%dma_wait3A_226, %dma_wait3A_227] : memref<10240x128xf32, #tpu.memory_space<vmem_shared>> -> memref<10240x128xf32, #tpu.memory_space<vmem_shared>>
        tpu.wait_indirect_dma semaphore(%run_scoped3A : memref<!tpu.dma_semaphore, #tpu.memory_space<semaphore_mem>>) src(%arg18 : memref<64x128xf32, #tpu.memory_space<vmem>>) dst(%dma_wait3A_228 : memref<10240x128xf32, #tpu.memory_space<vmem_shared>>)
        tpu.yield
      }) : () -> ()
    }
    %scan3A_134 = arith.constant 40 : i32
    %barrier3A_135 = arith.constant 0 : index
    tpu.barrier barrier_id(%barrier3A_135)
    %mul3A_136 = arith.constant 4 : i32
    %mul3A_137 = arith.muli %arg0, %mul3A_136 : i32
    %add3A_138 = arith.constant 2 : i32
    %add3A_139 = arith.addi %mul3A_137, %add3A_138 : i32
    %mul3A_140 = arith.constant 10240 : i32
    %mul3A_141 = arith.muli %add3A_139, %mul3A_140 : i32
    %add3A_142 = arith.addi %mul3A_141, %multiple_of3A : i32
    %multiple_of3A_143 = tpu.assume_multiple %add3A_142, 8 : i32
    "tpu.region"() ({
      %run_scoped3A = tpu.sem_alloc : memref<!tpu.dma_semaphore, #tpu.memory_space<semaphore_mem>>
      %dma_start3A_187 = arith.constant 0 : i32
      %dma_start3A_188 = tpu.memref_slice %arg11[%multiple_of3A_143, %dma_start3A_187] : memref<81920x128xf32, #tpu.memory_space<hbm>> -> memref<640x128xf32, #tpu.memory_space<hbm>>
      %dma_start3A_189 = arith.constant 0 : i32
      %dma_start3A_190 = tpu.memref_slice %arg13[%multiple_of3A, %dma_start3A_189] : memref<10240x128xf32, #tpu.memory_space<vmem_shared>> -> memref<640x128xf32, #tpu.memory_space<vmem_shared>>
      tpu.enqueue_dma source(%dma_start3A_190 : memref<640x128xf32, #tpu.memory_space<vmem_shared>>) target(%dma_start3A_188 : memref<640x128xf32, #tpu.memory_space<hbm>>) target_semaphore(%run_scoped3A : memref<!tpu.dma_semaphore, #tpu.memory_space<semaphore_mem>>)
      %dma_wait3A = arith.constant 0 : i32
      %dma_wait3A_191 = tpu.memref_slice %arg11[%multiple_of3A_143, %dma_wait3A] : memref<81920x128xf32, #tpu.memory_space<hbm>> -> memref<640x128xf32, #tpu.memory_space<hbm>>
      %dma_wait3A_192 = arith.constant 0 : i32
      %dma_wait3A_193 = tpu.memref_slice %arg13[%multiple_of3A, %dma_wait3A_192] : memref<10240x128xf32, #tpu.memory_space<vmem_shared>> -> memref<640x128xf32, #tpu.memory_space<vmem_shared>>
      tpu.wait_dma2 semaphore(%run_scoped3A : memref<!tpu.dma_semaphore, #tpu.memory_space<semaphore_mem>>) src(%dma_wait3A_193 : memref<640x128xf32, #tpu.memory_space<vmem_shared>>) dst(%dma_wait3A_191 : memref<640x128xf32, #tpu.memory_space<hbm>>)
      tpu.yield
    }) : () -> ()
    "tpu.region"() ({
      %run_scoped3A = tpu.sem_alloc : memref<!tpu.dma_semaphore, #tpu.memory_space<semaphore_mem>>
      tpu.enqueue_dma source(%arg9 : memref<64x128xf32, #tpu.memory_space<hbm>>) target(%arg18 : memref<64x128xf32, #tpu.memory_space<vmem>>) target_semaphore(%run_scoped3A : memref<!tpu.dma_semaphore, #tpu.memory_space<semaphore_mem>>)
      tpu.wait_dma2 semaphore(%run_scoped3A : memref<!tpu.dma_semaphore, #tpu.memory_space<semaphore_mem>>) src(%arg9 : memref<64x128xf32, #tpu.memory_space<hbm>>) dst(%arg18 : memref<64x128xf32, #tpu.memory_space<vmem>>)
      tpu.yield
    }) : () -> ()
    %add3A_144 = arith.constant 0 : i32
    %add3A_145 = arith.addi %multiple_of3A, %add3A_144 : i32
    "tpu.region"() ({
      %run_scoped3A = tpu.sem_alloc : memref<!tpu.dma_semaphore, #tpu.memory_space<semaphore_mem>>
      %dma_start3A_187 = arith.constant 0 : i32
      %dma_start3A_188 = tpu.memref_slice %arg13[%add3A_145, %dma_start3A_187] : memref<10240x128xf32, #tpu.memory_space<vmem_shared>> -> memref<64x128xf32, #tpu.memory_space<vmem_shared>>
      %dma_start3A_189 = arith.constant 0 : i32
      %dma_start3A_190 = tpu.memref_slice %arg13[%add3A_145, %dma_start3A_189] : memref<10240x128xf32, #tpu.memory_space<vmem_shared>> -> memref<64x128xf32, #tpu.memory_space<vmem_shared>>
      tpu.enqueue_dma source(%arg18 : memref<64x128xf32, #tpu.memory_space<vmem>>) target(%dma_start3A_190 : memref<64x128xf32, #tpu.memory_space<vmem_shared>>) target_semaphore(%run_scoped3A : memref<!tpu.dma_semaphore, #tpu.memory_space<semaphore_mem>>)
      %dma_wait3A = arith.constant 0 : i32
      %dma_wait3A_191 = tpu.memref_slice %arg13[%add3A_145, %dma_wait3A] : memref<10240x128xf32, #tpu.memory_space<vmem_shared>> -> memref<64x128xf32, #tpu.memory_space<vmem_shared>>
      %dma_wait3A_192 = arith.constant 0 : i32
      %dma_wait3A_193 = tpu.memref_slice %arg13[%add3A_145, %dma_wait3A_192] : memref<10240x128xf32, #tpu.memory_space<vmem_shared>> -> memref<64x128xf32, #tpu.memory_space<vmem_shared>>
      tpu.wait_dma2 semaphore(%run_scoped3A : memref<!tpu.dma_semaphore, #tpu.memory_space<semaphore_mem>>) src(%arg18 : memref<64x128xf32, #tpu.memory_space<vmem>>) dst(%dma_wait3A_193 : memref<64x128xf32, #tpu.memory_space<vmem_shared>>)
      tpu.yield
    }) : () -> ()
    %add3A_146 = arith.constant 64 : i32
    %add3A_147 = arith.addi %multiple_of3A, %add3A_146 : i32
    "tpu.region"() ({
      %run_scoped3A = tpu.sem_alloc : memref<!tpu.dma_semaphore, #tpu.memory_space<semaphore_mem>>
      %dma_start3A_187 = arith.constant 0 : i32
      %dma_start3A_188 = tpu.memref_slice %arg13[%add3A_147, %dma_start3A_187] : memref<10240x128xf32, #tpu.memory_space<vmem_shared>> -> memref<64x128xf32, #tpu.memory_space<vmem_shared>>
      %dma_start3A_189 = arith.constant 0 : i32
      %dma_start3A_190 = tpu.memref_slice %arg13[%add3A_147, %dma_start3A_189] : memref<10240x128xf32, #tpu.memory_space<vmem_shared>> -> memref<64x128xf32, #tpu.memory_space<vmem_shared>>
      tpu.enqueue_dma source(%arg18 : memref<64x128xf32, #tpu.memory_space<vmem>>) target(%dma_start3A_190 : memref<64x128xf32, #tpu.memory_space<vmem_shared>>) target_semaphore(%run_scoped3A : memref<!tpu.dma_semaphore, #tpu.memory_space<semaphore_mem>>)
      %dma_wait3A = arith.constant 0 : i32
      %dma_wait3A_191 = tpu.memref_slice %arg13[%add3A_147, %dma_wait3A] : memref<10240x128xf32, #tpu.memory_space<vmem_shared>> -> memref<64x128xf32, #tpu.memory_space<vmem_shared>>
      %dma_wait3A_192 = arith.constant 0 : i32
      %dma_wait3A_193 = tpu.memref_slice %arg13[%add3A_147, %dma_wait3A_192] : memref<10240x128xf32, #tpu.memory_space<vmem_shared>> -> memref<64x128xf32, #tpu.memory_space<vmem_shared>>
      tpu.wait_dma2 semaphore(%run_scoped3A : memref<!tpu.dma_semaphore, #tpu.memory_space<semaphore_mem>>) src(%arg18 : memref<64x128xf32, #tpu.memory_space<vmem>>) dst(%dma_wait3A_193 : memref<64x128xf32, #tpu.memory_space<vmem_shared>>)
      tpu.yield
    }) : () -> ()
    %add3A_148 = arith.constant 128 : i32
    %add3A_149 = arith.addi %multiple_of3A, %add3A_148 : i32
    "tpu.region"() ({
      %run_scoped3A = tpu.sem_alloc : memref<!tpu.dma_semaphore, #tpu.memory_space<semaphore_mem>>
      %dma_start3A_187 = arith.constant 0 : i32
      %dma_start3A_188 = tpu.memref_slice %arg13[%add3A_149, %dma_start3A_187] : memref<10240x128xf32, #tpu.memory_space<vmem_shared>> -> memref<64x128xf32, #tpu.memory_space<vmem_shared>>
      %dma_start3A_189 = arith.constant 0 : i32
      %dma_start3A_190 = tpu.memref_slice %arg13[%add3A_149, %dma_start3A_189] : memref<10240x128xf32, #tpu.memory_space<vmem_shared>> -> memref<64x128xf32, #tpu.memory_space<vmem_shared>>
      tpu.enqueue_dma source(%arg18 : memref<64x128xf32, #tpu.memory_space<vmem>>) target(%dma_start3A_190 : memref<64x128xf32, #tpu.memory_space<vmem_shared>>) target_semaphore(%run_scoped3A : memref<!tpu.dma_semaphore, #tpu.memory_space<semaphore_mem>>)
      %dma_wait3A = arith.constant 0 : i32
      %dma_wait3A_191 = tpu.memref_slice %arg13[%add3A_149, %dma_wait3A] : memref<10240x128xf32, #tpu.memory_space<vmem_shared>> -> memref<64x128xf32, #tpu.memory_space<vmem_shared>>
      %dma_wait3A_192 = arith.constant 0 : i32
      %dma_wait3A_193 = tpu.memref_slice %arg13[%add3A_149, %dma_wait3A_192] : memref<10240x128xf32, #tpu.memory_space<vmem_shared>> -> memref<64x128xf32, #tpu.memory_space<vmem_shared>>
      tpu.wait_dma2 semaphore(%run_scoped3A : memref<!tpu.dma_semaphore, #tpu.memory_space<semaphore_mem>>) src(%arg18 : memref<64x128xf32, #tpu.memory_space<vmem>>) dst(%dma_wait3A_193 : memref<64x128xf32, #tpu.memory_space<vmem_shared>>)
      tpu.yield
    }) : () -> ()
    %add3A_150 = arith.constant 192 : i32
    %add3A_151 = arith.addi %multiple_of3A, %add3A_150 : i32
    "tpu.region"() ({
      %run_scoped3A = tpu.sem_alloc : memref<!tpu.dma_semaphore, #tpu.memory_space<semaphore_mem>>
      %dma_start3A_187 = arith.constant 0 : i32
      %dma_start3A_188 = tpu.memref_slice %arg13[%add3A_151, %dma_start3A_187] : memref<10240x128xf32, #tpu.memory_space<vmem_shared>> -> memref<64x128xf32, #tpu.memory_space<vmem_shared>>
      %dma_start3A_189 = arith.constant 0 : i32
      %dma_start3A_190 = tpu.memref_slice %arg13[%add3A_151, %dma_start3A_189] : memref<10240x128xf32, #tpu.memory_space<vmem_shared>> -> memref<64x128xf32, #tpu.memory_space<vmem_shared>>
      tpu.enqueue_dma source(%arg18 : memref<64x128xf32, #tpu.memory_space<vmem>>) target(%dma_start3A_190 : memref<64x128xf32, #tpu.memory_space<vmem_shared>>) target_semaphore(%run_scoped3A : memref<!tpu.dma_semaphore, #tpu.memory_space<semaphore_mem>>)
      %dma_wait3A = arith.constant 0 : i32
      %dma_wait3A_191 = tpu.memref_slice %arg13[%add3A_151, %dma_wait3A] : memref<10240x128xf32, #tpu.memory_space<vmem_shared>> -> memref<64x128xf32, #tpu.memory_space<vmem_shared>>
      %dma_wait3A_192 = arith.constant 0 : i32
      %dma_wait3A_193 = tpu.memref_slice %arg13[%add3A_151, %dma_wait3A_192] : memref<10240x128xf32, #tpu.memory_space<vmem_shared>> -> memref<64x128xf32, #tpu.memory_space<vmem_shared>>
      tpu.wait_dma2 semaphore(%run_scoped3A : memref<!tpu.dma_semaphore, #tpu.memory_space<semaphore_mem>>) src(%arg18 : memref<64x128xf32, #tpu.memory_space<vmem>>) dst(%dma_wait3A_193 : memref<64x128xf32, #tpu.memory_space<vmem_shared>>)
      tpu.yield
    }) : () -> ()
    %add3A_152 = arith.constant 256 : i32
    %add3A_153 = arith.addi %multiple_of3A, %add3A_152 : i32
    "tpu.region"() ({
      %run_scoped3A = tpu.sem_alloc : memref<!tpu.dma_semaphore, #tpu.memory_space<semaphore_mem>>
      %dma_start3A_187 = arith.constant 0 : i32
      %dma_start3A_188 = tpu.memref_slice %arg13[%add3A_153, %dma_start3A_187] : memref<10240x128xf32, #tpu.memory_space<vmem_shared>> -> memref<64x128xf32, #tpu.memory_space<vmem_shared>>
      %dma_start3A_189 = arith.constant 0 : i32
      %dma_start3A_190 = tpu.memref_slice %arg13[%add3A_153, %dma_start3A_189] : memref<10240x128xf32, #tpu.memory_space<vmem_shared>> -> memref<64x128xf32, #tpu.memory_space<vmem_shared>>
      tpu.enqueue_dma source(%arg18 : memref<64x128xf32, #tpu.memory_space<vmem>>) target(%dma_start3A_190 : memref<64x128xf32, #tpu.memory_space<vmem_shared>>) target_semaphore(%run_scoped3A : memref<!tpu.dma_semaphore, #tpu.memory_space<semaphore_mem>>)
      %dma_wait3A = arith.constant 0 : i32
      %dma_wait3A_191 = tpu.memref_slice %arg13[%add3A_153, %dma_wait3A] : memref<10240x128xf32, #tpu.memory_space<vmem_shared>> -> memref<64x128xf32, #tpu.memory_space<vmem_shared>>
      %dma_wait3A_192 = arith.constant 0 : i32
      %dma_wait3A_193 = tpu.memref_slice %arg13[%add3A_153, %dma_wait3A_192] : memref<10240x128xf32, #tpu.memory_space<vmem_shared>> -> memref<64x128xf32, #tpu.memory_space<vmem_shared>>
      tpu.wait_dma2 semaphore(%run_scoped3A : memref<!tpu.dma_semaphore, #tpu.memory_space<semaphore_mem>>) src(%arg18 : memref<64x128xf32, #tpu.memory_space<vmem>>) dst(%dma_wait3A_193 : memref<64x128xf32, #tpu.memory_space<vmem_shared>>)
      tpu.yield
    }) : () -> ()
    %add3A_154 = arith.constant 320 : i32
    %add3A_155 = arith.addi %multiple_of3A, %add3A_154 : i32
    "tpu.region"() ({
      %run_scoped3A = tpu.sem_alloc : memref<!tpu.dma_semaphore, #tpu.memory_space<semaphore_mem>>
      %dma_start3A_187 = arith.constant 0 : i32
      %dma_start3A_188 = tpu.memref_slice %arg13[%add3A_155, %dma_start3A_187] : memref<10240x128xf32, #tpu.memory_space<vmem_shared>> -> memref<64x128xf32, #tpu.memory_space<vmem_shared>>
      %dma_start3A_189 = arith.constant 0 : i32
      %dma_start3A_190 = tpu.memref_slice %arg13[%add3A_155, %dma_start3A_189] : memref<10240x128xf32, #tpu.memory_space<vmem_shared>> -> memref<64x128xf32, #tpu.memory_space<vmem_shared>>
      tpu.enqueue_dma source(%arg18 : memref<64x128xf32, #tpu.memory_space<vmem>>) target(%dma_start3A_190 : memref<64x128xf32, #tpu.memory_space<vmem_shared>>) target_semaphore(%run_scoped3A : memref<!tpu.dma_semaphore, #tpu.memory_space<semaphore_mem>>)
      %dma_wait3A = arith.constant 0 : i32
      %dma_wait3A_191 = tpu.memref_slice %arg13[%add3A_155, %dma_wait3A] : memref<10240x128xf32, #tpu.memory_space<vmem_shared>> -> memref<64x128xf32, #tpu.memory_space<vmem_shared>>
      %dma_wait3A_192 = arith.constant 0 : i32
      %dma_wait3A_193 = tpu.memref_slice %arg13[%add3A_155, %dma_wait3A_192] : memref<10240x128xf32, #tpu.memory_space<vmem_shared>> -> memref<64x128xf32, #tpu.memory_space<vmem_shared>>
      tpu.wait_dma2 semaphore(%run_scoped3A : memref<!tpu.dma_semaphore, #tpu.memory_space<semaphore_mem>>) src(%arg18 : memref<64x128xf32, #tpu.memory_space<vmem>>) dst(%dma_wait3A_193 : memref<64x128xf32, #tpu.memory_space<vmem_shared>>)
      tpu.yield
    }) : () -> ()
    %add3A_156 = arith.constant 384 : i32
    %add3A_157 = arith.addi %multiple_of3A, %add3A_156 : i32
    "tpu.region"() ({
      %run_scoped3A = tpu.sem_alloc : memref<!tpu.dma_semaphore, #tpu.memory_space<semaphore_mem>>
      %dma_start3A_187 = arith.constant 0 : i32
      %dma_start3A_188 = tpu.memref_slice %arg13[%add3A_157, %dma_start3A_187] : memref<10240x128xf32, #tpu.memory_space<vmem_shared>> -> memref<64x128xf32, #tpu.memory_space<vmem_shared>>
      %dma_start3A_189 = arith.constant 0 : i32
      %dma_start3A_190 = tpu.memref_slice %arg13[%add3A_157, %dma_start3A_189] : memref<10240x128xf32, #tpu.memory_space<vmem_shared>> -> memref<64x128xf32, #tpu.memory_space<vmem_shared>>
      tpu.enqueue_dma source(%arg18 : memref<64x128xf32, #tpu.memory_space<vmem>>) target(%dma_start3A_190 : memref<64x128xf32, #tpu.memory_space<vmem_shared>>) target_semaphore(%run_scoped3A : memref<!tpu.dma_semaphore, #tpu.memory_space<semaphore_mem>>)
      %dma_wait3A = arith.constant 0 : i32
      %dma_wait3A_191 = tpu.memref_slice %arg13[%add3A_157, %dma_wait3A] : memref<10240x128xf32, #tpu.memory_space<vmem_shared>> -> memref<64x128xf32, #tpu.memory_space<vmem_shared>>
      %dma_wait3A_192 = arith.constant 0 : i32
      %dma_wait3A_193 = tpu.memref_slice %arg13[%add3A_157, %dma_wait3A_192] : memref<10240x128xf32, #tpu.memory_space<vmem_shared>> -> memref<64x128xf32, #tpu.memory_space<vmem_shared>>
      tpu.wait_dma2 semaphore(%run_scoped3A : memref<!tpu.dma_semaphore, #tpu.memory_space<semaphore_mem>>) src(%arg18 : memref<64x128xf32, #tpu.memory_space<vmem>>) dst(%dma_wait3A_193 : memref<64x128xf32, #tpu.memory_space<vmem_shared>>)
      tpu.yield
    }) : () -> ()
    %add3A_158 = arith.constant 448 : i32
    %add3A_159 = arith.addi %multiple_of3A, %add3A_158 : i32
    "tpu.region"() ({
      %run_scoped3A = tpu.sem_alloc : memref<!tpu.dma_semaphore, #tpu.memory_space<semaphore_mem>>
      %dma_start3A_187 = arith.constant 0 : i32
      %dma_start3A_188 = tpu.memref_slice %arg13[%add3A_159, %dma_start3A_187] : memref<10240x128xf32, #tpu.memory_space<vmem_shared>> -> memref<64x128xf32, #tpu.memory_space<vmem_shared>>
      %dma_start3A_189 = arith.constant 0 : i32
      %dma_start3A_190 = tpu.memref_slice %arg13[%add3A_159, %dma_start3A_189] : memref<10240x128xf32, #tpu.memory_space<vmem_shared>> -> memref<64x128xf32, #tpu.memory_space<vmem_shared>>
      tpu.enqueue_dma source(%arg18 : memref<64x128xf32, #tpu.memory_space<vmem>>) target(%dma_start3A_190 : memref<64x128xf32, #tpu.memory_space<vmem_shared>>) target_semaphore(%run_scoped3A : memref<!tpu.dma_semaphore, #tpu.memory_space<semaphore_mem>>)
      %dma_wait3A = arith.constant 0 : i32
      %dma_wait3A_191 = tpu.memref_slice %arg13[%add3A_159, %dma_wait3A] : memref<10240x128xf32, #tpu.memory_space<vmem_shared>> -> memref<64x128xf32, #tpu.memory_space<vmem_shared>>
      %dma_wait3A_192 = arith.constant 0 : i32
      %dma_wait3A_193 = tpu.memref_slice %arg13[%add3A_159, %dma_wait3A_192] : memref<10240x128xf32, #tpu.memory_space<vmem_shared>> -> memref<64x128xf32, #tpu.memory_space<vmem_shared>>
      tpu.wait_dma2 semaphore(%run_scoped3A : memref<!tpu.dma_semaphore, #tpu.memory_space<semaphore_mem>>) src(%arg18 : memref<64x128xf32, #tpu.memory_space<vmem>>) dst(%dma_wait3A_193 : memref<64x128xf32, #tpu.memory_space<vmem_shared>>)
      tpu.yield
    }) : () -> ()
    %add3A_160 = arith.constant 512 : i32
    %add3A_161 = arith.addi %multiple_of3A, %add3A_160 : i32
    "tpu.region"() ({
      %run_scoped3A = tpu.sem_alloc : memref<!tpu.dma_semaphore, #tpu.memory_space<semaphore_mem>>
      %dma_start3A_187 = arith.constant 0 : i32
      %dma_start3A_188 = tpu.memref_slice %arg13[%add3A_161, %dma_start3A_187] : memref<10240x128xf32, #tpu.memory_space<vmem_shared>> -> memref<64x128xf32, #tpu.memory_space<vmem_shared>>
      %dma_start3A_189 = arith.constant 0 : i32
      %dma_start3A_190 = tpu.memref_slice %arg13[%add3A_161, %dma_start3A_189] : memref<10240x128xf32, #tpu.memory_space<vmem_shared>> -> memref<64x128xf32, #tpu.memory_space<vmem_shared>>
      tpu.enqueue_dma source(%arg18 : memref<64x128xf32, #tpu.memory_space<vmem>>) target(%dma_start3A_190 : memref<64x128xf32, #tpu.memory_space<vmem_shared>>) target_semaphore(%run_scoped3A : memref<!tpu.dma_semaphore, #tpu.memory_space<semaphore_mem>>)
      %dma_wait3A = arith.constant 0 : i32
      %dma_wait3A_191 = tpu.memref_slice %arg13[%add3A_161, %dma_wait3A] : memref<10240x128xf32, #tpu.memory_space<vmem_shared>> -> memref<64x128xf32, #tpu.memory_space<vmem_shared>>
      %dma_wait3A_192 = arith.constant 0 : i32
      %dma_wait3A_193 = tpu.memref_slice %arg13[%add3A_161, %dma_wait3A_192] : memref<10240x128xf32, #tpu.memory_space<vmem_shared>> -> memref<64x128xf32, #tpu.memory_space<vmem_shared>>
      tpu.wait_dma2 semaphore(%run_scoped3A : memref<!tpu.dma_semaphore, #tpu.memory_space<semaphore_mem>>) src(%arg18 : memref<64x128xf32, #tpu.memory_space<vmem>>) dst(%dma_wait3A_193 : memref<64x128xf32, #tpu.memory_space<vmem_shared>>)
      tpu.yield
    }) : () -> ()
    %add3A_162 = arith.constant 576 : i32
    %add3A_163 = arith.addi %multiple_of3A, %add3A_162 : i32
    "tpu.region"() ({
      %run_scoped3A = tpu.sem_alloc : memref<!tpu.dma_semaphore, #tpu.memory_space<semaphore_mem>>
      %dma_start3A_187 = arith.constant 0 : i32
      %dma_start3A_188 = tpu.memref_slice %arg13[%add3A_163, %dma_start3A_187] : memref<10240x128xf32, #tpu.memory_space<vmem_shared>> -> memref<64x128xf32, #tpu.memory_space<vmem_shared>>
      %dma_start3A_189 = arith.constant 0 : i32
      %dma_start3A_190 = tpu.memref_slice %arg13[%add3A_163, %dma_start3A_189] : memref<10240x128xf32, #tpu.memory_space<vmem_shared>> -> memref<64x128xf32, #tpu.memory_space<vmem_shared>>
      tpu.enqueue_dma source(%arg18 : memref<64x128xf32, #tpu.memory_space<vmem>>) target(%dma_start3A_190 : memref<64x128xf32, #tpu.memory_space<vmem_shared>>) target_semaphore(%run_scoped3A : memref<!tpu.dma_semaphore, #tpu.memory_space<semaphore_mem>>)
      %dma_wait3A = arith.constant 0 : i32
      %dma_wait3A_191 = tpu.memref_slice %arg13[%add3A_163, %dma_wait3A] : memref<10240x128xf32, #tpu.memory_space<vmem_shared>> -> memref<64x128xf32, #tpu.memory_space<vmem_shared>>
      %dma_wait3A_192 = arith.constant 0 : i32
      %dma_wait3A_193 = tpu.memref_slice %arg13[%add3A_163, %dma_wait3A_192] : memref<10240x128xf32, #tpu.memory_space<vmem_shared>> -> memref<64x128xf32, #tpu.memory_space<vmem_shared>>
      tpu.wait_dma2 semaphore(%run_scoped3A : memref<!tpu.dma_semaphore, #tpu.memory_space<semaphore_mem>>) src(%arg18 : memref<64x128xf32, #tpu.memory_space<vmem>>) dst(%dma_wait3A_193 : memref<64x128xf32, #tpu.memory_space<vmem_shared>>)
      tpu.yield
    }) : () -> ()
    %barrier3A_164 = arith.constant 0 : index
    tpu.barrier barrier_id(%barrier3A_164)
    %add3A_165 = arith.constant 0 : i32
    %add3A_166 = arith.addi %multiple_of3A_5, %add3A_165 : i32
    %multiple_of3A_167 = tpu.assume_multiple %add3A_166, 8 : i32
    %dma_start3A_168 = arith.constant 0 : i32
    %dma_start3A_169 = tpu.memref_slice %arg5[%multiple_of3A_167, %dma_start3A_168] : memref<163840x128xf32, #tpu.memory_space<hbm>> -> memref<64x128xf32, #tpu.memory_space<hbm>>
    %dma_start3A_170 = arith.constant 0 : i32
    %dma_start3A_171 = tpu.memref_slice %arg5[%multiple_of3A_167, %dma_start3A_170] : memref<163840x128xf32, #tpu.memory_space<hbm>> -> memref<64x128xf32, #tpu.memory_space<hbm>>
    tpu.enqueue_dma source(%dma_start3A_171 : memref<64x128xf32, #tpu.memory_space<hbm>>) target(%arg17 : memref<64x128xf32, #tpu.memory_space<vmem>>) target_semaphore(%arg19 : memref<!tpu.dma_semaphore, #tpu.memory_space<semaphore_mem>>)
    %scan3A_172 = arith.constant 0 : i32
    %scan3A_173 = arith.constant 0 : i32
    %scan3A_174 = arith.constant 40 : i32
    %scan3A_175 = arith.addi %scan3A_173, %scan3A_174 : i32
    %scan3A_176 = arith.constant 1 : i32
    scf.for %scan3A_187 = %scan3A_173 to %scan3A_175 step %scan3A_176  : i32 {
      %mul3A_188 = arith.constant 2 : i32
      %mul3A_189 = arith.muli %mul3A_188, %scan3A_187 : i32
      %mul3A_190 = arith.constant 2 : i32
      %mul3A_191 = arith.muli %mul3A_190, %scan3A_187 : i32
      %add3A_192 = arith.constant 1 : i32
      %add3A_193 = arith.addi %mul3A_191, %add3A_192 : i32
      %mul3A_194 = arith.constant 64 : i32
      %mul3A_195 = arith.muli %add3A_193, %mul3A_194 : i32
      %add3A_196 = arith.addi %multiple_of3A_5, %mul3A_195 : i32
      %multiple_of3A_197 = tpu.assume_multiple %add3A_196, 8 : i32
      %dma_start3A_198 = arith.constant 0 : i32
      %dma_start3A_199 = tpu.memref_slice %arg5[%multiple_of3A_197, %dma_start3A_198] : memref<163840x128xf32, #tpu.memory_space<hbm>> -> memref<64x128xf32, #tpu.memory_space<hbm>>
      %dma_start3A_200 = arith.constant 0 : i32
      %dma_start3A_201 = tpu.memref_slice %arg5[%multiple_of3A_197, %dma_start3A_200] : memref<163840x128xf32, #tpu.memory_space<hbm>> -> memref<64x128xf32, #tpu.memory_space<hbm>>
      tpu.enqueue_dma source(%dma_start3A_201 : memref<64x128xf32, #tpu.memory_space<hbm>>) target(%arg18 : memref<64x128xf32, #tpu.memory_space<vmem>>) target_semaphore(%arg20 : memref<!tpu.dma_semaphore, #tpu.memory_space<semaphore_mem>>)
      %dma_wait3A = arith.constant 0 : i32
      %dma_wait3A_202 = arith.constant 0 : i32
      %dma_wait3A_203 = tpu.memref_slice %arg5[%dma_wait3A, %dma_wait3A_202] : memref<163840x128xf32, #tpu.memory_space<hbm>> -> memref<64x128xf32, #tpu.memory_space<hbm>>
      %dma_wait3A_204 = arith.constant 0 : i32
      %dma_wait3A_205 = arith.constant 0 : i32
      %dma_wait3A_206 = tpu.memref_slice %arg5[%dma_wait3A_204, %dma_wait3A_205] : memref<163840x128xf32, #tpu.memory_space<hbm>> -> memref<64x128xf32, #tpu.memory_space<hbm>>
      tpu.wait_dma2 semaphore(%arg19 : memref<!tpu.dma_semaphore, #tpu.memory_space<semaphore_mem>>) src(%dma_wait3A_206 : memref<64x128xf32, #tpu.memory_space<hbm>>) dst(%arg17 : memref<64x128xf32, #tpu.memory_space<vmem>>)
      "tpu.region"() ({
        %run_scoped3A = tpu.sem_alloc : memref<!tpu.dma_semaphore, #tpu.memory_space<semaphore_mem>>
        %dma_start3A_217 = arith.constant 0 : i32
        %dma_start3A_218 = tpu.memref_slice %arg15[%mul3A_189, %dma_start3A_217] : memref<80x64xi32, #tpu.memory_space<vmem>> -> memref<1x64xi32, #tpu.memory_space<vmem>>
        %dma_start3A_219 = tpu.memref_squeeze %dma_start3A_218 : memref<1x64xi32, #tpu.memory_space<vmem>> -> memref<64xi32, #tpu.memory_space<vmem>>
        %dma_start3A_220 = arith.constant 0 : i32
        %dma_start3A_221 = arith.constant 0 : i32
        %dma_start3A_222 = tpu.memref_slice %arg13[%dma_start3A_220, %dma_start3A_221] : memref<10240x128xf32, #tpu.memory_space<vmem_shared>> -> memref<10240x128xf32, #tpu.memory_space<vmem_shared>>
        tpu.enqueue_indirect_dma source(%arg17 : memref<64x128xf32, #tpu.memory_space<vmem>>) target(%dma_start3A_222 : memref<10240x128xf32, #tpu.memory_space<vmem_shared>>) offsets(%dma_start3A_219 : memref<64xi32, #tpu.memory_space<vmem>>) semaphore(%run_scoped3A : memref<!tpu.dma_semaphore, #tpu.memory_space<semaphore_mem>>) {add = true}
        %dma_wait3A_223 = arith.constant 0 : i32
        %dma_wait3A_224 = tpu.memref_slice %arg15[%mul3A_189, %dma_wait3A_223] : memref<80x64xi32, #tpu.memory_space<vmem>> -> memref<1x64xi32, #tpu.memory_space<vmem>>
        %dma_wait3A_225 = tpu.memref_squeeze %dma_wait3A_224 : memref<1x64xi32, #tpu.memory_space<vmem>> -> memref<64xi32, #tpu.memory_space<vmem>>
        %dma_wait3A_226 = arith.constant 0 : i32
        %dma_wait3A_227 = arith.constant 0 : i32
        %dma_wait3A_228 = tpu.memref_slice %arg13[%dma_wait3A_226, %dma_wait3A_227] : memref<10240x128xf32, #tpu.memory_space<vmem_shared>> -> memref<10240x128xf32, #tpu.memory_space<vmem_shared>>
        tpu.wait_indirect_dma semaphore(%run_scoped3A : memref<!tpu.dma_semaphore, #tpu.memory_space<semaphore_mem>>) src(%arg17 : memref<64x128xf32, #tpu.memory_space<vmem>>) dst(%dma_wait3A_228 : memref<10240x128xf32, #tpu.memory_space<vmem_shared>>)
        tpu.yield
      }) : () -> ()
      "tpu.region"() ({
        %run_scoped3A = tpu.sem_alloc : memref<!tpu.dma_semaphore, #tpu.memory_space<semaphore_mem>>
        %dma_start3A_217 = arith.constant 0 : i32
        %dma_start3A_218 = tpu.memref_slice %arg16[%mul3A_189, %dma_start3A_217] : memref<80x64xi32, #tpu.memory_space<vmem>> -> memref<1x64xi32, #tpu.memory_space<vmem>>
        %dma_start3A_219 = tpu.memref_squeeze %dma_start3A_218 : memref<1x64xi32, #tpu.memory_space<vmem>> -> memref<64xi32, #tpu.memory_space<vmem>>
        %dma_start3A_220 = arith.constant 0 : i32
        %dma_start3A_221 = arith.constant 0 : i32
        %dma_start3A_222 = tpu.memref_slice %arg13[%dma_start3A_220, %dma_start3A_221] : memref<10240x128xf32, #tpu.memory_space<vmem_shared>> -> memref<10240x128xf32, #tpu.memory_space<vmem_shared>>
        tpu.enqueue_indirect_dma source(%arg17 : memref<64x128xf32, #tpu.memory_space<vmem>>) target(%dma_start3A_222 : memref<10240x128xf32, #tpu.memory_space<vmem_shared>>) offsets(%dma_start3A_219 : memref<64xi32, #tpu.memory_space<vmem>>) semaphore(%run_scoped3A : memref<!tpu.dma_semaphore, #tpu.memory_space<semaphore_mem>>) {add = true}
        %dma_wait3A_223 = arith.constant 0 : i32
        %dma_wait3A_224 = tpu.memref_slice %arg16[%mul3A_189, %dma_wait3A_223] : memref<80x64xi32, #tpu.memory_space<vmem>> -> memref<1x64xi32, #tpu.memory_space<vmem>>
        %dma_wait3A_225 = tpu.memref_squeeze %dma_wait3A_224 : memref<1x64xi32, #tpu.memory_space<vmem>> -> memref<64xi32, #tpu.memory_space<vmem>>
        %dma_wait3A_226 = arith.constant 0 : i32
        %dma_wait3A_227 = arith.constant 0 : i32
        %dma_wait3A_228 = tpu.memref_slice %arg13[%dma_wait3A_226, %dma_wait3A_227] : memref<10240x128xf32, #tpu.memory_space<vmem_shared>> -> memref<10240x128xf32, #tpu.memory_space<vmem_shared>>
        tpu.wait_indirect_dma semaphore(%run_scoped3A : memref<!tpu.dma_semaphore, #tpu.memory_space<semaphore_mem>>) src(%arg17 : memref<64x128xf32, #tpu.memory_space<vmem>>) dst(%dma_wait3A_228 : memref<10240x128xf32, #tpu.memory_space<vmem_shared>>)
        tpu.yield
      }) : () -> ()
      %add3A_207 = arith.constant 2 : i32
      %add3A_208 = arith.addi %mul3A_189, %add3A_207 : i32
      %lt3A = arith.constant 80 : i32
      %lt3A_209 = arith.cmpi slt, %add3A_208, %lt3A : i32
      %convert_element_type3A = arith.extui %lt3A_209 : i1 to i32
      %cond3A = arith.constant 0 : i32
      %cond3A_210 = arith.cmpi ne, %convert_element_type3A, %cond3A : i32
      scf.if %cond3A_210 {
        %add3A_217 = arith.constant 2 : i32
        %add3A_218 = arith.addi %mul3A_189, %add3A_217 : i32
        %mul3A_219 = arith.constant 64 : i32
        %mul3A_220 = arith.muli %add3A_218, %mul3A_219 : i32
        %add3A_221 = arith.addi %multiple_of3A_5, %mul3A_220 : i32
        %multiple_of3A_222 = tpu.assume_multiple %add3A_221, 8 : i32
        %dma_start3A_223 = arith.constant 0 : i32
        %dma_start3A_224 = tpu.memref_slice %arg5[%multiple_of3A_222, %dma_start3A_223] : memref<163840x128xf32, #tpu.memory_space<hbm>> -> memref<64x128xf32, #tpu.memory_space<hbm>>
        %dma_start3A_225 = arith.constant 0 : i32
        %dma_start3A_226 = tpu.memref_slice %arg5[%multiple_of3A_222, %dma_start3A_225] : memref<163840x128xf32, #tpu.memory_space<hbm>> -> memref<64x128xf32, #tpu.memory_space<hbm>>
        tpu.enqueue_dma source(%dma_start3A_226 : memref<64x128xf32, #tpu.memory_space<hbm>>) target(%arg17 : memref<64x128xf32, #tpu.memory_space<vmem>>) target_semaphore(%arg19 : memref<!tpu.dma_semaphore, #tpu.memory_space<semaphore_mem>>)
      } else {
      }
      %dma_wait3A_211 = arith.constant 0 : i32
      %dma_wait3A_212 = arith.constant 0 : i32
      %dma_wait3A_213 = tpu.memref_slice %arg5[%dma_wait3A_211, %dma_wait3A_212] : memref<163840x128xf32, #tpu.memory_space<hbm>> -> memref<64x128xf32, #tpu.memory_space<hbm>>
      %dma_wait3A_214 = arith.constant 0 : i32
      %dma_wait3A_215 = arith.constant 0 : i32
      %dma_wait3A_216 = tpu.memref_slice %arg5[%dma_wait3A_214, %dma_wait3A_215] : memref<163840x128xf32, #tpu.memory_space<hbm>> -> memref<64x128xf32, #tpu.memory_space<hbm>>
      tpu.wait_dma2 semaphore(%arg20 : memref<!tpu.dma_semaphore, #tpu.memory_space<semaphore_mem>>) src(%dma_wait3A_216 : memref<64x128xf32, #tpu.memory_space<hbm>>) dst(%arg18 : memref<64x128xf32, #tpu.memory_space<vmem>>)
      "tpu.region"() ({
        %run_scoped3A = tpu.sem_alloc : memref<!tpu.dma_semaphore, #tpu.memory_space<semaphore_mem>>
        %dma_start3A_217 = arith.constant 0 : i32
        %dma_start3A_218 = tpu.memref_slice %arg15[%add3A_193, %dma_start3A_217] : memref<80x64xi32, #tpu.memory_space<vmem>> -> memref<1x64xi32, #tpu.memory_space<vmem>>
        %dma_start3A_219 = tpu.memref_squeeze %dma_start3A_218 : memref<1x64xi32, #tpu.memory_space<vmem>> -> memref<64xi32, #tpu.memory_space<vmem>>
        %dma_start3A_220 = arith.constant 0 : i32
        %dma_start3A_221 = arith.constant 0 : i32
        %dma_start3A_222 = tpu.memref_slice %arg13[%dma_start3A_220, %dma_start3A_221] : memref<10240x128xf32, #tpu.memory_space<vmem_shared>> -> memref<10240x128xf32, #tpu.memory_space<vmem_shared>>
        tpu.enqueue_indirect_dma source(%arg18 : memref<64x128xf32, #tpu.memory_space<vmem>>) target(%dma_start3A_222 : memref<10240x128xf32, #tpu.memory_space<vmem_shared>>) offsets(%dma_start3A_219 : memref<64xi32, #tpu.memory_space<vmem>>) semaphore(%run_scoped3A : memref<!tpu.dma_semaphore, #tpu.memory_space<semaphore_mem>>) {add = true}
        %dma_wait3A_223 = arith.constant 0 : i32
        %dma_wait3A_224 = tpu.memref_slice %arg15[%add3A_193, %dma_wait3A_223] : memref<80x64xi32, #tpu.memory_space<vmem>> -> memref<1x64xi32, #tpu.memory_space<vmem>>
        %dma_wait3A_225 = tpu.memref_squeeze %dma_wait3A_224 : memref<1x64xi32, #tpu.memory_space<vmem>> -> memref<64xi32, #tpu.memory_space<vmem>>
        %dma_wait3A_226 = arith.constant 0 : i32
        %dma_wait3A_227 = arith.constant 0 : i32
        %dma_wait3A_228 = tpu.memref_slice %arg13[%dma_wait3A_226, %dma_wait3A_227] : memref<10240x128xf32, #tpu.memory_space<vmem_shared>> -> memref<10240x128xf32, #tpu.memory_space<vmem_shared>>
        tpu.wait_indirect_dma semaphore(%run_scoped3A : memref<!tpu.dma_semaphore, #tpu.memory_space<semaphore_mem>>) src(%arg18 : memref<64x128xf32, #tpu.memory_space<vmem>>) dst(%dma_wait3A_228 : memref<10240x128xf32, #tpu.memory_space<vmem_shared>>)
        tpu.yield
      }) : () -> ()
      "tpu.region"() ({
        %run_scoped3A = tpu.sem_alloc : memref<!tpu.dma_semaphore, #tpu.memory_space<semaphore_mem>>
        %dma_start3A_217 = arith.constant 0 : i32
        %dma_start3A_218 = tpu.memref_slice %arg16[%add3A_193, %dma_start3A_217] : memref<80x64xi32, #tpu.memory_space<vmem>> -> memref<1x64xi32, #tpu.memory_space<vmem>>
        %dma_start3A_219 = tpu.memref_squeeze %dma_start3A_218 : memref<1x64xi32, #tpu.memory_space<vmem>> -> memref<64xi32, #tpu.memory_space<vmem>>
        %dma_start3A_220 = arith.constant 0 : i32
        %dma_start3A_221 = arith.constant 0 : i32
        %dma_start3A_222 = tpu.memref_slice %arg13[%dma_start3A_220, %dma_start3A_221] : memref<10240x128xf32, #tpu.memory_space<vmem_shared>> -> memref<10240x128xf32, #tpu.memory_space<vmem_shared>>
        tpu.enqueue_indirect_dma source(%arg18 : memref<64x128xf32, #tpu.memory_space<vmem>>) target(%dma_start3A_222 : memref<10240x128xf32, #tpu.memory_space<vmem_shared>>) offsets(%dma_start3A_219 : memref<64xi32, #tpu.memory_space<vmem>>) semaphore(%run_scoped3A : memref<!tpu.dma_semaphore, #tpu.memory_space<semaphore_mem>>) {add = true}
        %dma_wait3A_223 = arith.constant 0 : i32
        %dma_wait3A_224 = tpu.memref_slice %arg16[%add3A_193, %dma_wait3A_223] : memref<80x64xi32, #tpu.memory_space<vmem>> -> memref<1x64xi32, #tpu.memory_space<vmem>>
        %dma_wait3A_225 = tpu.memref_squeeze %dma_wait3A_224 : memref<1x64xi32, #tpu.memory_space<vmem>> -> memref<64xi32, #tpu.memory_space<vmem>>
        %dma_wait3A_226 = arith.constant 0 : i32
        %dma_wait3A_227 = arith.constant 0 : i32
        %dma_wait3A_228 = tpu.memref_slice %arg13[%dma_wait3A_226, %dma_wait3A_227] : memref<10240x128xf32, #tpu.memory_space<vmem_shared>> -> memref<10240x128xf32, #tpu.memory_space<vmem_shared>>
        tpu.wait_indirect_dma semaphore(%run_scoped3A : memref<!tpu.dma_semaphore, #tpu.memory_space<semaphore_mem>>) src(%arg18 : memref<64x128xf32, #tpu.memory_space<vmem>>) dst(%dma_wait3A_228 : memref<10240x128xf32, #tpu.memory_space<vmem_shared>>)
        tpu.yield
      }) : () -> ()
    }
    %scan3A_177 = arith.constant 40 : i32
    %barrier3A_178 = arith.constant 0 : index
    tpu.barrier barrier_id(%barrier3A_178)
    %mul3A_179 = arith.constant 4 : i32
    %mul3A_180 = arith.muli %arg0, %mul3A_179 : i32
    %add3A_181 = arith.constant 3 : i32
    %add3A_182 = arith.addi %mul3A_180, %add3A_181 : i32
    %mul3A_183 = arith.constant 10240 : i32
    %mul3A_184 = arith.muli %add3A_182, %mul3A_183 : i32
    %add3A_185 = arith.addi %mul3A_184, %multiple_of3A : i32
    %multiple_of3A_186 = tpu.assume_multiple %add3A_185, 8 : i32
    "tpu.region"() ({
      %run_scoped3A = tpu.sem_alloc : memref<!tpu.dma_semaphore, #tpu.memory_space<semaphore_mem>>
      %dma_start3A_187 = arith.constant 0 : i32
      %dma_start3A_188 = tpu.memref_slice %arg11[%multiple_of3A_186, %dma_start3A_187] : memref<81920x128xf32, #tpu.memory_space<hbm>> -> memref<640x128xf32, #tpu.memory_space<hbm>>
      %dma_start3A_189 = arith.constant 0 : i32
      %dma_start3A_190 = tpu.memref_slice %arg13[%multiple_of3A, %dma_start3A_189] : memref<10240x128xf32, #tpu.memory_space<vmem_shared>> -> memref<640x128xf32, #tpu.memory_space<vmem_shared>>
      tpu.enqueue_dma source(%dma_start3A_190 : memref<640x128xf32, #tpu.memory_space<vmem_shared>>) target(%dma_start3A_188 : memref<640x128xf32, #tpu.memory_space<hbm>>) target_semaphore(%run_scoped3A : memref<!tpu.dma_semaphore, #tpu.memory_space<semaphore_mem>>)
      %dma_wait3A = arith.constant 0 : i32
      %dma_wait3A_191 = tpu.memref_slice %arg11[%multiple_of3A_186, %dma_wait3A] : memref<81920x128xf32, #tpu.memory_space<hbm>> -> memref<640x128xf32, #tpu.memory_space<hbm>>
      %dma_wait3A_192 = arith.constant 0 : i32
      %dma_wait3A_193 = tpu.memref_slice %arg13[%multiple_of3A, %dma_wait3A_192] : memref<10240x128xf32, #tpu.memory_space<vmem_shared>> -> memref<640x128xf32, #tpu.memory_space<vmem_shared>>
      tpu.wait_dma2 semaphore(%run_scoped3A : memref<!tpu.dma_semaphore, #tpu.memory_space<semaphore_mem>>) src(%dma_wait3A_193 : memref<640x128xf32, #tpu.memory_space<vmem_shared>>) dst(%dma_wait3A_191 : memref<640x128xf32, #tpu.memory_space<hbm>>)
      tpu.yield
    }) : () -> ()
    return
  }
}

</mosaic_0001>

<sc_bundles>
// kernel: _sc_segsum_call.3.cloned.1.call-start
scs
__scs_entry_jumppad:
0x0: {  	(pc) =	sbr.rel $0x88, $3  }
0x1: {  	(tag) =	ssettag $0x0;
	lr =	simm.s32 $0x1  }
0x2: {  	[smem:$0x3F9A] =	sst lr;
	_ =	strace $0xD0000000  }
0x3: {  	_ = 	snop  }
0x4: {  	_ = 	snop  }
0x5: {  	_ = 	snop  }
0x6: {  	_ = 	snop  }
0x7: {  	_ = 	snop  }
__scs_overlays_trampoline_lowered:
0x8: {  	[smem:$0x3FA9] =	sst s0  }
0x9: {  	[smem:$0x3FAA] =	sst s1  }
0xa: {  	[smem:$0x3FAB] =	sst s2  }
0xb: {  	[smem:$0x3FAC] =	sst s3  }
0xc: {  	[smem:$0x3FAD] =	sst s4  }
0xd: {  	[smem:$0x3FAE] =	sst s5  }
0xe: {  	[smem:$0x3FAF] =	sst s6  }
0xf: {  	[smem:$0x3FB0] =	sst s7  }
0x10: {  	[smem:$0x3FB1] =	sst s8  }
0x11: {  	[smem:$0x3FB2] =	sst s9;
	s0 =	simm.s32 @!p0 $0x0  }
0x12: {  	s1 =	sld [smem:$0x3F98];
	s0 =	simm.s32 @p0 $0x1  }
0x13: {  	[smem:$0x3FB3] =	sst s0;
	s0 =	simm.s32 @!p1 $0x0  }
0x14: {  	s2 =	sld [smem:$0x3F97];
	s0 =	simm.s32 @p1 $0x1  }
0x15: {  	[smem:$0x3FB4] =	sst s0;
	s0 =	simm.s32 @!p2 $0x0  }
0x16: {  	s3 =	sld [smem:$0x3FDB];
	s0 =	simm.s32 @p2 $0x1  }
0x17: {  	s4 =	simm.s32 $0x1BF5;
	[smem:$0x3FB6] =	sst s0  }
0x18: {  	s0 =	sld [smem:$0x3F99];
	_ =	swait.ge [sflag:s4], $0x0  }
0x19: {  	s7 =	sld [smem:$0x3F9A]  }
0x1a: {  	s8 =	sadd.s32 $0xFFFFE003, lr  }
0x1b: {  	s9 =	sadd.s32 $0xFFFFFEF7, lr;
	s5 =	simm.s32 $0xFFFFFFFF;
	p2 =	slt.u32 s8, $0xFFFFF086  }
0x1c: {  	p1 =	slt.u32 s9, $0xF7A;
	s5 =	simm.s32 @!p2 $0x0  }
0x1d: {  	s5 =	simm.s32 @p1 $0x1;
	p0 =	seq.s32 s7, s2  }
0x1e: {  	s7 =	smul.u32 @!p0 $0xF7A, s2;
	p2 =	seq.s32 @!p0 s5, $0x0  }
0x1f: {  	s9 =	smul.u32 $0xF7A, s1;
	s8 =	simm.s32 @!p0 $0x1BF5;
	p2 =	por !p2, p0  }
0x20: {  	[sflag:s8] =	ssyncset.s32 @!p0 $0xFFFFF086;
	s6 =	sadd.s32 @!p0 s3, s7;
	s7 =	simm.s32 @!p0 $0x108  }
0x21: {  	s3 =	sadd.s32 s3, s9;
	s6 =	sadd.s32 @!p0 $0x88, s6;
	s7 =	simm.s32 @p2 $0x1082  }
0x22: {  	[simem:s7], [sflag:s8] =	dma.local @!p0 [hbm:s6], $0xF7A  }
0x23: {  	s9 =	sor.u32 $0xD0000000, s2;
	s6 =	simm.s32 $0x108;
	_ =	swait.ge @!p0 [sflag:s8], $0x0  }
0x24: {  	s3 =	sadd.s32 $0x88, s3;
	s6 =	simm.s32 @!p1 $0x1082;
	[sflag:s4] =	ssyncset.s32 $0xFFFFF086  }
0x25: {  	[simem:s6], [sflag:s4] =	dma.local [hbm:s3], $0xF7A  }
0x26: {  	[smem:$0x3F9A] =	sst s1;
	(tag) =	ssettag s2;
	_ =	strace s9  }
0x27: {  	s1 =	sld [smem:$0x3FAA]  }
0x28: {  	s2 =	sld [smem:$0x3FAB]  }
0x29: {  	s4 =	sld [smem:$0x3FAD]  }
0x2a: {  	p0 =	seq.s32 s5, $0x0;
	s5 =	sld [smem:$0x3FAE]  }
0x2b: {  	s6 =	sld [smem:$0x3FAF]  }
0x2c: {  	s7 =	sld [smem:$0x3FB0]  }
0x2d: {  	s3 =	simm.s32 $0x108;
	s8 =	sld [smem:$0x3FB1]  }
0x2e: {  	s3 =	simm.s32 @!p0 $0x1082;
	s9 =	sld [smem:$0x3FB2]  }
0x2f: {  	lr =	sadd.s32 s0, s3;
	s0 =	sld [smem:$0x3FA9]  }
0x30: {  	s3 =	sld [smem:$0x3FAC]  }
0x31: {  	[smem:$0x3FB5] =	sst s10  }
0x32: {  	s10 =	sld [smem:$0x3FB3];
	_ =	sdelay $0x3  }
0x33: {  	p0 =	seq.s32 s10, $0x1;
	s10 =	sld [smem:$0x3FB5];
	_ =	sdelay $0x3  }
0x34: {  	[smem:$0x3FB5] =	sst s10  }
0x35: {  	s10 =	sld [smem:$0x3FB4];
	_ =	sdelay $0x3  }
0x36: {  	p1 =	seq.s32 s10, $0x1;
	s10 =	sld [smem:$0x3FB5];
	_ =	sdelay $0x3  }
0x37: {  	[smem:$0x3FB5] =	sst s10  }
0x38: {  	s10 =	sld [smem:$0x3FB6]  }
0x39: {  	_ = 	snop;
	(pc) =	sbr.ind lr, $3  }
0x3a: {  	_ = 	snop  }
0x3b: {  	_ = 	snop  }
0x3c: {  	p2 =	seq.s32 s10, $0x1;
	s10 =	sld [smem:$0x3FB5]  }
0x3d: {  	_ =	shalt  }
0x3e: {  	_ =	shalt  }
0x3f: {  	_ =	shalt  }
0x40: {  	_ =	shalt  }
0x41: {  	_ =	shalt  }
0x42: {  	_ =	shalt  }
0x43: {  	_ =	shalt  }
0x44: {  	_ =	shalt  }
0x45: {  	_ =	shalt  }
0x46: {  	_ =	shalt  }
0x47: {  	_ =	shalt  }
0x48: {  	_ =	shalt  }
0x49: {  	_ =	shalt  }
0x4a: {  	_ =	shalt  }
0x4b: {  	_ =	shalt  }
0x4c: {  	_ =	shalt  }
0x4d: {  	_ =	shalt  }
0x4e: {  	_ =	shalt  }
0x4f: {  	_ =	shalt  }
0x50: {  	_ =	shalt  }
0x51: {  	_ =	shalt  }
0x52: {  	_ =	shalt  }
0x53: {  	_ =	shalt  }
0x54: {  	_ =	shalt  }
0x55: {  	_ =	shalt  }
0x56: {  	_ =	shalt  }
0x57: {  	_ =	shalt  }
0x58: {  	_ =	shalt  }
0x59: {  	_ =	shalt  }
0x5a: {  	_ =	shalt  }
0x5b: {  	_ =	shalt  }
0x5c: {  	_ =	shalt  }
0x5d: {  	_ =	shalt  }
0x5e: {  	_ =	shalt  }
0x5f: {  	_ =	shalt  }
0x60: {  	_ =	shalt  }
0x61: {  	_ =	shalt  }
0x62: {  	_ =	shalt  }
0x63: {  	_ =	shalt  }
0x64: {  	_ =	shalt  }
0x65: {  	_ =	shalt  }
0x66: {  	_ =	shalt  }
0x67: {  	_ =	shalt  }
0x68: {  	_ =	shalt  }
0x69: {  	_ =	shalt  }
0x6a: {  	_ =	shalt  }
0x6b: {  	_ =	shalt  }
0x6c: {  	_ =	shalt  }
0x6d: {  	_ =	shalt  }
0x6e: {  	_ =	shalt  }
0x6f: {  	_ =	shalt  }
0x70: {  	_ =	shalt  }
0x71: {  	_ =	shalt  }
0x72: {  	_ =	shalt  }
0x73: {  	_ =	shalt  }
0x74: {  	_ =	shalt  }
0x75: {  	_ =	shalt  }
0x76: {  	_ =	shalt  }
0x77: {  	_ =	shalt  }
0x78: {  	_ =	shalt  }
0x79: {  	_ =	shalt  }
0x7a: {  	_ =	shalt  }
0x7b: {  	_ =	shalt  }
0x7c: {  	_ =	shalt  }
0x7d: {  	_ =	shalt  }
0x7e: {  	_ =	shalt  }
0x7f: {  	_ =	shalt  }
0x80: {  	_ =	shalt  }
0x81: {  	_ =	shalt  }
0x82: {  	_ =	shalt  }
0x83: {  	_ =	shalt  }
0x84: {  	_ =	shalt  }
0x85: {  	_ =	shalt  }
0x86: {  	_ =	shalt  }
0x87: {  	_ =	shalt  }
.Lfunc_end0:
.L_simem_size_0:
called_computation_lowered:
.L_overlay_start_0:
0x88: {  	s2 =	sld [smem:$0x3FD9]  }
0x89: {  	s3 =	sld [smem:$0x3FFE];
	_ =	sdelay $0x1  }
0x8a: {  	s1 =	srdreg.scid  }
0x8b: {  	s0 =	sand.u32 $0x1, s1  }
0x8c: {  	s14 =	sshll.u32 s0, $0xA;
	s2 =	sadd.s32 s3, s2  }
0x8d: {  	s2 =	sadd.s32 s2, s14  }
0x8e: {  	[smem:$0x3FC1] =	sst s2  }
0x8f: {  	_ = 	snop  }
0x90: {  	s2 =	sld [smem:$0x3FC9]  }
0x91: {  	s15 =	sld [smem:$0x3FC8]  }
0x92: {  	s4 =	sld [smem:$0x3FC7]  }
0x93: {  	s5 =	sld [smem:$0x3FD0]  }
0x94: {  	s6 =	sld [smem:$0x3FC6]  }
0x95: {  	s7 =	sld [smem:$0x3FC4]  }
0x96: {  	s9 =	simm.s32 $0xA;
	s10 =	simm.s32 $0x10;
	s8 =	sld [smem:$0x3FC3]  }
0x97: {  	[smem:s10], [sflag:s9] =	dma.local [hbm:s5], $0x1  }
0x98: {  	_ =	swait.eq [sflag:s9], $0x1  }
0x99: {  	[sflag:s9] =	ssyncset.done $0x0  }
0x9a: {  	[sflag:s9] =	ssyncadd.s32 $0xFFFFFFFF  }
0x9b: {  	s16 =	sld [smem:$0x10];
	(tm) =	ssettm $0x1  }
0x9c: {  	s17 =	sld [smem:$0x3FFB];
	_ =	sdelay $0x3  }
0x9d: {  	_ =	strace s17  }
0x9e: {  	s9 =	sld [smem:$0x3FFC];
	_ =	sdelay $0x3  }
0x9f: {  	_ =	strace s9  }
0xa0: {  	s9 =	sld [smem:$0x3FFD];
	_ =	sdelay $0x3  }
0xa1: {  	_ =	strace s9  }
0xa2: {  	_ =	strace $0x8FFFFFFF  }
0xa3: {  	s18 =	sld [smem:$0x3FDB];
	_ =	sdelay $0x1  }
0xa4: {  	s19 =	simm.s32 $_scs_section_size  }
0xa5: {  	s11 =	simm.s32 $_size__tile_overlayer_lowered;
	s12 =	simm.s32 $_tile_overlayer_lowered  }
0xa6: {  	s22 =	simm.s32 $0x1BFF;
	s21 =	sshll.u32 s12, $0x1;
	s9 =	sadd.s32 s19, s18  }
0xa7: {  	s13 =	simm.s32 $0x0;
	s20 =	sshll.u32 s11, $0x1;
	s11 =	sadd.s32 s21, s9  }
0xa8: {  	[timem:s13], [sflag:s22] =	dma.local [hbm:s11], s20  }
0xa9: {  	_ =	swait.ge [sflag:s22], s20  }
0xaa: {  	s10 =	ssub.s32 $0x0, s20;
	[sflag:s22] =	ssyncset.done $0x0  }
0xab: {  	[sflag:s22] =	ssyncadd.s32 s10;
	_ =	sdelay $0x1  }
0xac: {  	s23 =	simm.s32 $0x1B8B  }
0xad: {  	_ =	swait.ge [sflag:s23], $0x1  }
0xae: {  	[sflag:s23] =	ssyncset.done $0x0  }
0xaf: {  	s25 =	simm.s32 $0x1B8E;
	s24 =	sld [smem:$0x3FFE];
	[sflag:s23] =	ssyncadd.s32 $0xFFFFFFFF  }
0xb0: {  	s26 =	simm.s32 $execute0_lowered;
	[smem:$0x3FD2] =	sst s25  }
0xb1: {  	s11 =	sshll.u32 s26, $0x1;
	_ =	strace $0x80000046;
	[dreg:$0x1] =	wrdreg $0xFFFFFFFF  }
0xb2: {  	s28 =	simm.s32 $_size_execute0_lowered;
	s9 =	sadd.s32 s9, s11;
	[dreg:$0x0] =	wrdreg $0x0  }
0xb3: {  	s11 =	sshll.u32 s28, $0x1;
	[dreg:$0x2] =	wrdreg s9  }
0xb4: {  	[dreg:$0x3] =	wrdreg s11  }
0xb5: {  	[dreg:$0x4] =	wrdreg $0xC0  }
0xb6: {  	_ =	task [dreg:s13], $0x5FFFF  }
0xb7: {  	[dreg:$0x1] =	wrdreg $0xFFFFFFFF  }
0xb8: {  	[dreg:$0x0] =	wrdreg $0x60  }
0xb9: {  	[dreg:$0x2] =	wrdreg s2  }
0xba: {  	[dreg:$0x3] =	wrdreg s15  }
0xbb: {  	[dreg:$0x4] =	wrdreg s4  }
0xbc: {  	[dreg:$0x5] =	wrdreg s6  }
0xbd: {  	[dreg:$0x6] =	wrdreg s7  }
0xbe: {  	[dreg:$0x7] =	wrdreg s8  }
0xbf: {  	[dreg:$0x8] =	wrdreg s24  }
0xc0: {  	[dreg:$0x9] =	wrdreg s16  }
0xc1: {  	[dreg:$0xa] =	wrdreg $0x0  }
0xc2: {  	[dreg:$0xb] =	wrdreg $0x9  }
0xc3: {  	_ =	task.clear_ibuf [dreg:s13], $0xCFFFF;
	_ =	strace $0x90000046  }
0xc4: {  	s29 =	simm.s32 $0x9;
	_ =	strace $0x80000048  }
0xc5: {  	_ =	swait.ge [sflag:s29], $0x1  }
0xc6: {  	[sflag:s29] =	ssyncadd.s32 $0xFFFFFFFF  }
0xc7: {  	_ =	strace $0x90000048  }
0xc8: {  	_ =	sfence  }
0xc9: {  	s30 =	sld [smem:$0x0];
	_ =	sdelay $0x2  }
0xca: {  	s31 =	sshll.u32 s1, $0xD;
	s1 =	sshrl.u32 s1, $0x2  }
0xcb: {  	s3 =	sand.u32 $0x4000, s31;
	s1 =	sadd.s32 s1, s30  }
0xcc: {  	s0 =	sor.u32 s3, s0;
	s1 =	sshll.u32 s1, $0x11  }
0xcd: {  	s0 =	sor.u32 s1, s0  }
0xce: {  	s0 =	sadd.s32 $0x8F2B, s0  }
0xcf: {  	[sflag:s0] =	ssyncadd.remote.s32 $0x1  }
0xd0: {  	_ =	sfence.sel $0xFFFF  }
0xd1: {  	[dreg:$0x0] =	wrdreg $0xFFFFFFFF;
	(pc) =	sbr.abs _section_cstart, $3  }
0xd2: {  	[dreg:$0x1] =	wrdreg $0xFFFFFFFF  }
0xd3: {  	_ =	task.clear_ibuf [dreg:s13], $0x2FFFF;
	_ =	strace $0x9FFFFFFF  }
0xd4: {  	(tm) =	ssettm $0x7FFFFFFF  }
0xd5: {  	_ =	shalt  }
tec
execute0_lowered:
.L_overlay_start_1:
0x0: {  	(tag) =	ssettag $0x1  }
0x1: {  	s0 =	rddreg [dreg:$0x0]  }
0x2: {  	s3 =	rddreg [dreg:$0x1]  }
0x3: {  	s4 =	rddreg [dreg:$0x2]  }
0x4: {  	s5 =	rddreg [dreg:$0x3];
	s18 =	stileid.u32  }
0x5: {  	s6 =	rddreg [dreg:$0x4];
	s11 =	smul.u32 $0x280, s18  }
0x6: {  	s7 =	rddreg [dreg:$0x5];
	s15 =	smul.u32 $0x50000, s18  }
0x7: {  	s2 =	srdreg.scid;
	s19 =	smul.u32 $0x1400, s18  }
0x8: {  	s8 =	rddreg [dreg:$0x6];
	s10 =	sand.u32 $0x1, s2;
	s24 =	smul.u32 $0xA0000, s18  }
0x9: {  	s9 =	rddreg [dreg:$0x7];
	s14 =	smul.u32 $0xA000, s10  }
0xa: {  	s1 =	rddreg [dreg:$0x8];
	s12 =	sshll.u32 s10, $0x4;
	s31 =	smul.u32 $0x14000, s10  }
0xb: {  	s13 =	ssub.s32 $0x2, s10;
	s10 =	smul.u32 $0xA00000, s10;
	s12 =	sor.u32 s18, s12  }
0xc: {  	s2 =	simm.s32 $0x0;
	s16 =	sshrl.u32 s13, $0x1;
	s17 =	smul.u32 $0x14000, s12  }
0xd: {  	[smem:$0x7FF] =	sst s2;
	s23 =	ssub.s32 s13, s16;
	s12 =	smul.u32 $0xA0000, s12  }
0xe: {  	s11 =	sadd.s32 s11, s14;
	s10 =	sadd.s32 s24, s10;
	s30 =	sadd.s32 s0, s17  }
0xf: {  	s11 =	sshll.u32 s11, $0x4;
	s16 =	sadd.s32 s3, s17;
	[dreg:$0xa] =	wrdreg s30  }
0x10: {  	s25 =	sadd.s32 s9, s11;
	s20 =	sadd.s32 s4, s17;
	[dreg:$0xc] =	wrdreg s16  }
0x11: {  	s21 =	sshrl.u32 s12, $0x3;
	s22 =	sadd.s32 s5, s17;
	[dreg:$0xd] =	wrdreg s20  }
0x12: {  	s9 =	sadd.s32 s19, s31;
	[dreg:$0xe] =	wrdreg s22;
	s11 =	sadd.s32 $0x13C00, s21  }
0x13: {  	s9 =	sshrl.u32 s9, $0x3;
	s30 =	sor.u32 $0x4000, s10;
	s10 =	sor.u32 $0x2000, s10  }
0x14: {  	s26 =	sadd.s32 s5, s11;
	s28 =	sadd.s32 s0, s11;
	s29 =	sadd.s32 s3, s11  }
0x15: {  	s11 =	sadd.s32 s4, s11;
	s12 =	sadd.s32 s9, s7;
	[dreg:$0xf] =	wrdreg s26  }
0x16: {  	s31 =	sshrl.u32 s30, $0x3;
	s10 =	sshrl.u32 s10, $0x3;
	[dreg:$0x10] =	wrdreg s28  }
0x17: {  	s13 =	sadd.s32 s9, s6;
	s6 =	sadd.s32 $0x800, s8;
	[dreg:$0x11] =	wrdreg s29  }
0x18: {  	s7 =	smax.u32 s23, $0x1;
	s30 =	sadd.s32 $0x50000, s25;
	[dreg:$0x12] =	wrdreg s11  }
0x19: {  	s14 =	sadd.s32 s31, s0;
	_ =	strace $0x80000047;
	[dreg:$0x13] =	wrdreg s6  }
0x1a: {  	s17 =	sadd.s32 s31, s3;
	s29 =	sadd.s32 $0x28000, s25;
	[dreg:$0x14] =	wrdreg s7  }
0x1b: {  	s19 =	sadd.s32 s31, s4;
	s21 =	sadd.s32 s31, s5;
	[dreg:$0x1d] =	wrdreg s29  }
0x1c: {  	s22 =	sadd.s32 s10, s5;
	s5 =	sshrl.u32 s15, $0x2;
	[dreg:$0x1e] =	wrdreg s30  }
0x1d: {  	s31 =	sadd.s32 $0x78000, s25;
	s24 =	sadd.s32 s5, s1;
	[dreg:$0xb] =	wrdreg s25  }
0x1e: {  	s16 =	sadd.s32 s10, s0;
	[dreg:$0x1f] =	wrdreg s31;
	s8 =	sadd.s32 $0x2000, s24  }
0x1f: {  	s18 =	sadd.s32 s10, s3;
	s9 =	sadd.s32 $0x4000, s24;
	[dreg:$0x15] =	wrdreg s8  }
0x20: {  	s20 =	sadd.s32 s10, s4;
	s10 =	sadd.s32 $0x6000, s24;
	[dreg:$0x16] =	wrdreg s9  }
0x21: {  	s11 =	sadd.s32 $0x8000, s24;
	[dreg:$0x17] =	wrdreg s10  }
0x22: {  	s4 =	simm.s32 $0x0;
	s15 =	sadd.s32 $0xA000, s24;
	[dreg:$0x18] =	wrdreg s11  }
0x23: {  	s25 =	simm.s32 $0x19000;
	s23 =	sadd.s32 $0xC000, s24;
	[dreg:$0x19] =	wrdreg s15  }
0x24: {  	s6 =	simm.s32 $0x1;
	s26 =	sadd.s32 $0xE000, s24;
	[dreg:$0x1a] =	wrdreg s23  }
0x25: {  	s7 =	simm.s32 $0x40;
	s28 =	sadd.s32 $0x10000, s24;
	[dreg:$0x1b] =	wrdreg s26  }
0x26: {  	s5 =	sadd.s32 $0x12000, s24;
	[dreg:$0x1c] =	wrdreg s28;
	s9 =	simm.s32 $0x3  }
0x27: {  	s10 =	simm.s32 $0x1B000;
	s11 =	simm.s32 $0x4;
	s8 =	simm.s32 $0x2  }
.LBB2_1:
0x28: {  	s23 =	simm.s32 $0x14000;
	s26 =	sadd.s32 $0x0, s13;
	s31 =	sadd.s32 $0x0, s12  }
0x29: {  	[tilespmem:s23], [sflag:$0x3] =	stream.linear.gather [hbm4b:s26+s2], $0x40, $0x38;
	[tilespmem:$0x1D000] =	vst v63  }
0x2a: {  	s28 =	simm.s32 $0x14080;
	s23 =	simm.s32 $0x16800;
	s26 =	simm.s32 $0x8  }
0x2b: {  	[tilespmem:s23], [sflag:$0x3] =	stream.linear.gather [hbm4b:s31+s2], $0x40, $0x38;
	[tilespmem:$0x1D000] =	vst v63  }
.LBB2_2:
0x2c: {  	s29 =	sadd.s32 s26, s13  }
0x2d: {  	p0 =	sne.s32 s26, $0x278;
	s30 =	smov.u32 s26;
	s26 =	sadd.s32 $0x8, s26  }
0x2e: {  	[tilespmem:s28], [sflag:$0x3] =	stream.linear.gather [hbm4b:s29+s2], $0x40, $0x38;
	[tilespmem:$0x1D000] =	vst v63  }
.Ltmp0:
0x2f: {  	_ = 	snop;
	(pc) =	sbr.rel @p0 .LBB2_2-.Ltmp0, $4  }
0x30: {  	s23 =	sadd.s32 $0x80, s23;
	s29 =	sadd.s32 s30, s12  }
0x31: {  	[tilespmem:s23], [sflag:$0x3] =	stream.linear.gather [hbm4b:s29+s2], $0x40, $0x38;
	[tilespmem:$0x1D000] =	vst v63  }
0x32: {  	_ = 	snop  }
0x33: {  	s28 =	sadd.s32 $0x80, s28  }
0x34: {  	_ =	swait.ge [sflag:s9], $0x40  }
0x35: {  	[sflag:s9] =	ssyncset.done $0x0  }
0x36: {  	[sflag:s9] =	ssyncadd.s32 $0xFFFFFFC0  }
0x37: {  	_ =	swait.ge [sflag:s9], $0x40  }
0x38: {  	s23 =	simm.s32 $0x4F;
	[sflag:s9] =	ssyncset.done $0x0  }
.LBB2_4:
0x39: {  	p0 =	sne.s32 s23, $0x1;
	s23 =	sadd.s32 $0xFFFFFFFF, s23;
	[sflag:s9] =	ssyncadd.s32 $0xFFFFFFC0  }
.Ltmp1:
0x3a: {  	_ =	swait.ge [sflag:s9], $0x40;
	(pc) =	sbr.rel @p0 .LBB2_4-.Ltmp1, $4  }
0x3b: {  	[sflag:s9] =	ssyncset.done $0x0  }
0x3c: {  	[sflag:s9] =	ssyncadd.s32 $0xFFFFFFC0  }
0x3d: {  	_ =	swait.ge [sflag:s9], $0x40  }
0x3e: {  	[sflag:s9] =	ssyncset.done $0x0  }
0x3f: {  	[sflag:s9] =	ssyncadd.s32 $0xFFFFFFC0;
	s23 =	simm.s32 $0x0;
	s0 =	rddreg [dreg:$0x13]  }
0x40: {  	[tilespmem:s10], [sflag:$0x4] =	stream.linear.gather [hbm4b:s0+s23], $0x2000, $0x38;
	[tilespmem:$0x1D000] =	vst v63  }
0x41: {  	_ =	swait.ge [sflag:s11], $0x2000  }
0x42: {  	[sflag:s11] =	ssyncset.done $0x0  }
0x43: {  	[sflag:s11] =	ssyncadd.s32 $0xFFFFE000  }
0x44: {  	[spmem:s24] =	stream.linear.scatter [tilespmem:s10], [sflag:$0x4], $0x2000, $0x38;
	[tilespmem:$0x1D000] =	vst v63  }
0x45: {  	_ =	swait.ge [sflag:s11], $0x2000  }
0x46: {  	[sflag:s11] =	ssyncset.done $0x0  }
0x47: {  	s15 =	rddreg [dreg:$0x15];
	[sflag:s11] =	ssyncadd.s32 $0xFFFFE000  }
0x48: {  	[spmem:s15] =	stream.linear.scatter [tilespmem:s10], [sflag:$0x4], $0x2000, $0x38;
	[tilespmem:$0x1D000] =	vst v63  }
0x49: {  	_ =	swait.ge [sflag:s11], $0x2000  }
0x4a: {  	[sflag:s11] =	ssyncset.done $0x0  }
0x4b: {  	s26 =	rddreg [dreg:$0x16];
	[sflag:s11] =	ssyncadd.s32 $0xFFFFE000  }
0x4c: {  	[spmem:s26] =	stream.linear.scatter [tilespmem:s10], [sflag:$0x4], $0x2000, $0x38;
	[tilespmem:$0x1D000] =	vst v63  }
0x4d: {  	_ =	swait.ge [sflag:s11], $0x2000  }
0x4e: {  	[sflag:s11] =	ssyncset.done $0x0  }
0x4f: {  	s30 =	rddreg [dreg:$0x17];
	[sflag:s11] =	ssyncadd.s32 $0xFFFFE000  }
0x50: {  	[spmem:s30] =	stream.linear.scatter [tilespmem:s10], [sflag:$0x4], $0x2000, $0x38;
	[tilespmem:$0x1D000] =	vst v63  }
0x51: {  	_ =	swait.ge [sflag:s11], $0x2000  }
0x52: {  	[sflag:s11] =	ssyncset.done $0x0  }
0x53: {  	s31 =	rddreg [dreg:$0x18];
	[sflag:s11] =	ssyncadd.s32 $0xFFFFE000  }
0x54: {  	[spmem:s31] =	stream.linear.scatter [tilespmem:s10], [sflag:$0x4], $0x2000, $0x38;
	[tilespmem:$0x1D000] =	vst v63  }
0x55: {  	_ =	swait.ge [sflag:s11], $0x2000  }
0x56: {  	[sflag:s11] =	ssyncset.done $0x0  }
0x57: {  	s3 =	rddreg [dreg:$0x19];
	[sflag:s11] =	ssyncadd.s32 $0xFFFFE000  }
0x58: {  	[spmem:s3] =	stream.linear.scatter [tilespmem:s10], [sflag:$0x4], $0x2000, $0x38;
	[tilespmem:$0x1D000] =	vst v63  }
0x59: {  	_ =	swait.ge [sflag:s11], $0x2000  }
0x5a: {  	[sflag:s11] =	ssyncset.done $0x0  }
0x5b: {  	s15 =	rddreg [dreg:$0x1a];
	[sflag:s11] =	ssyncadd.s32 $0xFFFFE000  }
0x5c: {  	[spmem:s15] =	stream.linear.scatter [tilespmem:s10], [sflag:$0x4], $0x2000, $0x38;
	[tilespmem:$0x1D000] =	vst v63  }
0x5d: {  	_ =	swait.ge [sflag:s11], $0x2000  }
0x5e: {  	[sflag:s11] =	ssyncset.done $0x0  }
0x5f: {  	s26 =	rddreg [dreg:$0x1b];
	[sflag:s11] =	ssyncadd.s32 $0xFFFFE000  }
0x60: {  	[spmem:s26] =	stream.linear.scatter [tilespmem:s10], [sflag:$0x4], $0x2000, $0x38;
	[tilespmem:$0x1D000] =	vst v63  }
0x61: {  	_ =	swait.ge [sflag:s11], $0x2000  }
0x62: {  	[sflag:s11] =	ssyncset.done $0x0  }
0x63: {  	s30 =	rddreg [dreg:$0x1c];
	[sflag:s11] =	ssyncadd.s32 $0xFFFFE000  }
0x64: {  	[spmem:s30] =	stream.linear.scatter [tilespmem:s10], [sflag:$0x4], $0x2000, $0x38;
	[tilespmem:$0x1D000] =	vst v63  }
0x65: {  	_ =	swait.ge [sflag:s11], $0x2000  }
0x66: {  	[sflag:s11] =	ssyncset.done $0x0  }
0x67: {  	[sflag:s11] =	ssyncadd.s32 $0xFFFFE000  }
0x68: {  	[spmem:s5] =	stream.linear.scatter [tilespmem:s10], [sflag:$0x4], $0x2000, $0x38;
	[tilespmem:$0x1D000] =	vst v63  }
0x69: {  	_ =	swait.ge [sflag:s11], $0x2000  }
0x6a: {  	[sflag:s11] =	ssyncset.done $0x0  }
0x6b: {  	[sflag:s11] =	ssyncadd.s32 $0xFFFFE000  }
0x6c: {  	[bflag:$0x0] =	sbarrier.arrive $0xFFFF  }
0x6d: {  	s31 =	rddreg [dreg:$0xa]  }
0x6e: {  	[tilespmem:s25], [sflag:$0x1] =	stream.linear.gather [hbm4b:s31+s23], $0x2000, $0x38;
	[tilespmem:$0x1D000] =	vst v63  }
0x6f: {  	s0 =	sadd.s32 $0x0, s16  }
0x70: {  	[tilespmem:s10], [sflag:$0x2] =	stream.linear.gather [hbm4b:s0+s2], $0x2000, $0x38;
	[tilespmem:$0x1D000] =	vst v63  }
0x71: {  	_ =	swait.ge [sflag:s6], $0x2000  }
0x72: {  	[sflag:s6] =	ssyncset.done $0x0  }
0x73: {  	s3 =	simm.s32 $0x14000;
	[sflag:s6] =	ssyncadd.s32 $0xFFFFE000  }
0x74: {  	[spmem:s1] =	stream.indirect.scatter.add.f32 [tilespmem:s25], [sflag:$0x4], $0x80, s3, s7, $0xb8;
	[tilespmem:$0x1D000] =	vst v63  }
0x75: {  	_ =	swait.ge [sflag:s11], $0x2000  }
0x76: {  	[sflag:s11] =	ssyncset.done $0x0  }
0x77: {  	s15 =	simm.s32 $0x16800;
	[sflag:s11] =	ssyncadd.s32 $0xFFFFE000  }
0x78: {  	[spmem:s1] =	stream.indirect.scatter.add.f32 [tilespmem:s25], [sflag:$0x4], $0x80, s15, s7, $0xb8;
	[tilespmem:$0x1D000] =	vst v63  }
0x79: {  	_ =	swait.ge [sflag:s11], $0x2000  }
0x7a: {  	[sflag:s11] =	ssyncset.done $0x0  }
0x7b: {  	s26 =	sadd.s32 $0x0, s14;
	[sflag:s11] =	ssyncadd.s32 $0xFFFFE000  }
0x7c: {  	[tilespmem:s25], [sflag:$0x1] =	stream.linear.gather [hbm4b:s26+s2], $0x2000, $0x38;
	[tilespmem:$0x1D000] =	vst v63  }
0x7d: {  	_ =	swait.ge [sflag:s8], $0x2000  }
0x7e: {  	[sflag:s8] =	ssyncset.done $0x0  }
0x7f: {  	s30 =	simm.s32 $0x14080;
	[sflag:s8] =	ssyncadd.s32 $0xFFFFE000  }
0x80: {  	[spmem:s1] =	stream.indirect.scatter.add.f32 [tilespmem:s10], [sflag:$0x4], $0x80, s30, s7, $0xb8;
	[tilespmem:$0x1D000] =	vst v63  }
0x81: {  	_ =	swait.ge [sflag:s11], $0x2000  }
0x82: {  	[sflag:s11] =	ssyncset.done $0x0  }
0x83: {  	s31 =	simm.s32 $0x16880;
	[sflag:s11] =	ssyncadd.s32 $0xFFFFE000  }
0x84: {  	[spmem:s1] =	stream.indirect.scatter.add.f32 [tilespmem:s10], [sflag:$0x4], $0x80, s31, s7, $0xb8;
	[tilespmem:$0x1D000] =	vst v63  }
0x85: {  	s28 =	simm.s32 $0x800;
	s29 =	simm.s32 $0x1000;
	_ =	swait.ge [sflag:s11], $0x2000  }
0x86: {  	s23 =	simm.s32 $0x16900;
	s26 =	simm.s32 $0x14100;
	[sflag:s11] =	ssyncset.done $0x0  }
.LBB2_6:
0x87: {  	s30 =	sadd.s32 s28, s16  }
0x88: {  	[sflag:s11] =	ssyncadd.s32 $0xFFFFE000;
	s31 =	smov.u32 s29;
	s15 =	sadd.s32 $0x800, s29  }
0x89: {  	[tilespmem:s10], [sflag:$0x2] =	stream.linear.gather [hbm4b:s30+s2], $0x2000, $0x38;
	[tilespmem:$0x1D000] =	vst v63  }
0x8a: {  	p0 =	sne.s32 s29, $0x13000;
	_ =	swait.ge [sflag:s6], $0x2000  }
0x8b: {  	[sflag:s6] =	ssyncset.done $0x0  }
0x8c: {  	[sflag:s6] =	ssyncadd.s32 $0xFFFFE000  }
0x8d: {  	[spmem:s1] =	stream.indirect.scatter.add.f32 [tilespmem:s25], [sflag:$0x4], $0x80, s26, s7, $0xb8;
	[tilespmem:$0x1D000] =	vst v63  }
0x8e: {  	_ =	swait.ge [sflag:s11], $0x2000  }
0x8f: {  	[sflag:s11] =	ssyncset.done $0x0  }
0x90: {  	[sflag:s11] =	ssyncadd.s32 $0xFFFFE000  }
0x91: {  	[spmem:s1] =	stream.indirect.scatter.add.f32 [tilespmem:s25], [sflag:$0x4], $0x80, s23, s7, $0xb8;
	[tilespmem:$0x1D000] =	vst v63  }
0x92: {  	_ =	swait.ge [sflag:s11], $0x2000  }
0x93: {  	[sflag:s11] =	ssyncset.done $0x0  }
0x94: {  	s29 =	sadd.s32 s28, s14;
	s28 =	smov.u32 s31;
	[sflag:s11] =	ssyncadd.s32 $0xFFFFE000  }
0x95: {  	[tilespmem:s25], [sflag:$0x1] =	stream.linear.gather [hbm4b:s29+s2], $0x2000, $0x38;
	[tilespmem:$0x1D000] =	vst v63  }
0x96: {  	_ =	swait.ge [sflag:s8], $0x2000  }
0x97: {  	[sflag:s8] =	ssyncset.done $0x0  }
0x98: {  	s29 =	sadd.s32 $0x80, s26;
	[sflag:s8] =	ssyncadd.s32 $0xFFFFE000  }
0x99: {  	[spmem:s1] =	stream.indirect.scatter.add.f32 [tilespmem:s10], [sflag:$0x4], $0x80, s29, s7, $0xb8;
	[tilespmem:$0x1D000] =	vst v63  }
0x9a: {  	_ =	swait.ge [sflag:s11], $0x2000  }
.Ltmp2:
0x9b: {  	[sflag:s11] =	ssyncset.done $0x0;
	(pc) =	sbr.rel @p0 .LBB2_6-.Ltmp2, $4  }
0x9c: {  	s29 =	sadd.s32 $0x80, s23;
	[sflag:s11] =	ssyncadd.s32 $0xFFFFE000  }
0x9d: {  	[spmem:s1] =	stream.indirect.scatter.add.f32 [tilespmem:s10], [sflag:$0x4], $0x80, s29, s7, $0xb8;
	[tilespmem:$0x1D000] =	vst v63  }
0x9e: {  	s26 =	sadd.s32 $0x100, s26;
	_ =	swait.ge [sflag:s11], $0x2000  }
0x9f: {  	s23 =	sadd.s32 $0x100, s23;
	s29 =	smov.u32 s15;
	[sflag:s11] =	ssyncset.done $0x0  }
0xa0: {  	s15 =	sadd.s32 s28, s16;
	[sflag:s11] =	ssyncadd.s32 $0xFFFFE000  }
0xa1: {  	[tilespmem:s10], [sflag:$0x2] =	stream.linear.gather [hbm4b:s15+s2], $0x2000, $0x38;
	[tilespmem:$0x1D000] =	vst v63  }
0xa2: {  	_ =	swait.ge [sflag:s6], $0x2000  }
0xa3: {  	[sflag:s6] =	ssyncset.done $0x0  }
0xa4: {  	[sflag:s6] =	ssyncadd.s32 $0xFFFFE000  }
0xa5: {  	[spmem:s1] =	stream.indirect.scatter.add.f32 [tilespmem:s25], [sflag:$0x4], $0x80, s26, s7, $0xb8;
	[tilespmem:$0x1D000] =	vst v63  }
0xa6: {  	_ =	swait.ge [sflag:s11], $0x2000  }
0xa7: {  	[sflag:s11] =	ssyncset.done $0x0  }
0xa8: {  	[sflag:s11] =	ssyncadd.s32 $0xFFFFE000  }
0xa9: {  	[spmem:s1] =	stream.indirect.scatter.add.f32 [tilespmem:s25], [sflag:$0x4], $0x80, s23, s7, $0xb8;
	[tilespmem:$0x1D000] =	vst v63  }
0xaa: {  	_ =	swait.ge [sflag:s11], $0x2000  }
0xab: {  	[sflag:s11] =	ssyncset.done $0x0  }
0xac: {  	s0 =	sadd.s32 s28, s14;
	[sflag:s11] =	ssyncadd.s32 $0xFFFFE000  }
0xad: {  	[tilespmem:s25], [sflag:$0x1] =	stream.linear.gather [hbm4b:s0+s2], $0x2000, $0x38;
	[tilespmem:$0x1D000] =	vst v63  }
0xae: {  	_ =	swait.ge [sflag:s8], $0x2000  }
0xaf: {  	[sflag:s8] =	ssyncset.done $0x0  }
0xb0: {  	s3 =	sadd.s32 $0x80, s26;
	[sflag:s8] =	ssyncadd.s32 $0xFFFFE000  }
0xb1: {  	[spmem:s1] =	stream.indirect.scatter.add.f32 [tilespmem:s10], [sflag:$0x4], $0x80, s3, s7, $0xb8;
	[tilespmem:$0x1D000] =	vst v63  }
0xb2: {  	_ =	swait.ge [sflag:s11], $0x2000  }
0xb3: {  	[sflag:s11] =	ssyncset.done $0x0  }
0xb4: {  	s23 =	sadd.s32 $0x80, s23;
	[sflag:s11] =	ssyncadd.s32 $0xFFFFE000  }
0xb5: {  	[spmem:s1] =	stream.indirect.scatter.add.f32 [tilespmem:s10], [sflag:$0x4], $0x80, s23, s7, $0xb8;
	[tilespmem:$0x1D000] =	vst v63  }
0xb6: {  	_ =	swait.ge [sflag:s11], $0x2000  }
0xb7: {  	[sflag:s11] =	ssyncset.done $0x0  }
0xb8: {  	s28 =	simm.s32 $0x0;
	s0 =	rddreg [dreg:$0x10];
	[sflag:s11] =	ssyncadd.s32 $0xFFFFE000  }
0xb9: {  	[tilespmem:s10], [sflag:$0x2] =	stream.linear.gather [hbm4b:s0+s28], $0x2000, $0x38;
	[tilespmem:$0x1D000] =	vst v63  }
0xba: {  	_ =	swait.ge [sflag:s6], $0x2000  }
0xbb: {  	[sflag:s6] =	ssyncset.done $0x0  }
0xbc: {  	s26 =	simm.s32 $0x16700;
	[sflag:s6] =	ssyncadd.s32 $0xFFFFE000  }
0xbd: {  	[spmem:s1] =	stream.indirect.scatter.add.f32 [tilespmem:s25], [sflag:$0x4], $0x80, s26, s7, $0xb8;
	[tilespmem:$0x1D000] =	vst v63  }
0xbe: {  	_ =	swait.ge [sflag:s11], $0x2000  }
0xbf: {  	[sflag:s11] =	ssyncset.done $0x0  }
0xc0: {  	s3 =	simm.s32 $0x18F00;
	[sflag:s11] =	ssyncadd.s32 $0xFFFFE000  }
0xc1: {  	[spmem:s1] =	stream.indirect.scatter.add.f32 [tilespmem:s25], [sflag:$0x4], $0x80, s3, s7, $0xb8;
	[tilespmem:$0x1D000] =	vst v63  }
0xc2: {  	_ =	swait.ge [sflag:s11], $0x2000  }
0xc3: {  	[sflag:s11] =	ssyncset.done $0x0  }
0xc4: {  	[sflag:s11] =	ssyncadd.s32 $0xFFFFE000  }
0xc5: {  	_ =	swait.ge [sflag:s8], $0x2000  }
0xc6: {  	[sflag:s8] =	ssyncset.done $0x0  }
0xc7: {  	s15 =	simm.s32 $0x16780;
	[sflag:s8] =	ssyncadd.s32 $0xFFFFE000  }
0xc8: {  	[spmem:s1] =	stream.indirect.scatter.add.f32 [tilespmem:s10], [sflag:$0x4], $0x80, s15, s7, $0xb8;
	[tilespmem:$0x1D000] =	vst v63  }
0xc9: {  	_ =	swait.ge [sflag:s11], $0x2000  }
0xca: {  	[sflag:s11] =	ssyncset.done $0x0  }
0xcb: {  	s23 =	simm.s32 $0x18F80;
	[sflag:s11] =	ssyncadd.s32 $0xFFFFE000  }
0xcc: {  	[spmem:s1] =	stream.indirect.scatter.add.f32 [tilespmem:s10], [sflag:$0x4], $0x80, s23, s7, $0xb8;
	[tilespmem:$0x1D000] =	vst v63  }
0xcd: {  	_ =	swait.ge [sflag:s11], $0x2000  }
0xce: {  	[sflag:s11] =	ssyncset.done $0x0  }
0xcf: {  	s26 =	stileid.u32;
	[sflag:s11] =	ssyncadd.s32 $0xFFFFE000  }
0xd0: {  	s3 =	sshll.u32 s26, $0x6;
	[bflag:$0x0] =	sbarrier.arrive $0xFFFF  }
0xd1: {  	s26 =	sshrl.u32 s24, $0x3;
	s23 =	sor.u32 $0x1C04, s3;
	s15 =	rddreg [dreg:$0xb]  }
0xd2: {  	[hbm:s15], [sflag:s23] =	dma.local [spmem:s26], $0x2800  }
0xd3: {  	_ =	swait.ge [sflag:s11], $0x2800  }
0xd4: {  	[sflag:s11] =	ssyncset.done $0x0  }
0xd5: {  	s3 =	rddreg [dreg:$0x13];
	[sflag:s11] =	ssyncadd.s32 $0xFFFFD800  }
0xd6: {  	[tilespmem:s10], [sflag:$0x4] =	stream.linear.gather [hbm4b:s3+s28], $0x2000, $0x38;
	[tilespmem:$0x1D000] =	vst v63  }
0xd7: {  	_ =	swait.ge [sflag:s11], $0x2000  }
0xd8: {  	[sflag:s11] =	ssyncset.done $0x0  }
0xd9: {  	[sflag:s11] =	ssyncadd.s32 $0xFFFFE000  }
0xda: {  	[spmem:s24] =	stream.linear.scatter [tilespmem:s10], [sflag:$0x4], $0x2000, $0x38;
	[tilespmem:$0x1D000] =	vst v63  }
0xdb: {  	_ =	swait.ge [sflag:s11], $0x2000  }
0xdc: {  	[sflag:s11] =	ssyncset.done $0x0  }
0xdd: {  	s15 =	rddreg [dreg:$0x15];
	[sflag:s11] =	ssyncadd.s32 $0xFFFFE000  }
0xde: {  	[spmem:s15] =	stream.linear.scatter [tilespmem:s10], [sflag:$0x4], $0x2000, $0x38;
	[tilespmem:$0x1D000] =	vst v63  }
0xdf: {  	_ =	swait.ge [sflag:s11], $0x2000  }
0xe0: {  	[sflag:s11] =	ssyncset.done $0x0  }
0xe1: {  	s3 =	rddreg [dreg:$0x16];
	[sflag:s11] =	ssyncadd.s32 $0xFFFFE000  }
0xe2: {  	[spmem:s3] =	stream.linear.scatter [tilespmem:s10], [sflag:$0x4], $0x2000, $0x38;
	[tilespmem:$0x1D000] =	vst v63  }
0xe3: {  	_ =	swait.ge [sflag:s11], $0x2000  }
0xe4: {  	[sflag:s11] =	ssyncset.done $0x0  }
0xe5: {  	s15 =	rddreg [dreg:$0x17];
	[sflag:s11] =	ssyncadd.s32 $0xFFFFE000  }
0xe6: {  	[spmem:s15] =	stream.linear.scatter [tilespmem:s10], [sflag:$0x4], $0x2000, $0x38;
	[tilespmem:$0x1D000] =	vst v63  }
0xe7: {  	_ =	swait.ge [sflag:s11], $0x2000  }
0xe8: {  	[sflag:s11] =	ssyncset.done $0x0  }
0xe9: {  	s3 =	rddreg [dreg:$0x18];
	[sflag:s11] =	ssyncadd.s32 $0xFFFFE000  }
0xea: {  	[spmem:s3] =	stream.linear.scatter [tilespmem:s10], [sflag:$0x4], $0x2000, $0x38;
	[tilespmem:$0x1D000] =	vst v63  }
0xeb: {  	_ =	swait.ge [sflag:s11], $0x2000  }
0xec: {  	[sflag:s11] =	ssyncset.done $0x0  }
0xed: {  	s15 =	rddreg [dreg:$0x19];
	[sflag:s11] =	ssyncadd.s32 $0xFFFFE000  }
0xee: {  	[spmem:s15] =	stream.linear.scatter [tilespmem:s10], [sflag:$0x4], $0x2000, $0x38;
	[tilespmem:$0x1D000] =	vst v63  }
0xef: {  	_ =	swait.ge [sflag:s11], $0x2000  }
0xf0: {  	[sflag:s11] =	ssyncset.done $0x0  }
0xf1: {  	s3 =	rddreg [dreg:$0x1a];
	[sflag:s11] =	ssyncadd.s32 $0xFFFFE000  }
0xf2: {  	[spmem:s3] =	stream.linear.scatter [tilespmem:s10], [sflag:$0x4], $0x2000, $0x38;
	[tilespmem:$0x1D000] =	vst v63  }
0xf3: {  	_ =	swait.ge [sflag:s11], $0x2000  }
0xf4: {  	[sflag:s11] =	ssyncset.done $0x0  }
0xf5: {  	s15 =	rddreg [dreg:$0x1b];
	[sflag:s11] =	ssyncadd.s32 $0xFFFFE000  }
0xf6: {  	[spmem:s15] =	stream.linear.scatter [tilespmem:s10], [sflag:$0x4], $0x2000, $0x38;
	[tilespmem:$0x1D000] =	vst v63  }
0xf7: {  	_ =	swait.ge [sflag:s11], $0x2000  }
0xf8: {  	[sflag:s11] =	ssyncset.done $0x0  }
0xf9: {  	s3 =	rddreg [dreg:$0x1c];
	[sflag:s11] =	ssyncadd.s32 $0xFFFFE000  }
0xfa: {  	[spmem:s3] =	stream.linear.scatter [tilespmem:s10], [sflag:$0x4], $0x2000, $0x38;
	[tilespmem:$0x1D000] =	vst v63  }
0xfb: {  	_ =	swait.ge [sflag:s11], $0x2000  }
0xfc: {  	[sflag:s11] =	ssyncset.done $0x0  }
0xfd: {  	[sflag:s11] =	ssyncadd.s32 $0xFFFFE000  }
0xfe: {  	[spmem:s5] =	stream.linear.scatter [tilespmem:s10], [sflag:$0x4], $0x2000, $0x38;
	[tilespmem:$0x1D000] =	vst v63  }
0xff: {  	_ =	swait.ge [sflag:s11], $0x2000  }
0x100: {  	[sflag:s11] =	ssyncset.done $0x0  }
0x101: {  	[sflag:s11] =	ssyncadd.s32 $0xFFFFE000  }
0x102: {  	[bflag:$0x0] =	sbarrier.arrive $0xFFFF  }
0x103: {  	s15 =	rddreg [dreg:$0xc]  }
0x104: {  	[tilespmem:s25], [sflag:$0x1] =	stream.linear.gather [hbm4b:s15+s28], $0x2000, $0x38;
	[tilespmem:$0x1D000] =	vst v63  }
0x105: {  	s0 =	sadd.s32 $0x0, s18  }
0x106: {  	[tilespmem:s10], [sflag:$0x2] =	stream.linear.gather [hbm4b:s0+s2], $0x2000, $0x38;
	[tilespmem:$0x1D000] =	vst v63  }
0x107: {  	_ =	swait.ge [sflag:s6], $0x2000  }
0x108: {  	[sflag:s6] =	ssyncset.done $0x0  }
0x109: {  	s3 =	simm.s32 $0x14000;
	[sflag:s6] =	ssyncadd.s32 $0xFFFFE000  }
0x10a: {  	[spmem:s1] =	stream.indirect.scatter.add.f32 [tilespmem:s25], [sflag:$0x4], $0x80, s3, s7, $0xb8;
	[tilespmem:$0x1D000] =	vst v63  }
0x10b: {  	_ =	swait.ge [sflag:s11], $0x2000  }
0x10c: {  	[sflag:s11] =	ssyncset.done $0x0  }
0x10d: {  	s0 =	simm.s32 $0x16800;
	[sflag:s11] =	ssyncadd.s32 $0xFFFFE000  }
0x10e: {  	[spmem:s1] =	stream.indirect.scatter.add.f32 [tilespmem:s25], [sflag:$0x4], $0x80, s0, s7, $0xb8;
	[tilespmem:$0x1D000] =	vst v63  }
0x10f: {  	_ =	swait.ge [sflag:s11], $0x2000  }
0x110: {  	[sflag:s11] =	ssyncset.done $0x0  }
0x111: {  	s3 =	sadd.s32 $0x0, s17;
	[sflag:s11] =	ssyncadd.s32 $0xFFFFE000  }
0x112: {  	[tilespmem:s25], [sflag:$0x1] =	stream.linear.gather [hbm4b:s3+s2], $0x2000, $0x38;
	[tilespmem:$0x1D000] =	vst v63  }
0x113: {  	_ =	swait.ge [sflag:s8], $0x2000  }
0x114: {  	[sflag:s8] =	ssyncset.done $0x0  }
0x115: {  	s0 =	simm.s32 $0x14080;
	[sflag:s8] =	ssyncadd.s32 $0xFFFFE000  }
0x116: {  	[spmem:s1] =	stream.indirect.scatter.add.f32 [tilespmem:s10], [sflag:$0x4], $0x80, s0, s7, $0xb8;
	[tilespmem:$0x1D000] =	vst v63  }
0x117: {  	_ =	swait.ge [sflag:s11], $0x2000  }
0x118: {  	[sflag:s11] =	ssyncset.done $0x0  }
0x119: {  	s3 =	simm.s32 $0x16880;
	[sflag:s11] =	ssyncadd.s32 $0xFFFFE000  }
0x11a: {  	[spmem:s1] =	stream.indirect.scatter.add.f32 [tilespmem:s10], [sflag:$0x4], $0x80, s3, s7, $0xb8;
	[tilespmem:$0x1D000] =	vst v63  }
0x11b: {  	s30 =	simm.s32 $0x800;
	s31 =	simm.s32 $0x1000;
	_ =	swait.ge [sflag:s11], $0x2000  }
0x11c: {  	s29 =	simm.s32 $0x14100;
	s28 =	simm.s32 $0x16900;
	[sflag:s11] =	ssyncset.done $0x0  }
.LBB2_8:
0x11d: {  	s15 =	sadd.s32 s30, s18  }
0x11e: {  	[sflag:s11] =	ssyncadd.s32 $0xFFFFE000;
	s0 =	smov.u32 s31;
	s3 =	sadd.s32 $0x800, s31  }
0x11f: {  	[tilespmem:s10], [sflag:$0x2] =	stream.linear.gather [hbm4b:s15+s2], $0x2000, $0x38;
	[tilespmem:$0x1D000] =	vst v63  }
0x120: {  	p0 =	sne.s32 s31, $0x13000;
	_ =	swait.ge [sflag:s6], $0x2000  }
0x121: {  	[sflag:s6] =	ssyncset.done $0x0  }
0x122: {  	[sflag:s6] =	ssyncadd.s32 $0xFFFFE000  }
0x123: {  	[spmem:s1] =	stream.indirect.scatter.add.f32 [tilespmem:s25], [sflag:$0x4], $0x80, s29, s7, $0xb8;
	[tilespmem:$0x1D000] =	vst v63  }
0x124: {  	_ =	swait.ge [sflag:s11], $0x2000  }
0x125: {  	[sflag:s11] =	ssyncset.done $0x0  }
0x126: {  	[sflag:s11] =	ssyncadd.s32 $0xFFFFE000  }
0x127: {  	[spmem:s1] =	stream.indirect.scatter.add.f32 [tilespmem:s25], [sflag:$0x4], $0x80, s28, s7, $0xb8;
	[tilespmem:$0x1D000] =	vst v63  }
0x128: {  	_ =	swait.ge [sflag:s11], $0x2000  }
0x129: {  	[sflag:s11] =	ssyncset.done $0x0  }
0x12a: {  	s15 =	sadd.s32 s30, s17;
	s30 =	smov.u32 s0;
	[sflag:s11] =	ssyncadd.s32 $0xFFFFE000  }
0x12b: {  	[tilespmem:s25], [sflag:$0x1] =	stream.linear.gather [hbm4b:s15+s2], $0x2000, $0x38;
	[tilespmem:$0x1D000] =	vst v63  }
0x12c: {  	_ =	swait.ge [sflag:s8], $0x2000  }
0x12d: {  	[sflag:s8] =	ssyncset.done $0x0  }
0x12e: {  	s0 =	sadd.s32 $0x80, s29;
	[sflag:s8] =	ssyncadd.s32 $0xFFFFE000  }
0x12f: {  	[spmem:s1] =	stream.indirect.scatter.add.f32 [tilespmem:s10], [sflag:$0x4], $0x80, s0, s7, $0xb8;
	[tilespmem:$0x1D000] =	vst v63  }
0x130: {  	_ =	swait.ge [sflag:s11], $0x2000  }
.Ltmp3:
0x131: {  	[sflag:s11] =	ssyncset.done $0x0;
	(pc) =	sbr.rel @p0 .LBB2_8-.Ltmp3, $4  }
0x132: {  	s0 =	sadd.s32 $0x80, s28;
	[sflag:s11] =	ssyncadd.s32 $0xFFFFE000  }
0x133: {  	[spmem:s1] =	stream.indirect.scatter.add.f32 [tilespmem:s10], [sflag:$0x4], $0x80, s0, s7, $0xb8;
	[tilespmem:$0x1D000] =	vst v63  }
0x134: {  	s31 =	smov.u32 s3;
	_ =	swait.ge [sflag:s11], $0x2000  }
0x135: {  	s29 =	sadd.s32 $0x100, s29;
	s28 =	sadd.s32 $0x100, s28;
	[sflag:s11] =	ssyncset.done $0x0  }
0x136: {  	s0 =	sadd.s32 s30, s18;
	[sflag:s11] =	ssyncadd.s32 $0xFFFFE000  }
0x137: {  	[tilespmem:s10], [sflag:$0x2] =	stream.linear.gather [hbm4b:s0+s2], $0x2000, $0x38;
	[tilespmem:$0x1D000] =	vst v63  }
0x138: {  	_ =	swait.ge [sflag:s6], $0x2000  }
0x139: {  	[sflag:s6] =	ssyncset.done $0x0  }
0x13a: {  	[sflag:s6] =	ssyncadd.s32 $0xFFFFE000  }
0x13b: {  	[spmem:s1] =	stream.indirect.scatter.add.f32 [tilespmem:s25], [sflag:$0x4], $0x80, s29, s7, $0xb8;
	[tilespmem:$0x1D000] =	vst v63  }
0x13c: {  	_ =	swait.ge [sflag:s11], $0x2000  }
0x13d: {  	[sflag:s11] =	ssyncset.done $0x0  }
0x13e: {  	[sflag:s11] =	ssyncadd.s32 $0xFFFFE000  }
0x13f: {  	[spmem:s1] =	stream.indirect.scatter.add.f32 [tilespmem:s25], [sflag:$0x4], $0x80, s28, s7, $0xb8;
	[tilespmem:$0x1D000] =	vst v63  }
0x140: {  	_ =	swait.ge [sflag:s11], $0x2000  }
0x141: {  	[sflag:s11] =	ssyncset.done $0x0  }
0x142: {  	s15 =	sadd.s32 s30, s17;
	[sflag:s11] =	ssyncadd.s32 $0xFFFFE000  }
0x143: {  	[tilespmem:s25], [sflag:$0x1] =	stream.linear.gather [hbm4b:s15+s2], $0x2000, $0x38;
	[tilespmem:$0x1D000] =	vst v63  }
0x144: {  	_ =	swait.ge [sflag:s8], $0x2000  }
0x145: {  	[sflag:s8] =	ssyncset.done $0x0  }
0x146: {  	s3 =	sadd.s32 $0x80, s29;
	[sflag:s8] =	ssyncadd.s32 $0xFFFFE000  }
0x147: {  	[spmem:s1] =	stream.indirect.scatter.add.f32 [tilespmem:s10], [sflag:$0x4], $0x80, s3, s7, $0xb8;
	[tilespmem:$0x1D000] =	vst v63  }
0x148: {  	_ =	swait.ge [sflag:s11], $0x2000  }
0x149: {  	[sflag:s11] =	ssyncset.done $0x0  }
0x14a: {  	s15 =	sadd.s32 $0x80, s28;
	[sflag:s11] =	ssyncadd.s32 $0xFFFFE000  }
0x14b: {  	[spmem:s1] =	stream.indirect.scatter.add.f32 [tilespmem:s10], [sflag:$0x4], $0x80, s15, s7, $0xb8;
	[tilespmem:$0x1D000] =	vst v63  }
0x14c: {  	_ =	swait.ge [sflag:s11], $0x2000  }
0x14d: {  	[sflag:s11] =	ssyncset.done $0x0  }
0x14e: {  	s28 =	simm.s32 $0x0;
	s3 =	rddreg [dreg:$0x11];
	[sflag:s11] =	ssyncadd.s32 $0xFFFFE000  }
0x14f: {  	[tilespmem:s10], [sflag:$0x2] =	stream.linear.gather [hbm4b:s3+s28], $0x2000, $0x38;
	[tilespmem:$0x1D000] =	vst v63  }
0x150: {  	_ =	swait.ge [sflag:s6], $0x2000  }
0x151: {  	[sflag:s6] =	ssyncset.done $0x0  }
0x152: {  	s15 =	simm.s32 $0x16700;
	[sflag:s6] =	ssyncadd.s32 $0xFFFFE000  }
0x153: {  	[spmem:s1] =	stream.indirect.scatter.add.f32 [tilespmem:s25], [sflag:$0x4], $0x80, s15, s7, $0xb8;
	[tilespmem:$0x1D000] =	vst v63  }
0x154: {  	_ =	swait.ge [sflag:s11], $0x2000  }
0x155: {  	[sflag:s11] =	ssyncset.done $0x0  }
0x156: {  	s3 =	simm.s32 $0x18F00;
	[sflag:s11] =	ssyncadd.s32 $0xFFFFE000  }
0x157: {  	[spmem:s1] =	stream.indirect.scatter.add.f32 [tilespmem:s25], [sflag:$0x4], $0x80, s3, s7, $0xb8;
	[tilespmem:$0x1D000] =	vst v63  }
0x158: {  	_ =	swait.ge [sflag:s11], $0x2000  }
0x159: {  	[sflag:s11] =	ssyncset.done $0x0  }
0x15a: {  	[sflag:s11] =	ssyncadd.s32 $0xFFFFE000  }
0x15b: {  	_ =	swait.ge [sflag:s8], $0x2000  }
0x15c: {  	[sflag:s8] =	ssyncset.done $0x0  }
0x15d: {  	s15 =	simm.s32 $0x16780;
	[sflag:s8] =	ssyncadd.s32 $0xFFFFE000  }
0x15e: {  	[spmem:s1] =	stream.indirect.scatter.add.f32 [tilespmem:s10], [sflag:$0x4], $0x80, s15, s7, $0xb8;
	[tilespmem:$0x1D000] =	vst v63  }
0x15f: {  	_ =	swait.ge [sflag:s11], $0x2000  }
0x160: {  	[sflag:s11] =	ssyncset.done $0x0  }
0x161: {  	s3 =	simm.s32 $0x18F80;
	[sflag:s11] =	ssyncadd.s32 $0xFFFFE000  }
0x162: {  	[spmem:s1] =	stream.indirect.scatter.add.f32 [tilespmem:s10], [sflag:$0x4], $0x80, s3, s7, $0xb8;
	[tilespmem:$0x1D000] =	vst v63  }
0x163: {  	_ =	swait.ge [sflag:s11], $0x2000  }
0x164: {  	[sflag:s11] =	ssyncset.done $0x0  }
0x165: {  	[sflag:s11] =	ssyncadd.s32 $0xFFFFE000  }
0x166: {  	[bflag:$0x0] =	sbarrier.arrive $0xFFFF  }
0x167: {  	s15 =	rddreg [dreg:$0x1d]  }
0x168: {  	[hbm:s15], [sflag:s23] =	dma.local [spmem:s26], $0x2800  }
0x169: {  	_ =	swait.ge [sflag:s11], $0x2800  }
0x16a: {  	[sflag:s11] =	ssyncset.done $0x0  }
0x16b: {  	s3 =	rddreg [dreg:$0x13];
	[sflag:s11] =	ssyncadd.s32 $0xFFFFD800  }
0x16c: {  	[tilespmem:s10], [sflag:$0x4] =	stream.linear.gather [hbm4b:s3+s28], $0x2000, $0x38;
	[tilespmem:$0x1D000] =	vst v63  }
0x16d: {  	_ =	swait.ge [sflag:s11], $0x2000  }
0x16e: {  	[sflag:s11] =	ssyncset.done $0x0  }
0x16f: {  	[sflag:s11] =	ssyncadd.s32 $0xFFFFE000  }
0x170: {  	[spmem:s24] =	stream.linear.scatter [tilespmem:s10], [sflag:$0x4], $0x2000, $0x38;
	[tilespmem:$0x1D000] =	vst v63  }
0x171: {  	_ =	swait.ge [sflag:s11], $0x2000  }
0x172: {  	[sflag:s11] =	ssyncset.done $0x0  }
0x173: {  	s15 =	rddreg [dreg:$0x15];
	[sflag:s11] =	ssyncadd.s32 $0xFFFFE000  }
0x174: {  	[spmem:s15] =	stream.linear.scatter [tilespmem:s10], [sflag:$0x4], $0x2000, $0x38;
	[tilespmem:$0x1D000] =	vst v63  }
0x175: {  	_ =	swait.ge [sflag:s11], $0x2000  }
0x176: {  	[sflag:s11] =	ssyncset.done $0x0  }
0x177: {  	s3 =	rddreg [dreg:$0x16];
	[sflag:s11] =	ssyncadd.s32 $0xFFFFE000  }
0x178: {  	[spmem:s3] =	stream.linear.scatter [tilespmem:s10], [sflag:$0x4], $0x2000, $0x38;
	[tilespmem:$0x1D000] =	vst v63  }
0x179: {  	_ =	swait.ge [sflag:s11], $0x2000  }
0x17a: {  	[sflag:s11] =	ssyncset.done $0x0  }
0x17b: {  	s15 =	rddreg [dreg:$0x17];
	[sflag:s11] =	ssyncadd.s32 $0xFFFFE000  }
0x17c: {  	[spmem:s15] =	stream.linear.scatter [tilespmem:s10], [sflag:$0x4], $0x2000, $0x38;
	[tilespmem:$0x1D000] =	vst v63  }
0x17d: {  	_ =	swait.ge [sflag:s11], $0x2000  }
0x17e: {  	[sflag:s11] =	ssyncset.done $0x0  }
0x17f: {  	s3 =	rddreg [dreg:$0x18];
	[sflag:s11] =	ssyncadd.s32 $0xFFFFE000  }
0x180: {  	[spmem:s3] =	stream.linear.scatter [tilespmem:s10], [sflag:$0x4], $0x2000, $0x38;
	[tilespmem:$0x1D000] =	vst v63  }
0x181: {  	_ =	swait.ge [sflag:s11], $0x2000  }
0x182: {  	[sflag:s11] =	ssyncset.done $0x0  }
0x183: {  	s15 =	rddreg [dreg:$0x19];
	[sflag:s11] =	ssyncadd.s32 $0xFFFFE000  }
0x184: {  	[spmem:s15] =	stream.linear.scatter [tilespmem:s10], [sflag:$0x4], $0x2000, $0x38;
	[tilespmem:$0x1D000] =	vst v63  }
0x185: {  	_ =	swait.ge [sflag:s11], $0x2000  }
0x186: {  	[sflag:s11] =	ssyncset.done $0x0  }
0x187: {  	s3 =	rddreg [dreg:$0x1a];
	[sflag:s11] =	ssyncadd.s32 $0xFFFFE000  }
0x188: {  	[spmem:s3] =	stream.linear.scatter [tilespmem:s10], [sflag:$0x4], $0x2000, $0x38;
	[tilespmem:$0x1D000] =	vst v63  }
0x189: {  	_ =	swait.ge [sflag:s11], $0x2000  }
0x18a: {  	[sflag:s11] =	ssyncset.done $0x0  }
0x18b: {  	s15 =	rddreg [dreg:$0x1b];
	[sflag:s11] =	ssyncadd.s32 $0xFFFFE000  }
0x18c: {  	[spmem:s15] =	stream.linear.scatter [tilespmem:s10], [sflag:$0x4], $0x2000, $0x38;
	[tilespmem:$0x1D000] =	vst v63  }
0x18d: {  	_ =	swait.ge [sflag:s11], $0x2000  }
0x18e: {  	[sflag:s11] =	ssyncset.done $0x0  }
0x18f: {  	s3 =	rddreg [dreg:$0x1c];
	[sflag:s11] =	ssyncadd.s32 $0xFFFFE000  }
0x190: {  	[spmem:s3] =	stream.linear.scatter [tilespmem:s10], [sflag:$0x4], $0x2000, $0x38;
	[tilespmem:$0x1D000] =	vst v63  }
0x191: {  	_ =	swait.ge [sflag:s11], $0x2000  }
0x192: {  	[sflag:s11] =	ssyncset.done $0x0  }
0x193: {  	[sflag:s11] =	ssyncadd.s32 $0xFFFFE000  }
0x194: {  	[spmem:s5] =	stream.linear.scatter [tilespmem:s10], [sflag:$0x4], $0x2000, $0x38;
	[tilespmem:$0x1D000] =	vst v63  }
0x195: {  	_ =	swait.ge [sflag:s11], $0x2000  }
0x196: {  	[sflag:s11] =	ssyncset.done $0x0  }
0x197: {  	[sflag:s11] =	ssyncadd.s32 $0xFFFFE000  }
0x198: {  	[bflag:$0x0] =	sbarrier.arrive $0xFFFF  }
0x199: {  	s15 =	rddreg [dreg:$0xd]  }
0x19a: {  	[tilespmem:s25], [sflag:$0x1] =	stream.linear.gather [hbm4b:s15+s28], $0x2000, $0x38;
	[tilespmem:$0x1D000] =	vst v63  }
0x19b: {  	s3 =	sadd.s32 $0x0, s20  }
0x19c: {  	[tilespmem:s10], [sflag:$0x2] =	stream.linear.gather [hbm4b:s3+s2], $0x2000, $0x38;
	[tilespmem:$0x1D000] =	vst v63  }
0x19d: {  	_ =	swait.ge [sflag:s6], $0x2000  }
0x19e: {  	[sflag:s6] =	ssyncset.done $0x0  }
0x19f: {  	s15 =	simm.s32 $0x14000;
	[sflag:s6] =	ssyncadd.s32 $0xFFFFE000  }
0x1a0: {  	[spmem:s1] =	stream.indirect.scatter.add.f32 [tilespmem:s25], [sflag:$0x4], $0x80, s15, s7, $0xb8;
	[tilespmem:$0x1D000] =	vst v63  }
0x1a1: {  	_ =	swait.ge [sflag:s11], $0x2000  }
0x1a2: {  	[sflag:s11] =	ssyncset.done $0x0  }
0x1a3: {  	s3 =	simm.s32 $0x16800;
	[sflag:s11] =	ssyncadd.s32 $0xFFFFE000  }
0x1a4: {  	[spmem:s1] =	stream.indirect.scatter.add.f32 [tilespmem:s25], [sflag:$0x4], $0x80, s3, s7, $0xb8;
	[tilespmem:$0x1D000] =	vst v63  }
0x1a5: {  	_ =	swait.ge [sflag:s11], $0x2000  }
0x1a6: {  	[sflag:s11] =	ssyncset.done $0x0  }
0x1a7: {  	s15 =	sadd.s32 $0x0, s19;
	[sflag:s11] =	ssyncadd.s32 $0xFFFFE000  }
0x1a8: {  	[tilespmem:s25], [sflag:$0x1] =	stream.linear.gather [hbm4b:s15+s2], $0x2000, $0x38;
	[tilespmem:$0x1D000] =	vst v63  }
0x1a9: {  	_ =	swait.ge [sflag:s8], $0x2000  }
0x1aa: {  	[sflag:s8] =	ssyncset.done $0x0  }
0x1ab: {  	s3 =	simm.s32 $0x14080;
	[sflag:s8] =	ssyncadd.s32 $0xFFFFE000  }
0x1ac: {  	[spmem:s1] =	stream.indirect.scatter.add.f32 [tilespmem:s10], [sflag:$0x4], $0x80, s3, s7, $0xb8;
	[tilespmem:$0x1D000] =	vst v63  }
0x1ad: {  	_ =	swait.ge [sflag:s11], $0x2000  }
0x1ae: {  	[sflag:s11] =	ssyncset.done $0x0  }
0x1af: {  	s15 =	simm.s32 $0x16880;
	[sflag:s11] =	ssyncadd.s32 $0xFFFFE000  }
0x1b0: {  	[spmem:s1] =	stream.indirect.scatter.add.f32 [tilespmem:s10], [sflag:$0x4], $0x80, s15, s7, $0xb8;
	[tilespmem:$0x1D000] =	vst v63  }
0x1b1: {  	s30 =	simm.s32 $0x800;
	s31 =	simm.s32 $0x1000;
	_ =	swait.ge [sflag:s11], $0x2000  }
0x1b2: {  	s29 =	simm.s32 $0x14100;
	s28 =	simm.s32 $0x16900;
	[sflag:s11] =	ssyncset.done $0x0  }
.LBB2_10:
0x1b3: {  	s0 =	sadd.s32 s30, s20  }
0x1b4: {  	[sflag:s11] =	ssyncadd.s32 $0xFFFFE000;
	s3 =	smov.u32 s31;
	s15 =	sadd.s32 $0x800, s31  }
0x1b5: {  	[tilespmem:s10], [sflag:$0x2] =	stream.linear.gather [hbm4b:s0+s2], $0x2000, $0x38;
	[tilespmem:$0x1D000] =	vst v63  }
0x1b6: {  	p0 =	sne.s32 s31, $0x13000;
	_ =	swait.ge [sflag:s6], $0x2000  }
0x1b7: {  	[sflag:s6] =	ssyncset.done $0x0  }
0x1b8: {  	[sflag:s6] =	ssyncadd.s32 $0xFFFFE000  }
0x1b9: {  	[spmem:s1] =	stream.indirect.scatter.add.f32 [tilespmem:s25], [sflag:$0x4], $0x80, s29, s7, $0xb8;
	[tilespmem:$0x1D000] =	vst v63  }
0x1ba: {  	_ =	swait.ge [sflag:s11], $0x2000  }
0x1bb: {  	[sflag:s11] =	ssyncset.done $0x0  }
0x1bc: {  	[sflag:s11] =	ssyncadd.s32 $0xFFFFE000  }
0x1bd: {  	[spmem:s1] =	stream.indirect.scatter.add.f32 [tilespmem:s25], [sflag:$0x4], $0x80, s28, s7, $0xb8;
	[tilespmem:$0x1D000] =	vst v63  }
0x1be: {  	_ =	swait.ge [sflag:s11], $0x2000  }
0x1bf: {  	[sflag:s11] =	ssyncset.done $0x0  }
0x1c0: {  	s0 =	sadd.s32 s30, s19;
	s30 =	smov.u32 s3;
	[sflag:s11] =	ssyncadd.s32 $0xFFFFE000  }
0x1c1: {  	[tilespmem:s25], [sflag:$0x1] =	stream.linear.gather [hbm4b:s0+s2], $0x2000, $0x38;
	[tilespmem:$0x1D000] =	vst v63  }
0x1c2: {  	_ =	swait.ge [sflag:s8], $0x2000  }
0x1c3: {  	[sflag:s8] =	ssyncset.done $0x0  }
0x1c4: {  	s0 =	sadd.s32 $0x80, s29;
	[sflag:s8] =	ssyncadd.s32 $0xFFFFE000  }
0x1c5: {  	[spmem:s1] =	stream.indirect.scatter.add.f32 [tilespmem:s10], [sflag:$0x4], $0x80, s0, s7, $0xb8;
	[tilespmem:$0x1D000] =	vst v63  }
0x1c6: {  	_ =	swait.ge [sflag:s11], $0x2000  }
.Ltmp4:
0x1c7: {  	[sflag:s11] =	ssyncset.done $0x0;
	(pc) =	sbr.rel @p0 .LBB2_10-.Ltmp4, $4  }
0x1c8: {  	s0 =	sadd.s32 $0x80, s28;
	[sflag:s11] =	ssyncadd.s32 $0xFFFFE000  }
0x1c9: {  	[spmem:s1] =	stream.indirect.scatter.add.f32 [tilespmem:s10], [sflag:$0x4], $0x80, s0, s7, $0xb8;
	[tilespmem:$0x1D000] =	vst v63  }
0x1ca: {  	s31 =	smov.u32 s15;
	_ =	swait.ge [sflag:s11], $0x2000  }
0x1cb: {  	s29 =	sadd.s32 $0x100, s29;
	s28 =	sadd.s32 $0x100, s28;
	[sflag:s11] =	ssyncset.done $0x0  }
0x1cc: {  	s0 =	sadd.s32 s30, s20;
	[sflag:s11] =	ssyncadd.s32 $0xFFFFE000  }
0x1cd: {  	[tilespmem:s10], [sflag:$0x2] =	stream.linear.gather [hbm4b:s0+s2], $0x2000, $0x38;
	[tilespmem:$0x1D000] =	vst v63  }
0x1ce: {  	_ =	swait.ge [sflag:s6], $0x2000  }
0x1cf: {  	[sflag:s6] =	ssyncset.done $0x0  }
0x1d0: {  	[sflag:s6] =	ssyncadd.s32 $0xFFFFE000  }
0x1d1: {  	[spmem:s1] =	stream.indirect.scatter.add.f32 [tilespmem:s25], [sflag:$0x4], $0x80, s29, s7, $0xb8;
	[tilespmem:$0x1D000] =	vst v63  }
0x1d2: {  	_ =	swait.ge [sflag:s11], $0x2000  }
0x1d3: {  	[sflag:s11] =	ssyncset.done $0x0  }
0x1d4: {  	[sflag:s11] =	ssyncadd.s32 $0xFFFFE000  }
0x1d5: {  	[spmem:s1] =	stream.indirect.scatter.add.f32 [tilespmem:s25], [sflag:$0x4], $0x80, s28, s7, $0xb8;
	[tilespmem:$0x1D000] =	vst v63  }
0x1d6: {  	_ =	swait.ge [sflag:s11], $0x2000  }
0x1d7: {  	[sflag:s11] =	ssyncset.done $0x0  }
0x1d8: {  	s15 =	sadd.s32 s30, s19;
	[sflag:s11] =	ssyncadd.s32 $0xFFFFE000  }
0x1d9: {  	[tilespmem:s25], [sflag:$0x1] =	stream.linear.gather [hbm4b:s15+s2], $0x2000, $0x38;
	[tilespmem:$0x1D000] =	vst v63  }
0x1da: {  	_ =	swait.ge [sflag:s8], $0x2000  }
0x1db: {  	[sflag:s8] =	ssyncset.done $0x0  }
0x1dc: {  	s3 =	sadd.s32 $0x80, s29;
	[sflag:s8] =	ssyncadd.s32 $0xFFFFE000  }
0x1dd: {  	[spmem:s1] =	stream.indirect.scatter.add.f32 [tilespmem:s10], [sflag:$0x4], $0x80, s3, s7, $0xb8;
	[tilespmem:$0x1D000] =	vst v63  }
0x1de: {  	_ =	swait.ge [sflag:s11], $0x2000  }
0x1df: {  	[sflag:s11] =	ssyncset.done $0x0  }
0x1e0: {  	s15 =	sadd.s32 $0x80, s28;
	[sflag:s11] =	ssyncadd.s32 $0xFFFFE000  }
0x1e1: {  	[spmem:s1] =	stream.indirect.scatter.add.f32 [tilespmem:s10], [sflag:$0x4], $0x80, s15, s7, $0xb8;
	[tilespmem:$0x1D000] =	vst v63  }
0x1e2: {  	_ =	swait.ge [sflag:s11], $0x2000  }
0x1e3: {  	[sflag:s11] =	ssyncset.done $0x0  }
0x1e4: {  	s28 =	simm.s32 $0x0;
	s3 =	rddreg [dreg:$0x12];
	[sflag:s11] =	ssyncadd.s32 $0xFFFFE000  }
0x1e5: {  	[tilespmem:s10], [sflag:$0x2] =	stream.linear.gather [hbm4b:s3+s28], $0x2000, $0x38;
	[tilespmem:$0x1D000] =	vst v63  }
0x1e6: {  	_ =	swait.ge [sflag:s6], $0x2000  }
0x1e7: {  	[sflag:s6] =	ssyncset.done $0x0  }
0x1e8: {  	s15 =	simm.s32 $0x16700;
	[sflag:s6] =	ssyncadd.s32 $0xFFFFE000  }
0x1e9: {  	[spmem:s1] =	stream.indirect.scatter.add.f32 [tilespmem:s25], [sflag:$0x4], $0x80, s15, s7, $0xb8;
	[tilespmem:$0x1D000] =	vst v63  }
0x1ea: {  	_ =	swait.ge [sflag:s11], $0x2000  }
0x1eb: {  	[sflag:s11] =	ssyncset.done $0x0  }
0x1ec: {  	s3 =	simm.s32 $0x18F00;
	[sflag:s11] =	ssyncadd.s32 $0xFFFFE000  }
0x1ed: {  	[spmem:s1] =	stream.indirect.scatter.add.f32 [tilespmem:s25], [sflag:$0x4], $0x80, s3, s7, $0xb8;
	[tilespmem:$0x1D000] =	vst v63  }
0x1ee: {  	_ =	swait.ge [sflag:s11], $0x2000  }
0x1ef: {  	[sflag:s11] =	ssyncset.done $0x0  }
0x1f0: {  	[sflag:s11] =	ssyncadd.s32 $0xFFFFE000  }
0x1f1: {  	_ =	swait.ge [sflag:s8], $0x2000  }
0x1f2: {  	[sflag:s8] =	ssyncset.done $0x0  }
0x1f3: {  	s15 =	simm.s32 $0x16780;
	[sflag:s8] =	ssyncadd.s32 $0xFFFFE000  }
0x1f4: {  	[spmem:s1] =	stream.indirect.scatter.add.f32 [tilespmem:s10], [sflag:$0x4], $0x80, s15, s7, $0xb8;
	[tilespmem:$0x1D000] =	vst v63  }
0x1f5: {  	_ =	swait.ge [sflag:s11], $0x2000  }
0x1f6: {  	[sflag:s11] =	ssyncset.done $0x0  }
0x1f7: {  	s3 =	simm.s32 $0x18F80;
	[sflag:s11] =	ssyncadd.s32 $0xFFFFE000  }
0x1f8: {  	[spmem:s1] =	stream.indirect.scatter.add.f32 [tilespmem:s10], [sflag:$0x4], $0x80, s3, s7, $0xb8;
	[tilespmem:$0x1D000] =	vst v63  }
0x1f9: {  	_ =	swait.ge [sflag:s11], $0x2000  }
0x1fa: {  	[sflag:s11] =	ssyncset.done $0x0  }
0x1fb: {  	[sflag:s11] =	ssyncadd.s32 $0xFFFFE000  }
0x1fc: {  	[bflag:$0x0] =	sbarrier.arrive $0xFFFF  }
0x1fd: {  	s15 =	rddreg [dreg:$0x1e]  }
0x1fe: {  	[hbm:s15], [sflag:s23] =	dma.local [spmem:s26], $0x2800  }
0x1ff: {  	_ =	swait.ge [sflag:s11], $0x2800  }
0x200: {  	[sflag:s11] =	ssyncset.done $0x0  }
0x201: {  	s3 =	rddreg [dreg:$0x13];
	[sflag:s11] =	ssyncadd.s32 $0xFFFFD800  }
0x202: {  	[tilespmem:s10], [sflag:$0x4] =	stream.linear.gather [hbm4b:s3+s28], $0x2000, $0x38;
	[tilespmem:$0x1D000] =	vst v63  }
0x203: {  	_ =	swait.ge [sflag:s11], $0x2000  }
0x204: {  	[sflag:s11] =	ssyncset.done $0x0  }
0x205: {  	[sflag:s11] =	ssyncadd.s32 $0xFFFFE000  }
0x206: {  	[spmem:s24] =	stream.linear.scatter [tilespmem:s10], [sflag:$0x4], $0x2000, $0x38;
	[tilespmem:$0x1D000] =	vst v63  }
0x207: {  	_ =	swait.ge [sflag:s11], $0x2000  }
0x208: {  	[sflag:s11] =	ssyncset.done $0x0  }
0x209: {  	s15 =	rddreg [dreg:$0x15];
	[sflag:s11] =	ssyncadd.s32 $0xFFFFE000  }
0x20a: {  	[spmem:s15] =	stream.linear.scatter [tilespmem:s10], [sflag:$0x4], $0x2000, $0x38;
	[tilespmem:$0x1D000] =	vst v63  }
0x20b: {  	_ =	swait.ge [sflag:s11], $0x2000  }
0x20c: {  	[sflag:s11] =	ssyncset.done $0x0  }
0x20d: {  	s3 =	rddreg [dreg:$0x16];
	[sflag:s11] =	ssyncadd.s32 $0xFFFFE000  }
0x20e: {  	[spmem:s3] =	stream.linear.scatter [tilespmem:s10], [sflag:$0x4], $0x2000, $0x38;
	[tilespmem:$0x1D000] =	vst v63  }
0x20f: {  	_ =	swait.ge [sflag:s11], $0x2000  }
0x210: {  	[sflag:s11] =	ssyncset.done $0x0  }
0x211: {  	s15 =	rddreg [dreg:$0x17];
	[sflag:s11] =	ssyncadd.s32 $0xFFFFE000  }
0x212: {  	[spmem:s15] =	stream.linear.scatter [tilespmem:s10], [sflag:$0x4], $0x2000, $0x38;
	[tilespmem:$0x1D000] =	vst v63  }
0x213: {  	_ =	swait.ge [sflag:s11], $0x2000  }
0x214: {  	[sflag:s11] =	ssyncset.done $0x0  }
0x215: {  	s3 =	rddreg [dreg:$0x18];
	[sflag:s11] =	ssyncadd.s32 $0xFFFFE000  }
0x216: {  	[spmem:s3] =	stream.linear.scatter [tilespmem:s10], [sflag:$0x4], $0x2000, $0x38;
	[tilespmem:$0x1D000] =	vst v63  }
0x217: {  	_ =	swait.ge [sflag:s11], $0x2000  }
0x218: {  	[sflag:s11] =	ssyncset.done $0x0  }
0x219: {  	s15 =	rddreg [dreg:$0x19];
	[sflag:s11] =	ssyncadd.s32 $0xFFFFE000  }
0x21a: {  	[spmem:s15] =	stream.linear.scatter [tilespmem:s10], [sflag:$0x4], $0x2000, $0x38;
	[tilespmem:$0x1D000] =	vst v63  }
0x21b: {  	_ =	swait.ge [sflag:s11], $0x2000  }
0x21c: {  	[sflag:s11] =	ssyncset.done $0x0  }
0x21d: {  	s3 =	rddreg [dreg:$0x1a];
	[sflag:s11] =	ssyncadd.s32 $0xFFFFE000  }
0x21e: {  	[spmem:s3] =	stream.linear.scatter [tilespmem:s10], [sflag:$0x4], $0x2000, $0x38;
	[tilespmem:$0x1D000] =	vst v63  }
0x21f: {  	_ =	swait.ge [sflag:s11], $0x2000  }
0x220: {  	[sflag:s11] =	ssyncset.done $0x0  }
0x221: {  	s15 =	rddreg [dreg:$0x1b];
	[sflag:s11] =	ssyncadd.s32 $0xFFFFE000  }
0x222: {  	[spmem:s15] =	stream.linear.scatter [tilespmem:s10], [sflag:$0x4], $0x2000, $0x38;
	[tilespmem:$0x1D000] =	vst v63  }
0x223: {  	_ =	swait.ge [sflag:s11], $0x2000  }
0x224: {  	[sflag:s11] =	ssyncset.done $0x0  }
0x225: {  	s3 =	rddreg [dreg:$0x1c];
	[sflag:s11] =	ssyncadd.s32 $0xFFFFE000  }
0x226: {  	[spmem:s3] =	stream.linear.scatter [tilespmem:s10], [sflag:$0x4], $0x2000, $0x38;
	[tilespmem:$0x1D000] =	vst v63  }
0x227: {  	_ =	swait.ge [sflag:s11], $0x2000  }
0x228: {  	[sflag:s11] =	ssyncset.done $0x0  }
0x229: {  	[sflag:s11] =	ssyncadd.s32 $0xFFFFE000  }
0x22a: {  	[spmem:s5] =	stream.linear.scatter [tilespmem:s10], [sflag:$0x4], $0x2000, $0x38;
	[tilespmem:$0x1D000] =	vst v63  }
0x22b: {  	_ =	swait.ge [sflag:s11], $0x2000  }
0x22c: {  	[sflag:s11] =	ssyncset.done $0x0  }
0x22d: {  	[sflag:s11] =	ssyncadd.s32 $0xFFFFE000  }
0x22e: {  	[bflag:$0x0] =	sbarrier.arrive $0xFFFF  }
0x22f: {  	s15 =	rddreg [dreg:$0xe]  }
0x230: {  	[tilespmem:s25], [sflag:$0x1] =	stream.linear.gather [hbm4b:s15+s28], $0x2000, $0x38;
	[tilespmem:$0x1D000] =	vst v63  }
0x231: {  	s3 =	sadd.s32 $0x0, s22  }
0x232: {  	[tilespmem:s10], [sflag:$0x2] =	stream.linear.gather [hbm4b:s3+s2], $0x2000, $0x38;
	[tilespmem:$0x1D000] =	vst v63  }
0x233: {  	_ =	swait.ge [sflag:s6], $0x2000  }
0x234: {  	[sflag:s6] =	ssyncset.done $0x0  }
0x235: {  	s15 =	simm.s32 $0x14000;
	[sflag:s6] =	ssyncadd.s32 $0xFFFFE000  }
0x236: {  	[spmem:s1] =	stream.indirect.scatter.add.f32 [tilespmem:s25], [sflag:$0x4], $0x80, s15, s7, $0xb8;
	[tilespmem:$0x1D000] =	vst v63  }
0x237: {  	_ =	swait.ge [sflag:s11], $0x2000  }
0x238: {  	[sflag:s11] =	ssyncset.done $0x0  }
0x239: {  	s3 =	simm.s32 $0x16800;
	[sflag:s11] =	ssyncadd.s32 $0xFFFFE000  }
0x23a: {  	[spmem:s1] =	stream.indirect.scatter.add.f32 [tilespmem:s25], [sflag:$0x4], $0x80, s3, s7, $0xb8;
	[tilespmem:$0x1D000] =	vst v63  }
0x23b: {  	_ =	swait.ge [sflag:s11], $0x2000  }
0x23c: {  	[sflag:s11] =	ssyncset.done $0x0  }
0x23d: {  	s15 =	sadd.s32 $0x0, s21;
	[sflag:s11] =	ssyncadd.s32 $0xFFFFE000  }
0x23e: {  	[tilespmem:s25], [sflag:$0x1] =	stream.linear.gather [hbm4b:s15+s2], $0x2000, $0x38;
	[tilespmem:$0x1D000] =	vst v63  }
0x23f: {  	_ =	swait.ge [sflag:s8], $0x2000  }
0x240: {  	[sflag:s8] =	ssyncset.done $0x0  }
0x241: {  	s3 =	simm.s32 $0x14080;
	[sflag:s8] =	ssyncadd.s32 $0xFFFFE000  }
0x242: {  	[spmem:s1] =	stream.indirect.scatter.add.f32 [tilespmem:s10], [sflag:$0x4], $0x80, s3, s7, $0xb8;
	[tilespmem:$0x1D000] =	vst v63  }
0x243: {  	_ =	swait.ge [sflag:s11], $0x2000  }
0x244: {  	[sflag:s11] =	ssyncset.done $0x0  }
0x245: {  	s15 =	simm.s32 $0x16880;
	[sflag:s11] =	ssyncadd.s32 $0xFFFFE000  }
0x246: {  	[spmem:s1] =	stream.indirect.scatter.add.f32 [tilespmem:s10], [sflag:$0x4], $0x80, s15, s7, $0xb8;
	[tilespmem:$0x1D000] =	vst v63  }
0x247: {  	s30 =	simm.s32 $0x800;
	s31 =	simm.s32 $0x1000;
	_ =	swait.ge [sflag:s11], $0x2000  }
0x248: {  	s29 =	simm.s32 $0x14100;
	s28 =	simm.s32 $0x16900;
	[sflag:s11] =	ssyncset.done $0x0  }
.LBB2_12:
0x249: {  	s0 =	sadd.s32 s30, s22  }
0x24a: {  	[sflag:s11] =	ssyncadd.s32 $0xFFFFE000;
	s3 =	smov.u32 s31;
	s15 =	sadd.s32 $0x800, s31  }
0x24b: {  	[tilespmem:s10], [sflag:$0x2] =	stream.linear.gather [hbm4b:s0+s2], $0x2000, $0x38;
	[tilespmem:$0x1D000] =	vst v63  }
0x24c: {  	p0 =	sne.s32 s31, $0x13000;
	_ =	swait.ge [sflag:s6], $0x2000  }
0x24d: {  	[sflag:s6] =	ssyncset.done $0x0  }
0x24e: {  	[sflag:s6] =	ssyncadd.s32 $0xFFFFE000  }
0x24f: {  	[spmem:s1] =	stream.indirect.scatter.add.f32 [tilespmem:s25], [sflag:$0x4], $0x80, s29, s7, $0xb8;
	[tilespmem:$0x1D000] =	vst v63  }
0x250: {  	_ =	swait.ge [sflag:s11], $0x2000  }
0x251: {  	[sflag:s11] =	ssyncset.done $0x0  }
0x252: {  	[sflag:s11] =	ssyncadd.s32 $0xFFFFE000  }
0x253: {  	[spmem:s1] =	stream.indirect.scatter.add.f32 [tilespmem:s25], [sflag:$0x4], $0x80, s28, s7, $0xb8;
	[tilespmem:$0x1D000] =	vst v63  }
0x254: {  	_ =	swait.ge [sflag:s11], $0x2000  }
0x255: {  	[sflag:s11] =	ssyncset.done $0x0  }
0x256: {  	s0 =	sadd.s32 s30, s21;
	s30 =	smov.u32 s3;
	[sflag:s11] =	ssyncadd.s32 $0xFFFFE000  }
0x257: {  	[tilespmem:s25], [sflag:$0x1] =	stream.linear.gather [hbm4b:s0+s2], $0x2000, $0x38;
	[tilespmem:$0x1D000] =	vst v63  }
0x258: {  	_ =	swait.ge [sflag:s8], $0x2000  }
0x259: {  	[sflag:s8] =	ssyncset.done $0x0  }
0x25a: {  	s0 =	sadd.s32 $0x80, s29;
	[sflag:s8] =	ssyncadd.s32 $0xFFFFE000  }
0x25b: {  	[spmem:s1] =	stream.indirect.scatter.add.f32 [tilespmem:s10], [sflag:$0x4], $0x80, s0, s7, $0xb8;
	[tilespmem:$0x1D000] =	vst v63  }
0x25c: {  	_ =	swait.ge [sflag:s11], $0x2000  }
.Ltmp5:
0x25d: {  	[sflag:s11] =	ssyncset.done $0x0;
	(pc) =	sbr.rel @p0 .LBB2_12-.Ltmp5, $4  }
0x25e: {  	s0 =	sadd.s32 $0x80, s28;
	[sflag:s11] =	ssyncadd.s32 $0xFFFFE000  }
0x25f: {  	[spmem:s1] =	stream.indirect.scatter.add.f32 [tilespmem:s10], [sflag:$0x4], $0x80, s0, s7, $0xb8;
	[tilespmem:$0x1D000] =	vst v63  }
0x260: {  	s31 =	smov.u32 s15;
	_ =	swait.ge [sflag:s11], $0x2000  }
0x261: {  	s29 =	sadd.s32 $0x100, s29;
	s28 =	sadd.s32 $0x100, s28;
	[sflag:s11] =	ssyncset.done $0x0  }
0x262: {  	s0 =	sadd.s32 s30, s22;
	[sflag:s11] =	ssyncadd.s32 $0xFFFFE000  }
0x263: {  	[tilespmem:s10], [sflag:$0x2] =	stream.linear.gather [hbm4b:s0+s2], $0x2000, $0x38;
	[tilespmem:$0x1D000] =	vst v63  }
0x264: {  	_ =	swait.ge [sflag:s6], $0x2000  }
0x265: {  	[sflag:s6] =	ssyncset.done $0x0  }
0x266: {  	[sflag:s6] =	ssyncadd.s32 $0xFFFFE000  }
0x267: {  	[spmem:s1] =	stream.indirect.scatter.add.f32 [tilespmem:s25], [sflag:$0x4], $0x80, s29, s7, $0xb8;
	[tilespmem:$0x1D000] =	vst v63  }
0x268: {  	_ =	swait.ge [sflag:s11], $0x2000  }
0x269: {  	[sflag:s11] =	ssyncset.done $0x0  }
0x26a: {  	[sflag:s11] =	ssyncadd.s32 $0xFFFFE000  }
0x26b: {  	[spmem:s1] =	stream.indirect.scatter.add.f32 [tilespmem:s25], [sflag:$0x4], $0x80, s28, s7, $0xb8;
	[tilespmem:$0x1D000] =	vst v63  }
0x26c: {  	_ =	swait.ge [sflag:s11], $0x2000  }
0x26d: {  	[sflag:s11] =	ssyncset.done $0x0  }
0x26e: {  	s15 =	sadd.s32 s30, s21;
	[sflag:s11] =	ssyncadd.s32 $0xFFFFE000  }
0x26f: {  	[tilespmem:s25], [sflag:$0x1] =	stream.linear.gather [hbm4b:s15+s2], $0x2000, $0x38;
	[tilespmem:$0x1D000] =	vst v63  }
0x270: {  	_ =	swait.ge [sflag:s8], $0x2000  }
0x271: {  	[sflag:s8] =	ssyncset.done $0x0  }
0x272: {  	s29 =	sadd.s32 $0x80, s29;
	[sflag:s8] =	ssyncadd.s32 $0xFFFFE000  }
0x273: {  	[spmem:s1] =	stream.indirect.scatter.add.f32 [tilespmem:s10], [sflag:$0x4], $0x80, s29, s7, $0xb8;
	[tilespmem:$0x1D000] =	vst v63  }
0x274: {  	_ =	swait.ge [sflag:s11], $0x2000  }
0x275: {  	[sflag:s11] =	ssyncset.done $0x0  }
0x276: {  	s30 =	sadd.s32 $0x80, s28;
	[sflag:s11] =	ssyncadd.s32 $0xFFFFE000  }
0x277: {  	[spmem:s1] =	stream.indirect.scatter.add.f32 [tilespmem:s10], [sflag:$0x4], $0x80, s30, s7, $0xb8;
	[tilespmem:$0x1D000] =	vst v63  }
0x278: {  	_ =	swait.ge [sflag:s11], $0x2000  }
0x279: {  	[sflag:s11] =	ssyncset.done $0x0  }
0x27a: {  	s31 =	rddreg [dreg:$0xf];
	[sflag:s11] =	ssyncadd.s32 $0xFFFFE000  }
0x27b: {  	[tilespmem:s10], [sflag:$0x2] =	stream.linear.gather [hbm4b:s31+s2], $0x2000, $0x38;
	[tilespmem:$0x1D000] =	vst v63  }
0x27c: {  	_ =	swait.ge [sflag:s6], $0x2000  }
0x27d: {  	[sflag:s6] =	ssyncset.done $0x0  }
0x27e: {  	s3 =	simm.s32 $0x16700;
	[sflag:s6] =	ssyncadd.s32 $0xFFFFE000  }
0x27f: {  	[spmem:s1] =	stream.indirect.scatter.add.f32 [tilespmem:s25], [sflag:$0x4], $0x80, s3, s7, $0xb8;
	[tilespmem:$0x1D000] =	vst v63  }
0x280: {  	_ =	swait.ge [sflag:s11], $0x2000  }
0x281: {  	[sflag:s11] =	ssyncset.done $0x0  }
0x282: {  	s15 =	simm.s32 $0x18F00;
	[sflag:s11] =	ssyncadd.s32 $0xFFFFE000  }
0x283: {  	[spmem:s1] =	stream.indirect.scatter.add.f32 [tilespmem:s25], [sflag:$0x4], $0x80, s15, s7, $0xb8;
	[tilespmem:$0x1D000] =	vst v63  }
0x284: {  	_ =	swait.ge [sflag:s11], $0x2000  }
0x285: {  	[sflag:s11] =	ssyncset.done $0x0  }
0x286: {  	[sflag:s11] =	ssyncadd.s32 $0xFFFFE000  }
0x287: {  	_ =	swait.ge [sflag:s8], $0x2000  }
0x288: {  	[sflag:s8] =	ssyncset.done $0x0  }
0x289: {  	s28 =	simm.s32 $0x16780;
	[sflag:s8] =	ssyncadd.s32 $0xFFFFE000  }
0x28a: {  	[spmem:s1] =	stream.indirect.scatter.add.f32 [tilespmem:s10], [sflag:$0x4], $0x80, s28, s7, $0xb8;
	[tilespmem:$0x1D000] =	vst v63  }
0x28b: {  	_ =	swait.ge [sflag:s11], $0x2000  }
0x28c: {  	[sflag:s11] =	ssyncset.done $0x0  }
0x28d: {  	s29 =	simm.s32 $0x18F80;
	[sflag:s11] =	ssyncadd.s32 $0xFFFFE000  }
0x28e: {  	[spmem:s1] =	stream.indirect.scatter.add.f32 [tilespmem:s10], [sflag:$0x4], $0x80, s29, s7, $0xb8;
	[tilespmem:$0x1D000] =	vst v63  }
0x28f: {  	_ =	swait.ge [sflag:s11], $0x2000  }
0x290: {  	[sflag:s11] =	ssyncset.done $0x0  }
0x291: {  	[sflag:s11] =	ssyncadd.s32 $0xFFFFE000  }
0x292: {  	[bflag:$0x0] =	sbarrier.arrive $0xFFFF  }
0x293: {  	s30 =	rddreg [dreg:$0x1f]  }
0x294: {  	[hbm:s30], [sflag:s23] =	dma.local [spmem:s26], $0x2800  }
0x295: {  	_ =	swait.ge [sflag:s11], $0x2800  }
0x296: {  	s4 =	sadd.s32 $0x1, s4;
	s31 =	rddreg [dreg:$0x14]  }
0x297: {  	p0 =	sne.s32 s4, s31  }
.Ltmp6:
0x298: {  	_ = 	snop;
	(pc) =	sbr.rel @p0 .LBB2_1-.Ltmp6, $3  }
0x299: {  	_ =	sdelay $0x1  }
0x29a: {  	[sflag:s11] =	ssyncset.done $0x0  }
0x29b: {  	[sflag:s11] =	ssyncadd.s32 $0xFFFFD800  }
0x29c: {  	_ =	sfence.sel $0x180000  }
0x29d: {  	[bflag:$0x0] =	sbarrier.arrive $0xFFFF  }
0x29e: {  	_ =	strace $0x90000047  }
0x29f: {  	s0 =	stileid.u32;
	[bflag:$0x2] =	sbarrier.arrive $0xFFFF  }
0x2a0: {  	p0 =	sne.s32 s0, $0x0;
	s0 =	rddreg [dreg:$0x9]  }
0x2a1: {  	s0 =	sadd.s32 @!p0 $0x100000, s0  }
0x2a2: {  	[sflag:s0] =	ssyncadd.tile.s32 @!p0 $0x1;
	_ =	shalt  }
.Lfunc_end2:
_tile_overlayer_lowered:
.L_overlay_start_2:
0x2a3: {  	(tag) =	ssettag $0x2  }
0x2a4: {  	s0 =	rddreg [dreg:$0x0];
	s2 =	stileid.u32  }
0x2a5: {  	s1 =	rddreg [dreg:$0x1];
	p0 =	sne.s32 s2, $0x0  }
0x2a6: {  	s3 =	rddreg [dreg:$0x2];
	[bflag:$0x3] =	sbarrier.arrive $0xFFFF;
	s2 =	simm.s32 @!p0 $0x1C04  }
0x2a7: {  	[timem:s3], [sflag:s2] =	dma.local @!p0 [hbm:s0], s1  }
0x2a8: {  	s0 =	simm.s32 @!p0 $0x4  }
0x2a9: {  	_ =	swait.ge @!p0 [sflag:s0], s1  }
0x2aa: {  	s1 =	ssub.s32 @!p0 $0x0, s1;
	[sflag:s0] =	ssyncset.done @!p0 $0x0  }
0x2ab: {  	[sflag:s0] =	ssyncadd.s32 @!p0 s1  }
0x2ac: {  	[bflag:$0x3] =	sbarrier.arrive $0xFFFF  }
0x2ad: {  	_ =	shalt  }

</sc_bundles>
